<compile_context>
chip_gen: v7x
topology: tpu7x:2x2x1
jax: 0.10.2.dev20260603
libtpu: 0.0.44.dev20260713+nightly
codegen_flags: <defaults>
</compile_context>

<pallas_src>
import functools

import jax
import jax.numpy as jnp
from jax import lax
from jax.experimental import pallas as pl
from jax.experimental.pallas import tpu as pltpu
from jax.experimental.pallas import tpu_sc as plsc

BATCH = 16384
HIST = 50
EMBED_DIM = 32
TOTAL = BATCH * HIST
NUM_WORKERS = 32
PER_WORKER = TOTAL // NUM_WORKERS
SUPER = 128
TABLE_SUPER = 1000000 * EMBED_DIM // SUPER
CHUNK = 128
NUM_CHUNKS = PER_WORKER // CHUNK
GROUPS = CHUNK // 16
OUT_COLS = 128
OUT_ROWS = TOTAL * EMBED_DIM // OUT_COLS
OUT_PER_CHUNK = CHUNK * EMBED_DIM // OUT_COLS

_mesh = plsc.VectorSubcoreMesh(core_axis_name="c", subcore_axis_name="s")


@functools.partial(
    pl.kernel,
    out_type=jax.ShapeDtypeStruct((OUT_ROWS, OUT_COLS), jnp.float32),
    mesh=_mesh,
    scratch_types=[
        pltpu.VMEM((2, CHUNK), jnp.int32),
        pltpu.VMEM((2, CHUNK), jnp.int32),
        pltpu.VMEM((2, CHUNK), jnp.int32),
        pltpu.VMEM((2, CHUNK, SUPER), jnp.float32),
        pltpu.VMEM((2, OUT_PER_CHUNK, OUT_COLS), jnp.float32),
        pltpu.SemaphoreType.DMA,
        pltpu.SemaphoreType.DMA,
        pltpu.SemaphoreType.DMA,
    ],
)
def _emb_lookup(idx_hbm, w128_hbm, out_hbm, idxc_v, sidx_v, offv_v, super_v,
                out_v, isem, gsem, wsem):
    cid = lax.axis_index("c")
    sid = lax.axis_index("s")
    wid = sid * 2 + cid
    obase = wid * (PER_WORKER * EMBED_DIM // OUT_COLS)

    def start_idx(c, b):
        pltpu.async_copy(idx_hbm.at[wid, pl.ds(c * CHUNK, CHUNK)],
                         idxc_v.at[b], isem)

    def wait_idx(b):
        pltpu.make_async_copy(idx_hbm.at[wid, pl.ds(0, CHUNK)],
                              idxc_v.at[b], isem).wait()

    def prep_and_fire(b):
        for g in range(GROUPS):
            v = idxc_v[b, pl.ds(g * 16, 16)]
            sidx_v[b, pl.ds(g * 16, 16)] = lax.shift_right_logical(v, 2)
            offv_v[b, pl.ds(g * 16, 16)] = (v & 3) * EMBED_DIM
        pltpu.async_copy(w128_hbm.at[sidx_v.at[b]], super_v.at[b], gsem)

    def wait_gather(b):
        pltpu.make_async_copy(w128_hbm.at[pl.ds(0, CHUNK)],
                              super_v.at[b], gsem).wait()

    def wait_write(b):
        pltpu.make_async_copy(out_v.at[b],
                              out_hbm.at[pl.ds(0, OUT_PER_CHUNK)],
                              wsem).wait()

    def extract(b):
        def group_body(g2, carry):
            offv = offv_v[b, pl.ds(g2 * 16, 16)]
            for k2 in range(16):
                off = offv[k2]
                row = g2 * 16 + k2
                orow = g2 * 4 + k2 // 4
                ocol = (k2 % 4) * EMBED_DIM
                out_v[b, orow, pl.ds(ocol, 16)] = (
                    super_v[b, row, pl.ds(off, 16)])
                out_v[b, orow, pl.ds(ocol + 16, 16)] = (
                    super_v[b, row, pl.ds(off + 16, 16)])
            return carry
        lax.fori_loop(0, GROUPS, group_body, 0)

    def start_write(c, b):
        pltpu.async_copy(
            out_v.at[b],
            out_hbm.at[pl.ds(obase + c * OUT_PER_CHUNK, OUT_PER_CHUNK)],
            wsem)

    start_idx(0, 0)
    start_idx(1, 1)
    wait_idx(0)
    prep_and_fire(0)

    def pair_body(p, carry):
        for sub in range(2):
            c = 2 * p + sub
            b = sub
            nb = 1 - sub

            @pl.when(c + 1 < NUM_CHUNKS)
            def _():
                wait_idx(nb)
                prep_and_fire(nb)

            @pl.when(c + 2 < NUM_CHUNKS)
            def _():
                start_idx(c + 2, b)

            wait_gather(b)

            @pl.when(c >= 2)
            def _():
                wait_write(b)

            extract(b)
            start_write(c, b)
        return carry

    lax.fori_loop(0, NUM_CHUNKS // 2, pair_body, 0)

    wait_write(0)
    wait_write(1)


def kernel(inputs, weight):
    idx = inputs.reshape(NUM_WORKERS, PER_WORKER).astype(jnp.int32)
    w128 = weight.reshape(TABLE_SUPER, SUPER)
    out = _emb_lookup(idx, w128)
    return out.reshape(BATCH, HIST, EMBED_DIM)

# --- scband reference (transcript-rebuilt; emitter-appended) ---
"""Pipeline reference for scband-embedding-82944408420558 (READ-ONLY COPY).

The authoritative reference and input builder live on the scoring server;
editing this copy changes nothing except your own understanding.
"""

import jax, jax.numpy as jnp
import numpy as np

VOCAB = 1000000
EMBED_DIM = 32
BATCH = 16384
HIST = 50

def setup_inputs(seed: int = 0) -> dict:
    key = jax.random.key(seed)
    k_idx, k_w = jax.random.split(key)
    inputs = jax.random.randint(k_idx, (BATCH, HIST), 0, VOCAB, dtype=jnp.int64 if jax.config.jax_enable_x64 else jnp.int32)
    weight = jax.random.normal(k_w, (VOCAB, EMBED_DIM), dtype=jnp.float32)
    return {"inputs": inputs, "weight": weight}

def reference(inputs, weight):
    # nn.Embedding forward: gather rows of the embedding table.
    # num_emb is falsy and numbers is None, so the plain embedding path runs.
    emb = jnp.take(weight, inputs, axis=0)
    return emb

if __name__ == "__main__":
    import jax
    _d = setup_inputs()
    print(jax.jit(kernel)(*tuple(_d.values())))

</pallas_src>

<mosaic_0001>
#map = affine_map<(d0, d1) -> (0, 0)>
module attributes {stable_mosaic.version = 14 : i64} {
  func.func @_emb_lookup(%arg0: i32, %arg1: i32, %arg2: memref<32x25600xi32, #tpu.memory_space<hbm>>, %arg3: memref<250000x128xf32, #tpu.memory_space<hbm>>, %arg4: memref<204800x128xf32, #tpu.memory_space<hbm>>, %arg5: memref<2x128xi32, #tpu.memory_space<vmem>>, %arg6: memref<2x128xi32, #tpu.memory_space<vmem>>, %arg7: memref<2x128xi32, #tpu.memory_space<vmem>>, %arg8: memref<2x128x128xf32, #tpu.memory_space<vmem>>, %arg9: memref<2x32x128xf32, #tpu.memory_space<vmem>>, %arg10: memref<!tpu.dma_semaphore, #tpu.memory_space<semaphore_mem>>, %arg11: memref<!tpu.dma_semaphore, #tpu.memory_space<semaphore_mem>>, %arg12: memref<!tpu.dma_semaphore, #tpu.memory_space<semaphore_mem>>) attributes {dimension_semantics = [#tpu.dimension_semantics<core_parallel>, #tpu.dimension_semantics<subcore_parallel>], iteration_bounds = array<i64: 2, 16>, scalar_prefetch = 0 : i64, scratch_operands = 8 : i64, tpu.core_type = #tpu.core_type<sc_vector_subcore>, window_params = [{transform_indices = #map}, {transform_indices = #map}, {transform_indices = #map}]} {
    %mul3A = arith.constant 2 : i32
    %mul3A_0 = arith.muli %arg1, %mul3A : i32
    %add3A = arith.addi %mul3A_0, %arg0 : i32
    %mul3A_1 = arith.constant 6400 : i32
    %mul3A_2 = arith.muli %add3A, %mul3A_1 : i32
    %dma_start3A = arith.constant 0 : i32
    %dma_start3A_3 = arith.constant 0 : i32
    %dma_start3A_4 = tpu.memref_slice %arg5[%dma_start3A, %dma_start3A_3] : memref<2x128xi32, #tpu.memory_space<vmem>> -> memref<1x128xi32, #tpu.memory_space<vmem>>
    %dma_start3A_5 = tpu.memref_squeeze %dma_start3A_4 : memref<1x128xi32, #tpu.memory_space<vmem>> -> memref<128xi32, #tpu.memory_space<vmem>>
    %dma_start3A_6 = arith.constant 0 : i32
    %dma_start3A_7 = tpu.memref_slice %arg2[%add3A, %dma_start3A_6] : memref<32x25600xi32, #tpu.memory_space<hbm>> -> memref<1x128xi32, #tpu.memory_space<hbm>>
    %dma_start3A_8 = tpu.memref_squeeze %dma_start3A_7 : memref<1x128xi32, #tpu.memory_space<hbm>> -> memref<128xi32, #tpu.memory_space<hbm>>
    %dma_start3A_9 = arith.constant 0 : i32
    %dma_start3A_10 = tpu.memref_slice %arg5[%dma_start3A, %dma_start3A_9] : memref<2x128xi32, #tpu.memory_space<vmem>> -> memref<1x128xi32, #tpu.memory_space<vmem>>
    %dma_start3A_11 = tpu.memref_squeeze %dma_start3A_10 : memref<1x128xi32, #tpu.memory_space<vmem>> -> memref<128xi32, #tpu.memory_space<vmem>>
    %dma_start3A_12 = arith.constant 0 : i32
    %dma_start3A_13 = tpu.memref_slice %arg2[%add3A, %dma_start3A_12] : memref<32x25600xi32, #tpu.memory_space<hbm>> -> memref<1x128xi32, #tpu.memory_space<hbm>>
    %dma_start3A_14 = tpu.memref_squeeze %dma_start3A_13 : memref<1x128xi32, #tpu.memory_space<hbm>> -> memref<128xi32, #tpu.memory_space<hbm>>
    tpu.enqueue_dma source(%dma_start3A_14 : memref<128xi32, #tpu.memory_space<hbm>>) target(%dma_start3A_11 : memref<128xi32, #tpu.memory_space<vmem>>) target_semaphore(%arg10 : memref<!tpu.dma_semaphore, #tpu.memory_space<semaphore_mem>>)
    %dma_start3A_15 = arith.constant 1 : i32
    %dma_start3A_16 = arith.constant 0 : i32
    %dma_start3A_17 = tpu.memref_slice %arg5[%dma_start3A_15, %dma_start3A_16] : memref<2x128xi32, #tpu.memory_space<vmem>> -> memref<1x128xi32, #tpu.memory_space<vmem>>
    %dma_start3A_18 = tpu.memref_squeeze %dma_start3A_17 : memref<1x128xi32, #tpu.memory_space<vmem>> -> memref<128xi32, #tpu.memory_space<vmem>>
    %dma_start3A_19 = arith.constant 128 : i32
    %dma_start3A_20 = tpu.memref_slice %arg2[%add3A, %dma_start3A_19] : memref<32x25600xi32, #tpu.memory_space<hbm>> -> memref<1x128xi32, #tpu.memory_space<hbm>>
    %dma_start3A_21 = tpu.memref_squeeze %dma_start3A_20 : memref<1x128xi32, #tpu.memory_space<hbm>> -> memref<128xi32, #tpu.memory_space<hbm>>
    %dma_start3A_22 = arith.constant 0 : i32
    %dma_start3A_23 = tpu.memref_slice %arg5[%dma_start3A_15, %dma_start3A_22] : memref<2x128xi32, #tpu.memory_space<vmem>> -> memref<1x128xi32, #tpu.memory_space<vmem>>
    %dma_start3A_24 = tpu.memref_squeeze %dma_start3A_23 : memref<1x128xi32, #tpu.memory_space<vmem>> -> memref<128xi32, #tpu.memory_space<vmem>>
    %dma_start3A_25 = arith.constant 128 : i32
    %dma_start3A_26 = tpu.memref_slice %arg2[%add3A, %dma_start3A_25] : memref<32x25600xi32, #tpu.memory_space<hbm>> -> memref<1x128xi32, #tpu.memory_space<hbm>>
    %dma_start3A_27 = tpu.memref_squeeze %dma_start3A_26 : memref<1x128xi32, #tpu.memory_space<hbm>> -> memref<128xi32, #tpu.memory_space<hbm>>
    tpu.enqueue_dma source(%dma_start3A_27 : memref<128xi32, #tpu.memory_space<hbm>>) target(%dma_start3A_24 : memref<128xi32, #tpu.memory_space<vmem>>) target_semaphore(%arg10 : memref<!tpu.dma_semaphore, #tpu.memory_space<semaphore_mem>>)
    %dma_wait3A = arith.constant 0 : i32
    %dma_wait3A_28 = arith.constant 0 : i32
    %dma_wait3A_29 = tpu.memref_slice %arg5[%dma_wait3A, %dma_wait3A_28] : memref<2x128xi32, #tpu.memory_space<vmem>> -> memref<1x128xi32, #tpu.memory_space<vmem>>
    %dma_wait3A_30 = tpu.memref_squeeze %dma_wait3A_29 : memref<1x128xi32, #tpu.memory_space<vmem>> -> memref<128xi32, #tpu.memory_space<vmem>>
    %dma_wait3A_31 = arith.constant 0 : i32
    %dma_wait3A_32 = tpu.memref_slice %arg2[%add3A, %dma_wait3A_31] : memref<32x25600xi32, #tpu.memory_space<hbm>> -> memref<1x128xi32, #tpu.memory_space<hbm>>
    %dma_wait3A_33 = tpu.memref_squeeze %dma_wait3A_32 : memref<1x128xi32, #tpu.memory_space<hbm>> -> memref<128xi32, #tpu.memory_space<hbm>>
    %dma_wait3A_34 = arith.constant 0 : i32
    %dma_wait3A_35 = tpu.memref_slice %arg5[%dma_wait3A, %dma_wait3A_34] : memref<2x128xi32, #tpu.memory_space<vmem>> -> memref<1x128xi32, #tpu.memory_space<vmem>>
    %dma_wait3A_36 = tpu.memref_squeeze %dma_wait3A_35 : memref<1x128xi32, #tpu.memory_space<vmem>> -> memref<128xi32, #tpu.memory_space<vmem>>
    %dma_wait3A_37 = arith.constant 0 : i32
    %dma_wait3A_38 = tpu.memref_slice %arg2[%add3A, %dma_wait3A_37] : memref<32x25600xi32, #tpu.memory_space<hbm>> -> memref<1x128xi32, #tpu.memory_space<hbm>>
    %dma_wait3A_39 = tpu.memref_squeeze %dma_wait3A_38 : memref<1x128xi32, #tpu.memory_space<hbm>> -> memref<128xi32, #tpu.memory_space<hbm>>
    tpu.wait_dma2 semaphore(%arg10 : memref<!tpu.dma_semaphore, #tpu.memory_space<semaphore_mem>>) src(%dma_wait3A_39 : memref<128xi32, #tpu.memory_space<hbm>>) dst(%dma_wait3A_36 : memref<128xi32, #tpu.memory_space<vmem>>)
    %get3A = arith.constant 0 : i32
    %get3A_40 = arith.index_cast %get3A : i32 to index
    %get3A_41 = arith.constant 0 : index
    %get3A_42 = tpu.vector_load %arg5[%get3A_40, %get3A_41] {strides = array<i32>} : memref<2x128xi32, #tpu.memory_space<vmem>>, vector<1x16xi32>,
    %get3A_43 = vector.shape_cast %get3A_42 : vector<1x16xi32> to vector<16xi32>
    %shift_right_logical3A = arith.constant 2 : i32
    %shift_right_logical3A_44 = vector.broadcast %shift_right_logical3A : i32 to vector<16xi32>
    %shift_right_logical3A_45 = arith.shrui %get3A_43, %shift_right_logical3A_44 : vector<16xi32>
    %swap3A = arith.constant 0 : i32
    %swap3A_46 = arith.index_cast %swap3A : i32 to index
    %swap3A_47 = arith.constant 0 : index
    %swap3A_48 = tpu.vector_load %arg6[%swap3A_46, %swap3A_47] {strides = array<i32>} : memref<2x128xi32, #tpu.memory_space<vmem>>, vector<1x16xi32>,
    %swap3A_49 = vector.shape_cast %swap3A_48 : vector<1x16xi32> to vector<16xi32>
    %swap3A_50 = vector.shape_cast %shift_right_logical3A_45 : vector<16xi32> to vector<1x16xi32>
    tpu.vector_store %arg6[%swap3A_46, %swap3A_47], %swap3A_50 {strides = array<i32>} : memref<2x128xi32, #tpu.memory_space<vmem>>, vector<1x16xi32>,
    %and3A = arith.constant 3 : i32
    %and3A_51 = vector.broadcast %and3A : i32 to vector<16xi32>
    %and3A_52 = arith.andi %get3A_43, %and3A_51 : vector<16xi32>
    %mul3A_53 = arith.constant 32 : i32
    %mul3A_54 = vector.broadcast %mul3A_53 : i32 to vector<16xi32>
    %mul3A_55 = arith.muli %and3A_52, %mul3A_54 : vector<16xi32>
    %swap3A_56 = arith.constant 0 : i32
    %swap3A_57 = arith.index_cast %swap3A_56 : i32 to index
    %swap3A_58 = arith.constant 0 : index
    %swap3A_59 = tpu.vector_load %arg7[%swap3A_57, %swap3A_58] {strides = array<i32>} : memref<2x128xi32, #tpu.memory_space<vmem>>, vector<1x16xi32>,
    %swap3A_60 = vector.shape_cast %swap3A_59 : vector<1x16xi32> to vector<16xi32>
    %swap3A_61 = vector.shape_cast %mul3A_55 : vector<16xi32> to vector<1x16xi32>
    tpu.vector_store %arg7[%swap3A_57, %swap3A_58], %swap3A_61 {strides = array<i32>} : memref<2x128xi32, #tpu.memory_space<vmem>>, vector<1x16xi32>,
    %get3A_62 = arith.constant 0 : i32
    %get3A_63 = arith.index_cast %get3A_62 : i32 to index
    %get3A_64 = arith.constant 16 : index
    %get3A_65 = tpu.vector_load %arg5[%get3A_63, %get3A_64] {strides = array<i32>} : memref<2x128xi32, #tpu.memory_space<vmem>>, vector<1x16xi32>,
    %get3A_66 = vector.shape_cast %get3A_65 : vector<1x16xi32> to vector<16xi32>
    %shift_right_logical3A_67 = arith.constant 2 : i32
    %shift_right_logical3A_68 = vector.broadcast %shift_right_logical3A_67 : i32 to vector<16xi32>
    %shift_right_logical3A_69 = arith.shrui %get3A_66, %shift_right_logical3A_68 : vector<16xi32>
    %swap3A_70 = arith.constant 0 : i32
    %swap3A_71 = arith.index_cast %swap3A_70 : i32 to index
    %swap3A_72 = arith.constant 16 : index
    %swap3A_73 = tpu.vector_load %arg6[%swap3A_71, %swap3A_72] {strides = array<i32>} : memref<2x128xi32, #tpu.memory_space<vmem>>, vector<1x16xi32>,
    %swap3A_74 = vector.shape_cast %swap3A_73 : vector<1x16xi32> to vector<16xi32>
    %swap3A_75 = vector.shape_cast %shift_right_logical3A_69 : vector<16xi32> to vector<1x16xi32>
    tpu.vector_store %arg6[%swap3A_71, %swap3A_72], %swap3A_75 {strides = array<i32>} : memref<2x128xi32, #tpu.memory_space<vmem>>, vector<1x16xi32>,
    %and3A_76 = arith.constant 3 : i32
    %and3A_77 = vector.broadcast %and3A_76 : i32 to vector<16xi32>
    %and3A_78 = arith.andi %get3A_66, %and3A_77 : vector<16xi32>
    %mul3A_79 = arith.constant 32 : i32
    %mul3A_80 = vector.broadcast %mul3A_79 : i32 to vector<16xi32>
    %mul3A_81 = arith.muli %and3A_78, %mul3A_80 : vector<16xi32>
    %swap3A_82 = arith.constant 0 : i32
    %swap3A_83 = arith.index_cast %swap3A_82 : i32 to index
    %swap3A_84 = arith.constant 16 : index
    %swap3A_85 = tpu.vector_load %arg7[%swap3A_83, %swap3A_84] {strides = array<i32>} : memref<2x128xi32, #tpu.memory_space<vmem>>, vector<1x16xi32>,
    %swap3A_86 = vector.shape_cast %swap3A_85 : vector<1x16xi32> to vector<16xi32>
    %swap3A_87 = vector.shape_cast %mul3A_81 : vector<16xi32> to vector<1x16xi32>
    tpu.vector_store %arg7[%swap3A_83, %swap3A_84], %swap3A_87 {strides = array<i32>} : memref<2x128xi32, #tpu.memory_space<vmem>>, vector<1x16xi32>,
    %get3A_88 = arith.constant 0 : i32
    %get3A_89 = arith.index_cast %get3A_88 : i32 to index
    %get3A_90 = arith.constant 32 : index
    %get3A_91 = tpu.vector_load %arg5[%get3A_89, %get3A_90] {strides = array<i32>} : memref<2x128xi32, #tpu.memory_space<vmem>>, vector<1x16xi32>,
    %get3A_92 = vector.shape_cast %get3A_91 : vector<1x16xi32> to vector<16xi32>
    %shift_right_logical3A_93 = arith.constant 2 : i32
    %shift_right_logical3A_94 = vector.broadcast %shift_right_logical3A_93 : i32 to vector<16xi32>
    %shift_right_logical3A_95 = arith.shrui %get3A_92, %shift_right_logical3A_94 : vector<16xi32>
    %swap3A_96 = arith.constant 0 : i32
    %swap3A_97 = arith.index_cast %swap3A_96 : i32 to index
    %swap3A_98 = arith.constant 32 : index
    %swap3A_99 = tpu.vector_load %arg6[%swap3A_97, %swap3A_98] {strides = array<i32>} : memref<2x128xi32, #tpu.memory_space<vmem>>, vector<1x16xi32>,
    %swap3A_100 = vector.shape_cast %swap3A_99 : vector<1x16xi32> to vector<16xi32>
    %swap3A_101 = vector.shape_cast %shift_right_logical3A_95 : vector<16xi32> to vector<1x16xi32>
    tpu.vector_store %arg6[%swap3A_97, %swap3A_98], %swap3A_101 {strides = array<i32>} : memref<2x128xi32, #tpu.memory_space<vmem>>, vector<1x16xi32>,
    %and3A_102 = arith.constant 3 : i32
    %and3A_103 = vector.broadcast %and3A_102 : i32 to vector<16xi32>
    %and3A_104 = arith.andi %get3A_92, %and3A_103 : vector<16xi32>
    %mul3A_105 = arith.constant 32 : i32
    %mul3A_106 = vector.broadcast %mul3A_105 : i32 to vector<16xi32>
    %mul3A_107 = arith.muli %and3A_104, %mul3A_106 : vector<16xi32>
    %swap3A_108 = arith.constant 0 : i32
    %swap3A_109 = arith.index_cast %swap3A_108 : i32 to index
    %swap3A_110 = arith.constant 32 : index
    %swap3A_111 = tpu.vector_load %arg7[%swap3A_109, %swap3A_110] {strides = array<i32>} : memref<2x128xi32, #tpu.memory_space<vmem>>, vector<1x16xi32>,
    %swap3A_112 = vector.shape_cast %swap3A_111 : vector<1x16xi32> to vector<16xi32>
    %swap3A_113 = vector.shape_cast %mul3A_107 : vector<16xi32> to vector<1x16xi32>
    tpu.vector_store %arg7[%swap3A_109, %swap3A_110], %swap3A_113 {strides = array<i32>} : memref<2x128xi32, #tpu.memory_space<vmem>>, vector<1x16xi32>,
    %get3A_114 = arith.constant 0 : i32
    %get3A_115 = arith.index_cast %get3A_114 : i32 to index
    %get3A_116 = arith.constant 48 : index
    %get3A_117 = tpu.vector_load %arg5[%get3A_115, %get3A_116] {strides = array<i32>} : memref<2x128xi32, #tpu.memory_space<vmem>>, vector<1x16xi32>,
    %get3A_118 = vector.shape_cast %get3A_117 : vector<1x16xi32> to vector<16xi32>
    %shift_right_logical3A_119 = arith.constant 2 : i32
    %shift_right_logical3A_120 = vector.broadcast %shift_right_logical3A_119 : i32 to vector<16xi32>
    %shift_right_logical3A_121 = arith.shrui %get3A_118, %shift_right_logical3A_120 : vector<16xi32>
    %swap3A_122 = arith.constant 0 : i32
    %swap3A_123 = arith.index_cast %swap3A_122 : i32 to index
    %swap3A_124 = arith.constant 48 : index
    %swap3A_125 = tpu.vector_load %arg6[%swap3A_123, %swap3A_124] {strides = array<i32>} : memref<2x128xi32, #tpu.memory_space<vmem>>, vector<1x16xi32>,
    %swap3A_126 = vector.shape_cast %swap3A_125 : vector<1x16xi32> to vector<16xi32>
    %swap3A_127 = vector.shape_cast %shift_right_logical3A_121 : vector<16xi32> to vector<1x16xi32>
    tpu.vector_store %arg6[%swap3A_123, %swap3A_124], %swap3A_127 {strides = array<i32>} : memref<2x128xi32, #tpu.memory_space<vmem>>, vector<1x16xi32>,
    %and3A_128 = arith.constant 3 : i32
    %and3A_129 = vector.broadcast %and3A_128 : i32 to vector<16xi32>
    %and3A_130 = arith.andi %get3A_118, %and3A_129 : vector<16xi32>
    %mul3A_131 = arith.constant 32 : i32
    %mul3A_132 = vector.broadcast %mul3A_131 : i32 to vector<16xi32>
    %mul3A_133 = arith.muli %and3A_130, %mul3A_132 : vector<16xi32>
    %swap3A_134 = arith.constant 0 : i32
    %swap3A_135 = arith.index_cast %swap3A_134 : i32 to index
    %swap3A_136 = arith.constant 48 : index
    %swap3A_137 = tpu.vector_load %arg7[%swap3A_135, %swap3A_136] {strides = array<i32>} : memref<2x128xi32, #tpu.memory_space<vmem>>, vector<1x16xi32>,
    %swap3A_138 = vector.shape_cast %swap3A_137 : vector<1x16xi32> to vector<16xi32>
    %swap3A_139 = vector.shape_cast %mul3A_133 : vector<16xi32> to vector<1x16xi32>
    tpu.vector_store %arg7[%swap3A_135, %swap3A_136], %swap3A_139 {strides = array<i32>} : memref<2x128xi32, #tpu.memory_space<vmem>>, vector<1x16xi32>,
    %get3A_140 = arith.constant 0 : i32
    %get3A_141 = arith.index_cast %get3A_140 : i32 to index
    %get3A_142 = arith.constant 64 : index
    %get3A_143 = tpu.vector_load %arg5[%get3A_141, %get3A_142] {strides = array<i32>} : memref<2x128xi32, #tpu.memory_space<vmem>>, vector<1x16xi32>,
    %get3A_144 = vector.shape_cast %get3A_143 : vector<1x16xi32> to vector<16xi32>
    %shift_right_logical3A_145 = arith.constant 2 : i32
    %shift_right_logical3A_146 = vector.broadcast %shift_right_logical3A_145 : i32 to vector<16xi32>
    %shift_right_logical3A_147 = arith.shrui %get3A_144, %shift_right_logical3A_146 : vector<16xi32>
    %swap3A_148 = arith.constant 0 : i32
    %swap3A_149 = arith.index_cast %swap3A_148 : i32 to index
    %swap3A_150 = arith.constant 64 : index
    %swap3A_151 = tpu.vector_load %arg6[%swap3A_149, %swap3A_150] {strides = array<i32>} : memref<2x128xi32, #tpu.memory_space<vmem>>, vector<1x16xi32>,
    %swap3A_152 = vector.shape_cast %swap3A_151 : vector<1x16xi32> to vector<16xi32>
    %swap3A_153 = vector.shape_cast %shift_right_logical3A_147 : vector<16xi32> to vector<1x16xi32>
    tpu.vector_store %arg6[%swap3A_149, %swap3A_150], %swap3A_153 {strides = array<i32>} : memref<2x128xi32, #tpu.memory_space<vmem>>, vector<1x16xi32>,
    %and3A_154 = arith.constant 3 : i32
    %and3A_155 = vector.broadcast %and3A_154 : i32 to vector<16xi32>
    %and3A_156 = arith.andi %get3A_144, %and3A_155 : vector<16xi32>
    %mul3A_157 = arith.constant 32 : i32
    %mul3A_158 = vector.broadcast %mul3A_157 : i32 to vector<16xi32>
    %mul3A_159 = arith.muli %and3A_156, %mul3A_158 : vector<16xi32>
    %swap3A_160 = arith.constant 0 : i32
    %swap3A_161 = arith.index_cast %swap3A_160 : i32 to index
    %swap3A_162 = arith.constant 64 : index
    %swap3A_163 = tpu.vector_load %arg7[%swap3A_161, %swap3A_162] {strides = array<i32>} : memref<2x128xi32, #tpu.memory_space<vmem>>, vector<1x16xi32>,
    %swap3A_164 = vector.shape_cast %swap3A_163 : vector<1x16xi32> to vector<16xi32>
    %swap3A_165 = vector.shape_cast %mul3A_159 : vector<16xi32> to vector<1x16xi32>
    tpu.vector_store %arg7[%swap3A_161, %swap3A_162], %swap3A_165 {strides = array<i32>} : memref<2x128xi32, #tpu.memory_space<vmem>>, vector<1x16xi32>,
    %get3A_166 = arith.constant 0 : i32
    %get3A_167 = arith.index_cast %get3A_166 : i32 to index
    %get3A_168 = arith.constant 80 : index
    %get3A_169 = tpu.vector_load %arg5[%get3A_167, %get3A_168] {strides = array<i32>} : memref<2x128xi32, #tpu.memory_space<vmem>>, vector<1x16xi32>,
    %get3A_170 = vector.shape_cast %get3A_169 : vector<1x16xi32> to vector<16xi32>
    %shift_right_logical3A_171 = arith.constant 2 : i32
    %shift_right_logical3A_172 = vector.broadcast %shift_right_logical3A_171 : i32 to vector<16xi32>
    %shift_right_logical3A_173 = arith.shrui %get3A_170, %shift_right_logical3A_172 : vector<16xi32>
    %swap3A_174 = arith.constant 0 : i32
    %swap3A_175 = arith.index_cast %swap3A_174 : i32 to index
    %swap3A_176 = arith.constant 80 : index
    %swap3A_177 = tpu.vector_load %arg6[%swap3A_175, %swap3A_176] {strides = array<i32>} : memref<2x128xi32, #tpu.memory_space<vmem>>, vector<1x16xi32>,
    %swap3A_178 = vector.shape_cast %swap3A_177 : vector<1x16xi32> to vector<16xi32>
    %swap3A_179 = vector.shape_cast %shift_right_logical3A_173 : vector<16xi32> to vector<1x16xi32>
    tpu.vector_store %arg6[%swap3A_175, %swap3A_176], %swap3A_179 {strides = array<i32>} : memref<2x128xi32, #tpu.memory_space<vmem>>, vector<1x16xi32>,
    %and3A_180 = arith.constant 3 : i32
    %and3A_181 = vector.broadcast %and3A_180 : i32 to vector<16xi32>
    %and3A_182 = arith.andi %get3A_170, %and3A_181 : vector<16xi32>
    %mul3A_183 = arith.constant 32 : i32
    %mul3A_184 = vector.broadcast %mul3A_183 : i32 to vector<16xi32>
    %mul3A_185 = arith.muli %and3A_182, %mul3A_184 : vector<16xi32>
    %swap3A_186 = arith.constant 0 : i32
    %swap3A_187 = arith.index_cast %swap3A_186 : i32 to index
    %swap3A_188 = arith.constant 80 : index
    %swap3A_189 = tpu.vector_load %arg7[%swap3A_187, %swap3A_188] {strides = array<i32>} : memref<2x128xi32, #tpu.memory_space<vmem>>, vector<1x16xi32>,
    %swap3A_190 = vector.shape_cast %swap3A_189 : vector<1x16xi32> to vector<16xi32>
    %swap3A_191 = vector.shape_cast %mul3A_185 : vector<16xi32> to vector<1x16xi32>
    tpu.vector_store %arg7[%swap3A_187, %swap3A_188], %swap3A_191 {strides = array<i32>} : memref<2x128xi32, #tpu.memory_space<vmem>>, vector<1x16xi32>,
    %get3A_192 = arith.constant 0 : i32
    %get3A_193 = arith.index_cast %get3A_192 : i32 to index
    %get3A_194 = arith.constant 96 : index
    %get3A_195 = tpu.vector_load %arg5[%get3A_193, %get3A_194] {strides = array<i32>} : memref<2x128xi32, #tpu.memory_space<vmem>>, vector<1x16xi32>,
    %get3A_196 = vector.shape_cast %get3A_195 : vector<1x16xi32> to vector<16xi32>
    %shift_right_logical3A_197 = arith.constant 2 : i32
    %shift_right_logical3A_198 = vector.broadcast %shift_right_logical3A_197 : i32 to vector<16xi32>
    %shift_right_logical3A_199 = arith.shrui %get3A_196, %shift_right_logical3A_198 : vector<16xi32>
    %swap3A_200 = arith.constant 0 : i32
    %swap3A_201 = arith.index_cast %swap3A_200 : i32 to index
    %swap3A_202 = arith.constant 96 : index
    %swap3A_203 = tpu.vector_load %arg6[%swap3A_201, %swap3A_202] {strides = array<i32>} : memref<2x128xi32, #tpu.memory_space<vmem>>, vector<1x16xi32>,
    %swap3A_204 = vector.shape_cast %swap3A_203 : vector<1x16xi32> to vector<16xi32>
    %swap3A_205 = vector.shape_cast %shift_right_logical3A_199 : vector<16xi32> to vector<1x16xi32>
    tpu.vector_store %arg6[%swap3A_201, %swap3A_202], %swap3A_205 {strides = array<i32>} : memref<2x128xi32, #tpu.memory_space<vmem>>, vector<1x16xi32>,
    %and3A_206 = arith.constant 3 : i32
    %and3A_207 = vector.broadcast %and3A_206 : i32 to vector<16xi32>
    %and3A_208 = arith.andi %get3A_196, %and3A_207 : vector<16xi32>
    %mul3A_209 = arith.constant 32 : i32
    %mul3A_210 = vector.broadcast %mul3A_209 : i32 to vector<16xi32>
    %mul3A_211 = arith.muli %and3A_208, %mul3A_210 : vector<16xi32>
    %swap3A_212 = arith.constant 0 : i32
    %swap3A_213 = arith.index_cast %swap3A_212 : i32 to index
    %swap3A_214 = arith.constant 96 : index
    %swap3A_215 = tpu.vector_load %arg7[%swap3A_213, %swap3A_214] {strides = array<i32>} : memref<2x128xi32, #tpu.memory_space<vmem>>, vector<1x16xi32>,
    %swap3A_216 = vector.shape_cast %swap3A_215 : vector<1x16xi32> to vector<16xi32>
    %swap3A_217 = vector.shape_cast %mul3A_211 : vector<16xi32> to vector<1x16xi32>
    tpu.vector_store %arg7[%swap3A_213, %swap3A_214], %swap3A_217 {strides = array<i32>} : memref<2x128xi32, #tpu.memory_space<vmem>>, vector<1x16xi32>,
    %get3A_218 = arith.constant 0 : i32
    %get3A_219 = arith.index_cast %get3A_218 : i32 to index
    %get3A_220 = arith.constant 112 : index
    %get3A_221 = tpu.vector_load %arg5[%get3A_219, %get3A_220] {strides = array<i32>} : memref<2x128xi32, #tpu.memory_space<vmem>>, vector<1x16xi32>,
    %get3A_222 = vector.shape_cast %get3A_221 : vector<1x16xi32> to vector<16xi32>
    %shift_right_logical3A_223 = arith.constant 2 : i32
    %shift_right_logical3A_224 = vector.broadcast %shift_right_logical3A_223 : i32 to vector<16xi32>
    %shift_right_logical3A_225 = arith.shrui %get3A_222, %shift_right_logical3A_224 : vector<16xi32>
    %swap3A_226 = arith.constant 0 : i32
    %swap3A_227 = arith.index_cast %swap3A_226 : i32 to index
    %swap3A_228 = arith.constant 112 : index
    %swap3A_229 = tpu.vector_load %arg6[%swap3A_227, %swap3A_228] {strides = array<i32>} : memref<2x128xi32, #tpu.memory_space<vmem>>, vector<1x16xi32>,
    %swap3A_230 = vector.shape_cast %swap3A_229 : vector<1x16xi32> to vector<16xi32>
    %swap3A_231 = vector.shape_cast %shift_right_logical3A_225 : vector<16xi32> to vector<1x16xi32>
    tpu.vector_store %arg6[%swap3A_227, %swap3A_228], %swap3A_231 {strides = array<i32>} : memref<2x128xi32, #tpu.memory_space<vmem>>, vector<1x16xi32>,
    %and3A_232 = arith.constant 3 : i32
    %and3A_233 = vector.broadcast %and3A_232 : i32 to vector<16xi32>
    %and3A_234 = arith.andi %get3A_222, %and3A_233 : vector<16xi32>
    %mul3A_235 = arith.constant 32 : i32
    %mul3A_236 = vector.broadcast %mul3A_235 : i32 to vector<16xi32>
    %mul3A_237 = arith.muli %and3A_234, %mul3A_236 : vector<16xi32>
    %swap3A_238 = arith.constant 0 : i32
    %swap3A_239 = arith.index_cast %swap3A_238 : i32 to index
    %swap3A_240 = arith.constant 112 : index
    %swap3A_241 = tpu.vector_load %arg7[%swap3A_239, %swap3A_240] {strides = array<i32>} : memref<2x128xi32, #tpu.memory_space<vmem>>, vector<1x16xi32>,
    %swap3A_242 = vector.shape_cast %swap3A_241 : vector<1x16xi32> to vector<16xi32>
    %swap3A_243 = vector.shape_cast %mul3A_237 : vector<16xi32> to vector<1x16xi32>
    tpu.vector_store %arg7[%swap3A_239, %swap3A_240], %swap3A_243 {strides = array<i32>} : memref<2x128xi32, #tpu.memory_space<vmem>>, vector<1x16xi32>,
    %dma_start3A_244 = arith.constant 0 : i32
    %dma_start3A_245 = arith.constant 0 : i32
    %dma_start3A_246 = arith.constant 0 : i32
    %dma_start3A_247 = arith.constant 0 : i32
    %dma_start3A_248 = tpu.memref_slice %arg8[%dma_start3A_245, %dma_start3A_246, %dma_start3A_247] : memref<2x128x128xf32, #tpu.memory_space<vmem>> -> memref<1x128x128xf32, #tpu.memory_space<vmem>>
    %dma_start3A_249 = tpu.memref_squeeze %dma_start3A_248 : memref<1x128x128xf32, #tpu.memory_space<vmem>> -> memref<128x128xf32, #tpu.memory_space<vmem>>
    %dma_start3A_250 = arith.constant 0 : i32
    %dma_start3A_251 = tpu.memref_slice %arg6[%dma_start3A_244, %dma_start3A_250] : memref<2x128xi32, #tpu.memory_space<vmem>> -> memref<1x128xi32, #tpu.memory_space<vmem>>
    %dma_start3A_252 = tpu.memref_squeeze %dma_start3A_251 : memref<1x128xi32, #tpu.memory_space<vmem>> -> memref<128xi32, #tpu.memory_space<vmem>>
    %dma_start3A_253 = arith.constant 0 : i32
    %dma_start3A_254 = arith.constant 0 : i32
    %dma_start3A_255 = tpu.memref_slice %arg3[%dma_start3A_253, %dma_start3A_254] : memref<250000x128xf32, #tpu.memory_space<hbm>> -> memref<250000x128xf32, #tpu.memory_space<hbm>>
    tpu.enqueue_indirect_dma source(%dma_start3A_255 : memref<250000x128xf32, #tpu.memory_space<hbm>>) target(%dma_start3A_249 : memref<128x128xf32, #tpu.memory_space<vmem>>) offsets(%dma_start3A_252 : memref<128xi32, #tpu.memory_space<vmem>>) semaphore(%arg11 : memref<!tpu.dma_semaphore, #tpu.memory_space<semaphore_mem>>)
    %scan3A = arith.constant 0 : i32
    %scan3A_256 = arith.constant 0 : i32
    %scan3A_257 = arith.constant 100 : i32
    %scan3A_258 = arith.addi %scan3A_256, %scan3A_257 : i32
    %scan3A_259 = arith.constant 1 : i32
    scf.for %scan3A_291 = %scan3A_256 to %scan3A_258 step %scan3A_259  : i32 {
      %mul3A_292 = arith.constant 2 : i32
      %mul3A_293 = arith.muli %mul3A_292, %scan3A_291 : i32
      %add3A_294 = arith.constant 0 : i32
      %add3A_295 = arith.addi %mul3A_293, %add3A_294 : i32
      %add3A_296 = arith.constant 1 : i32
      %add3A_297 = arith.addi %add3A_295, %add3A_296 : i32
      %lt3A = arith.constant 200 : i32
      %lt3A_298 = arith.cmpi slt, %add3A_297, %lt3A : i32
      %convert_element_type3A = arith.extui %lt3A_298 : i1 to i32
      %cond3A = arith.constant 0 : i32
      %cond3A_299 = arith.cmpi ne, %convert_element_type3A, %cond3A : i32
      scf.if %cond3A_299 {
        %dma_wait3A_408 = arith.constant 1 : i32
        %dma_wait3A_409 = arith.constant 0 : i32
        %dma_wait3A_410 = tpu.memref_slice %arg5[%dma_wait3A_408, %dma_wait3A_409] : memref<2x128xi32, #tpu.memory_space<vmem>> -> memref<1x128xi32, #tpu.memory_space<vmem>>
        %dma_wait3A_411 = tpu.memref_squeeze %dma_wait3A_410 : memref<1x128xi32, #tpu.memory_space<vmem>> -> memref<128xi32, #tpu.memory_space<vmem>>
        %dma_wait3A_412 = arith.constant 0 : i32
        %dma_wait3A_413 = tpu.memref_slice %arg2[%add3A, %dma_wait3A_412] : memref<32x25600xi32, #tpu.memory_space<hbm>> -> memref<1x128xi32, #tpu.memory_space<hbm>>
        %dma_wait3A_414 = tpu.memref_squeeze %dma_wait3A_413 : memref<1x128xi32, #tpu.memory_space<hbm>> -> memref<128xi32, #tpu.memory_space<hbm>>
        %dma_wait3A_415 = arith.constant 0 : i32
        %dma_wait3A_416 = tpu.memref_slice %arg5[%dma_wait3A_408, %dma_wait3A_415] : memref<2x128xi32, #tpu.memory_space<vmem>> -> memref<1x128xi32, #tpu.memory_space<vmem>>
        %dma_wait3A_417 = tpu.memref_squeeze %dma_wait3A_416 : memref<1x128xi32, #tpu.memory_space<vmem>> -> memref<128xi32, #tpu.memory_space<vmem>>
        %dma_wait3A_418 = arith.constant 0 : i32
        %dma_wait3A_419 = tpu.memref_slice %arg2[%add3A, %dma_wait3A_418] : memref<32x25600xi32, #tpu.memory_space<hbm>> -> memref<1x128xi32, #tpu.memory_space<hbm>>
        %dma_wait3A_420 = tpu.memref_squeeze %dma_wait3A_419 : memref<1x128xi32, #tpu.memory_space<hbm>> -> memref<128xi32, #tpu.memory_space<hbm>>
        tpu.wait_dma2 semaphore(%arg10 : memref<!tpu.dma_semaphore, #tpu.memory_space<semaphore_mem>>) src(%dma_wait3A_420 : memref<128xi32, #tpu.memory_space<hbm>>) dst(%dma_wait3A_417 : memref<128xi32, #tpu.memory_space<vmem>>)
        %get3A_421 = arith.constant 1 : i32
        %get3A_422 = arith.index_cast %get3A_421 : i32 to index
        %get3A_423 = arith.constant 0 : index
        %get3A_424 = tpu.vector_load %arg5[%get3A_422, %get3A_423] {strides = array<i32>} : memref<2x128xi32, #tpu.memory_space<vmem>>, vector<1x16xi32>,
        %get3A_425 = vector.shape_cast %get3A_424 : vector<1x16xi32> to vector<16xi32>
        %shift_right_logical3A_426 = arith.constant 2 : i32
        %shift_right_logical3A_427 = vector.broadcast %shift_right_logical3A_426 : i32 to vector<16xi32>
        %shift_right_logical3A_428 = arith.shrui %get3A_425, %shift_right_logical3A_427 : vector<16xi32>
        %swap3A_429 = arith.constant 1 : i32
        %swap3A_430 = arith.index_cast %swap3A_429 : i32 to index
        %swap3A_431 = arith.constant 0 : index
        %swap3A_432 = tpu.vector_load %arg6[%swap3A_430, %swap3A_431] {strides = array<i32>} : memref<2x128xi32, #tpu.memory_space<vmem>>, vector<1x16xi32>,
        %swap3A_433 = vector.shape_cast %swap3A_432 : vector<1x16xi32> to vector<16xi32>
        %swap3A_434 = vector.shape_cast %shift_right_logical3A_428 : vector<16xi32> to vector<1x16xi32>
        tpu.vector_store %arg6[%swap3A_430, %swap3A_431], %swap3A_434 {strides = array<i32>} : memref<2x128xi32, #tpu.memory_space<vmem>>, vector<1x16xi32>,
        %and3A_435 = arith.constant 3 : i32
        %and3A_436 = vector.broadcast %and3A_435 : i32 to vector<16xi32>
        %and3A_437 = arith.andi %get3A_425, %and3A_436 : vector<16xi32>
        %mul3A_438 = arith.constant 32 : i32
        %mul3A_439 = vector.broadcast %mul3A_438 : i32 to vector<16xi32>
        %mul3A_440 = arith.muli %and3A_437, %mul3A_439 : vector<16xi32>
        %swap3A_441 = arith.constant 1 : i32
        %swap3A_442 = arith.index_cast %swap3A_441 : i32 to index
        %swap3A_443 = arith.constant 0 : index
        %swap3A_444 = tpu.vector_load %arg7[%swap3A_442, %swap3A_443] {strides = array<i32>} : memref<2x128xi32, #tpu.memory_space<vmem>>, vector<1x16xi32>,
        %swap3A_445 = vector.shape_cast %swap3A_444 : vector<1x16xi32> to vector<16xi32>
        %swap3A_446 = vector.shape_cast %mul3A_440 : vector<16xi32> to vector<1x16xi32>
        tpu.vector_store %arg7[%swap3A_442, %swap3A_443], %swap3A_446 {strides = array<i32>} : memref<2x128xi32, #tpu.memory_space<vmem>>, vector<1x16xi32>,
        %get3A_447 = arith.constant 1 : i32
        %get3A_448 = arith.index_cast %get3A_447 : i32 to index
        %get3A_449 = arith.constant 16 : index
        %get3A_450 = tpu.vector_load %arg5[%get3A_448, %get3A_449] {strides = array<i32>} : memref<2x128xi32, #tpu.memory_space<vmem>>, vector<1x16xi32>,
        %get3A_451 = vector.shape_cast %get3A_450 : vector<1x16xi32> to vector<16xi32>
        %shift_right_logical3A_452 = arith.constant 2 : i32
        %shift_right_logical3A_453 = vector.broadcast %shift_right_logical3A_452 : i32 to vector<16xi32>
        %shift_right_logical3A_454 = arith.shrui %get3A_451, %shift_right_logical3A_453 : vector<16xi32>
        %swap3A_455 = arith.constant 1 : i32
        %swap3A_456 = arith.index_cast %swap3A_455 : i32 to index
        %swap3A_457 = arith.constant 16 : index
        %swap3A_458 = tpu.vector_load %arg6[%swap3A_456, %swap3A_457] {strides = array<i32>} : memref<2x128xi32, #tpu.memory_space<vmem>>, vector<1x16xi32>,
        %swap3A_459 = vector.shape_cast %swap3A_458 : vector<1x16xi32> to vector<16xi32>
        %swap3A_460 = vector.shape_cast %shift_right_logical3A_454 : vector<16xi32> to vector<1x16xi32>
        tpu.vector_store %arg6[%swap3A_456, %swap3A_457], %swap3A_460 {strides = array<i32>} : memref<2x128xi32, #tpu.memory_space<vmem>>, vector<1x16xi32>,
        %and3A_461 = arith.constant 3 : i32
        %and3A_462 = vector.broadcast %and3A_461 : i32 to vector<16xi32>
        %and3A_463 = arith.andi %get3A_451, %and3A_462 : vector<16xi32>
        %mul3A_464 = arith.constant 32 : i32
        %mul3A_465 = vector.broadcast %mul3A_464 : i32 to vector<16xi32>
        %mul3A_466 = arith.muli %and3A_463, %mul3A_465 : vector<16xi32>
        %swap3A_467 = arith.constant 1 : i32
        %swap3A_468 = arith.index_cast %swap3A_467 : i32 to index
        %swap3A_469 = arith.constant 16 : index
        %swap3A_470 = tpu.vector_load %arg7[%swap3A_468, %swap3A_469] {strides = array<i32>} : memref<2x128xi32, #tpu.memory_space<vmem>>, vector<1x16xi32>,
        %swap3A_471 = vector.shape_cast %swap3A_470 : vector<1x16xi32> to vector<16xi32>
        %swap3A_472 = vector.shape_cast %mul3A_466 : vector<16xi32> to vector<1x16xi32>
        tpu.vector_store %arg7[%swap3A_468, %swap3A_469], %swap3A_472 {strides = array<i32>} : memref<2x128xi32, #tpu.memory_space<vmem>>, vector<1x16xi32>,
        %get3A_473 = arith.constant 1 : i32
        %get3A_474 = arith.index_cast %get3A_473 : i32 to index
        %get3A_475 = arith.constant 32 : index
        %get3A_476 = tpu.vector_load %arg5[%get3A_474, %get3A_475] {strides = array<i32>} : memref<2x128xi32, #tpu.memory_space<vmem>>, vector<1x16xi32>,
        %get3A_477 = vector.shape_cast %get3A_476 : vector<1x16xi32> to vector<16xi32>
        %shift_right_logical3A_478 = arith.constant 2 : i32
        %shift_right_logical3A_479 = vector.broadcast %shift_right_logical3A_478 : i32 to vector<16xi32>
        %shift_right_logical3A_480 = arith.shrui %get3A_477, %shift_right_logical3A_479 : vector<16xi32>
        %swap3A_481 = arith.constant 1 : i32
        %swap3A_482 = arith.index_cast %swap3A_481 : i32 to index
        %swap3A_483 = arith.constant 32 : index
        %swap3A_484 = tpu.vector_load %arg6[%swap3A_482, %swap3A_483] {strides = array<i32>} : memref<2x128xi32, #tpu.memory_space<vmem>>, vector<1x16xi32>,
        %swap3A_485 = vector.shape_cast %swap3A_484 : vector<1x16xi32> to vector<16xi32>
        %swap3A_486 = vector.shape_cast %shift_right_logical3A_480 : vector<16xi32> to vector<1x16xi32>
        tpu.vector_store %arg6[%swap3A_482, %swap3A_483], %swap3A_486 {strides = array<i32>} : memref<2x128xi32, #tpu.memory_space<vmem>>, vector<1x16xi32>,
        %and3A_487 = arith.constant 3 : i32
        %and3A_488 = vector.broadcast %and3A_487 : i32 to vector<16xi32>
        %and3A_489 = arith.andi %get3A_477, %and3A_488 : vector<16xi32>
        %mul3A_490 = arith.constant 32 : i32
        %mul3A_491 = vector.broadcast %mul3A_490 : i32 to vector<16xi32>
        %mul3A_492 = arith.muli %and3A_489, %mul3A_491 : vector<16xi32>
        %swap3A_493 = arith.constant 1 : i32
        %swap3A_494 = arith.index_cast %swap3A_493 : i32 to index
        %swap3A_495 = arith.constant 32 : index
        %swap3A_496 = tpu.vector_load %arg7[%swap3A_494, %swap3A_495] {strides = array<i32>} : memref<2x128xi32, #tpu.memory_space<vmem>>, vector<1x16xi32>,
        %swap3A_497 = vector.shape_cast %swap3A_496 : vector<1x16xi32> to vector<16xi32>
        %swap3A_498 = vector.shape_cast %mul3A_492 : vector<16xi32> to vector<1x16xi32>
        tpu.vector_store %arg7[%swap3A_494, %swap3A_495], %swap3A_498 {strides = array<i32>} : memref<2x128xi32, #tpu.memory_space<vmem>>, vector<1x16xi32>,
        %get3A_499 = arith.constant 1 : i32
        %get3A_500 = arith.index_cast %get3A_499 : i32 to index
        %get3A_501 = arith.constant 48 : index
        %get3A_502 = tpu.vector_load %arg5[%get3A_500, %get3A_501] {strides = array<i32>} : memref<2x128xi32, #tpu.memory_space<vmem>>, vector<1x16xi32>,
        %get3A_503 = vector.shape_cast %get3A_502 : vector<1x16xi32> to vector<16xi32>
        %shift_right_logical3A_504 = arith.constant 2 : i32
        %shift_right_logical3A_505 = vector.broadcast %shift_right_logical3A_504 : i32 to vector<16xi32>
        %shift_right_logical3A_506 = arith.shrui %get3A_503, %shift_right_logical3A_505 : vector<16xi32>
        %swap3A_507 = arith.constant 1 : i32
        %swap3A_508 = arith.index_cast %swap3A_507 : i32 to index
        %swap3A_509 = arith.constant 48 : index
        %swap3A_510 = tpu.vector_load %arg6[%swap3A_508, %swap3A_509] {strides = array<i32>} : memref<2x128xi32, #tpu.memory_space<vmem>>, vector<1x16xi32>,
        %swap3A_511 = vector.shape_cast %swap3A_510 : vector<1x16xi32> to vector<16xi32>
        %swap3A_512 = vector.shape_cast %shift_right_logical3A_506 : vector<16xi32> to vector<1x16xi32>
        tpu.vector_store %arg6[%swap3A_508, %swap3A_509], %swap3A_512 {strides = array<i32>} : memref<2x128xi32, #tpu.memory_space<vmem>>, vector<1x16xi32>,
        %and3A_513 = arith.constant 3 : i32
        %and3A_514 = vector.broadcast %and3A_513 : i32 to vector<16xi32>
        %and3A_515 = arith.andi %get3A_503, %and3A_514 : vector<16xi32>
        %mul3A_516 = arith.constant 32 : i32
        %mul3A_517 = vector.broadcast %mul3A_516 : i32 to vector<16xi32>
        %mul3A_518 = arith.muli %and3A_515, %mul3A_517 : vector<16xi32>
        %swap3A_519 = arith.constant 1 : i32
        %swap3A_520 = arith.index_cast %swap3A_519 : i32 to index
        %swap3A_521 = arith.constant 48 : index
        %swap3A_522 = tpu.vector_load %arg7[%swap3A_520, %swap3A_521] {strides = array<i32>} : memref<2x128xi32, #tpu.memory_space<vmem>>, vector<1x16xi32>,
        %swap3A_523 = vector.shape_cast %swap3A_522 : vector<1x16xi32> to vector<16xi32>
        %swap3A_524 = vector.shape_cast %mul3A_518 : vector<16xi32> to vector<1x16xi32>
        tpu.vector_store %arg7[%swap3A_520, %swap3A_521], %swap3A_524 {strides = array<i32>} : memref<2x128xi32, #tpu.memory_space<vmem>>, vector<1x16xi32>,
        %get3A_525 = arith.constant 1 : i32
        %get3A_526 = arith.index_cast %get3A_525 : i32 to index
        %get3A_527 = arith.constant 64 : index
        %get3A_528 = tpu.vector_load %arg5[%get3A_526, %get3A_527] {strides = array<i32>} : memref<2x128xi32, #tpu.memory_space<vmem>>, vector<1x16xi32>,
        %get3A_529 = vector.shape_cast %get3A_528 : vector<1x16xi32> to vector<16xi32>
        %shift_right_logical3A_530 = arith.constant 2 : i32
        %shift_right_logical3A_531 = vector.broadcast %shift_right_logical3A_530 : i32 to vector<16xi32>
        %shift_right_logical3A_532 = arith.shrui %get3A_529, %shift_right_logical3A_531 : vector<16xi32>
        %swap3A_533 = arith.constant 1 : i32
        %swap3A_534 = arith.index_cast %swap3A_533 : i32 to index
        %swap3A_535 = arith.constant 64 : index
        %swap3A_536 = tpu.vector_load %arg6[%swap3A_534, %swap3A_535] {strides = array<i32>} : memref<2x128xi32, #tpu.memory_space<vmem>>, vector<1x16xi32>,
        %swap3A_537 = vector.shape_cast %swap3A_536 : vector<1x16xi32> to vector<16xi32>
        %swap3A_538 = vector.shape_cast %shift_right_logical3A_532 : vector<16xi32> to vector<1x16xi32>
        tpu.vector_store %arg6[%swap3A_534, %swap3A_535], %swap3A_538 {strides = array<i32>} : memref<2x128xi32, #tpu.memory_space<vmem>>, vector<1x16xi32>,
        %and3A_539 = arith.constant 3 : i32
        %and3A_540 = vector.broadcast %and3A_539 : i32 to vector<16xi32>
        %and3A_541 = arith.andi %get3A_529, %and3A_540 : vector<16xi32>
        %mul3A_542 = arith.constant 32 : i32
        %mul3A_543 = vector.broadcast %mul3A_542 : i32 to vector<16xi32>
        %mul3A_544 = arith.muli %and3A_541, %mul3A_543 : vector<16xi32>
        %swap3A_545 = arith.constant 1 : i32
        %swap3A_546 = arith.index_cast %swap3A_545 : i32 to index
        %swap3A_547 = arith.constant 64 : index
        %swap3A_548 = tpu.vector_load %arg7[%swap3A_546, %swap3A_547] {strides = array<i32>} : memref<2x128xi32, #tpu.memory_space<vmem>>, vector<1x16xi32>,
        %swap3A_549 = vector.shape_cast %swap3A_548 : vector<1x16xi32> to vector<16xi32>
        %swap3A_550 = vector.shape_cast %mul3A_544 : vector<16xi32> to vector<1x16xi32>
        tpu.vector_store %arg7[%swap3A_546, %swap3A_547], %swap3A_550 {strides = array<i32>} : memref<2x128xi32, #tpu.memory_space<vmem>>, vector<1x16xi32>,
        %get3A_551 = arith.constant 1 : i32
        %get3A_552 = arith.index_cast %get3A_551 : i32 to index
        %get3A_553 = arith.constant 80 : index
        %get3A_554 = tpu.vector_load %arg5[%get3A_552, %get3A_553] {strides = array<i32>} : memref<2x128xi32, #tpu.memory_space<vmem>>, vector<1x16xi32>,
        %get3A_555 = vector.shape_cast %get3A_554 : vector<1x16xi32> to vector<16xi32>
        %shift_right_logical3A_556 = arith.constant 2 : i32
        %shift_right_logical3A_557 = vector.broadcast %shift_right_logical3A_556 : i32 to vector<16xi32>
        %shift_right_logical3A_558 = arith.shrui %get3A_555, %shift_right_logical3A_557 : vector<16xi32>
        %swap3A_559 = arith.constant 1 : i32
        %swap3A_560 = arith.index_cast %swap3A_559 : i32 to index
        %swap3A_561 = arith.constant 80 : index
        %swap3A_562 = tpu.vector_load %arg6[%swap3A_560, %swap3A_561] {strides = array<i32>} : memref<2x128xi32, #tpu.memory_space<vmem>>, vector<1x16xi32>,
        %swap3A_563 = vector.shape_cast %swap3A_562 : vector<1x16xi32> to vector<16xi32>
        %swap3A_564 = vector.shape_cast %shift_right_logical3A_558 : vector<16xi32> to vector<1x16xi32>
        tpu.vector_store %arg6[%swap3A_560, %swap3A_561], %swap3A_564 {strides = array<i32>} : memref<2x128xi32, #tpu.memory_space<vmem>>, vector<1x16xi32>,
        %and3A_565 = arith.constant 3 : i32
        %and3A_566 = vector.broadcast %and3A_565 : i32 to vector<16xi32>
        %and3A_567 = arith.andi %get3A_555, %and3A_566 : vector<16xi32>
        %mul3A_568 = arith.constant 32 : i32
        %mul3A_569 = vector.broadcast %mul3A_568 : i32 to vector<16xi32>
        %mul3A_570 = arith.muli %and3A_567, %mul3A_569 : vector<16xi32>
        %swap3A_571 = arith.constant 1 : i32
        %swap3A_572 = arith.index_cast %swap3A_571 : i32 to index
        %swap3A_573 = arith.constant 80 : index
        %swap3A_574 = tpu.vector_load %arg7[%swap3A_572, %swap3A_573] {strides = array<i32>} : memref<2x128xi32, #tpu.memory_space<vmem>>, vector<1x16xi32>,
        %swap3A_575 = vector.shape_cast %swap3A_574 : vector<1x16xi32> to vector<16xi32>
        %swap3A_576 = vector.shape_cast %mul3A_570 : vector<16xi32> to vector<1x16xi32>
        tpu.vector_store %arg7[%swap3A_572, %swap3A_573], %swap3A_576 {strides = array<i32>} : memref<2x128xi32, #tpu.memory_space<vmem>>, vector<1x16xi32>,
        %get3A_577 = arith.constant 1 : i32
        %get3A_578 = arith.index_cast %get3A_577 : i32 to index
        %get3A_579 = arith.constant 96 : index
        %get3A_580 = tpu.vector_load %arg5[%get3A_578, %get3A_579] {strides = array<i32>} : memref<2x128xi32, #tpu.memory_space<vmem>>, vector<1x16xi32>,
        %get3A_581 = vector.shape_cast %get3A_580 : vector<1x16xi32> to vector<16xi32>
        %shift_right_logical3A_582 = arith.constant 2 : i32
        %shift_right_logical3A_583 = vector.broadcast %shift_right_logical3A_582 : i32 to vector<16xi32>
        %shift_right_logical3A_584 = arith.shrui %get3A_581, %shift_right_logical3A_583 : vector<16xi32>
        %swap3A_585 = arith.constant 1 : i32
        %swap3A_586 = arith.index_cast %swap3A_585 : i32 to index
        %swap3A_587 = arith.constant 96 : index
        %swap3A_588 = tpu.vector_load %arg6[%swap3A_586, %swap3A_587] {strides = array<i32>} : memref<2x128xi32, #tpu.memory_space<vmem>>, vector<1x16xi32>,
        %swap3A_589 = vector.shape_cast %swap3A_588 : vector<1x16xi32> to vector<16xi32>
        %swap3A_590 = vector.shape_cast %shift_right_logical3A_584 : vector<16xi32> to vector<1x16xi32>
        tpu.vector_store %arg6[%swap3A_586, %swap3A_587], %swap3A_590 {strides = array<i32>} : memref<2x128xi32, #tpu.memory_space<vmem>>, vector<1x16xi32>,
        %and3A_591 = arith.constant 3 : i32
        %and3A_592 = vector.broadcast %and3A_591 : i32 to vector<16xi32>
        %and3A_593 = arith.andi %get3A_581, %and3A_592 : vector<16xi32>
        %mul3A_594 = arith.constant 32 : i32
        %mul3A_595 = vector.broadcast %mul3A_594 : i32 to vector<16xi32>
        %mul3A_596 = arith.muli %and3A_593, %mul3A_595 : vector<16xi32>
        %swap3A_597 = arith.constant 1 : i32
        %swap3A_598 = arith.index_cast %swap3A_597 : i32 to index
        %swap3A_599 = arith.constant 96 : index
        %swap3A_600 = tpu.vector_load %arg7[%swap3A_598, %swap3A_599] {strides = array<i32>} : memref<2x128xi32, #tpu.memory_space<vmem>>, vector<1x16xi32>,
        %swap3A_601 = vector.shape_cast %swap3A_600 : vector<1x16xi32> to vector<16xi32>
        %swap3A_602 = vector.shape_cast %mul3A_596 : vector<16xi32> to vector<1x16xi32>
        tpu.vector_store %arg7[%swap3A_598, %swap3A_599], %swap3A_602 {strides = array<i32>} : memref<2x128xi32, #tpu.memory_space<vmem>>, vector<1x16xi32>,
        %get3A_603 = arith.constant 1 : i32
        %get3A_604 = arith.index_cast %get3A_603 : i32 to index
        %get3A_605 = arith.constant 112 : index
        %get3A_606 = tpu.vector_load %arg5[%get3A_604, %get3A_605] {strides = array<i32>} : memref<2x128xi32, #tpu.memory_space<vmem>>, vector<1x16xi32>,
        %get3A_607 = vector.shape_cast %get3A_606 : vector<1x16xi32> to vector<16xi32>
        %shift_right_logical3A_608 = arith.constant 2 : i32
        %shift_right_logical3A_609 = vector.broadcast %shift_right_logical3A_608 : i32 to vector<16xi32>
        %shift_right_logical3A_610 = arith.shrui %get3A_607, %shift_right_logical3A_609 : vector<16xi32>
        %swap3A_611 = arith.constant 1 : i32
        %swap3A_612 = arith.index_cast %swap3A_611 : i32 to index
        %swap3A_613 = arith.constant 112 : index
        %swap3A_614 = tpu.vector_load %arg6[%swap3A_612, %swap3A_613] {strides = array<i32>} : memref<2x128xi32, #tpu.memory_space<vmem>>, vector<1x16xi32>,
        %swap3A_615 = vector.shape_cast %swap3A_614 : vector<1x16xi32> to vector<16xi32>
        %swap3A_616 = vector.shape_cast %shift_right_logical3A_610 : vector<16xi32> to vector<1x16xi32>
        tpu.vector_store %arg6[%swap3A_612, %swap3A_613], %swap3A_616 {strides = array<i32>} : memref<2x128xi32, #tpu.memory_space<vmem>>, vector<1x16xi32>,
        %and3A_617 = arith.constant 3 : i32
        %and3A_618 = vector.broadcast %and3A_617 : i32 to vector<16xi32>
        %and3A_619 = arith.andi %get3A_607, %and3A_618 : vector<16xi32>
        %mul3A_620 = arith.constant 32 : i32
        %mul3A_621 = vector.broadcast %mul3A_620 : i32 to vector<16xi32>
        %mul3A_622 = arith.muli %and3A_619, %mul3A_621 : vector<16xi32>
        %swap3A_623 = arith.constant 1 : i32
        %swap3A_624 = arith.index_cast %swap3A_623 : i32 to index
        %swap3A_625 = arith.constant 112 : index
        %swap3A_626 = tpu.vector_load %arg7[%swap3A_624, %swap3A_625] {strides = array<i32>} : memref<2x128xi32, #tpu.memory_space<vmem>>, vector<1x16xi32>,
        %swap3A_627 = vector.shape_cast %swap3A_626 : vector<1x16xi32> to vector<16xi32>
        %swap3A_628 = vector.shape_cast %mul3A_622 : vector<16xi32> to vector<1x16xi32>
        tpu.vector_store %arg7[%swap3A_624, %swap3A_625], %swap3A_628 {strides = array<i32>} : memref<2x128xi32, #tpu.memory_space<vmem>>, vector<1x16xi32>,
        %dma_start3A_629 = arith.constant 1 : i32
        %dma_start3A_630 = arith.constant 1 : i32
        %dma_start3A_631 = arith.constant 0 : i32
        %dma_start3A_632 = arith.constant 0 : i32
        %dma_start3A_633 = tpu.memref_slice %arg8[%dma_start3A_630, %dma_start3A_631, %dma_start3A_632] : memref<2x128x128xf32, #tpu.memory_space<vmem>> -> memref<1x128x128xf32, #tpu.memory_space<vmem>>
        %dma_start3A_634 = tpu.memref_squeeze %dma_start3A_633 : memref<1x128x128xf32, #tpu.memory_space<vmem>> -> memref<128x128xf32, #tpu.memory_space<vmem>>
        %dma_start3A_635 = arith.constant 0 : i32
        %dma_start3A_636 = tpu.memref_slice %arg6[%dma_start3A_629, %dma_start3A_635] : memref<2x128xi32, #tpu.memory_space<vmem>> -> memref<1x128xi32, #tpu.memory_space<vmem>>
        %dma_start3A_637 = tpu.memref_squeeze %dma_start3A_636 : memref<1x128xi32, #tpu.memory_space<vmem>> -> memref<128xi32, #tpu.memory_space<vmem>>
        %dma_start3A_638 = arith.constant 0 : i32
        %dma_start3A_639 = arith.constant 0 : i32
        %dma_start3A_640 = tpu.memref_slice %arg3[%dma_start3A_638, %dma_start3A_639] : memref<250000x128xf32, #tpu.memory_space<hbm>> -> memref<250000x128xf32, #tpu.memory_space<hbm>>
        tpu.enqueue_indirect_dma source(%dma_start3A_640 : memref<250000x128xf32, #tpu.memory_space<hbm>>) target(%dma_start3A_634 : memref<128x128xf32, #tpu.memory_space<vmem>>) offsets(%dma_start3A_637 : memref<128xi32, #tpu.memory_space<vmem>>) semaphore(%arg11 : memref<!tpu.dma_semaphore, #tpu.memory_space<semaphore_mem>>)
      } else {
      }
      %add3A_300 = arith.constant 2 : i32
      %add3A_301 = arith.addi %add3A_295, %add3A_300 : i32
      %lt3A_302 = arith.constant 200 : i32
      %lt3A_303 = arith.cmpi slt, %add3A_301, %lt3A_302 : i32
      %convert_element_type3A_304 = arith.extui %lt3A_303 : i1 to i32
      %cond3A_305 = arith.constant 0 : i32
      %cond3A_306 = arith.cmpi ne, %convert_element_type3A_304, %cond3A_305 : i32
      scf.if %cond3A_306 {
        %add3A_408 = arith.constant 2 : i32
        %add3A_409 = arith.addi %add3A_295, %add3A_408 : i32
        %mul3A_410 = arith.constant 128 : i32
        %mul3A_411 = arith.muli %add3A_409, %mul3A_410 : i32
        %dma_start3A_412 = arith.constant 0 : i32
        %dma_start3A_413 = arith.constant 0 : i32
        %dma_start3A_414 = tpu.memref_slice %arg5[%dma_start3A_412, %dma_start3A_413] : memref<2x128xi32, #tpu.memory_space<vmem>> -> memref<1x128xi32, #tpu.memory_space<vmem>>
        %dma_start3A_415 = tpu.memref_squeeze %dma_start3A_414 : memref<1x128xi32, #tpu.memory_space<vmem>> -> memref<128xi32, #tpu.memory_space<vmem>>
        %dma_start3A_416 = tpu.memref_slice %arg2[%add3A, %mul3A_411] : memref<32x25600xi32, #tpu.memory_space<hbm>> -> memref<1x128xi32, #tpu.memory_space<hbm>>
        %dma_start3A_417 = tpu.memref_squeeze %dma_start3A_416 : memref<1x128xi32, #tpu.memory_space<hbm>> -> memref<128xi32, #tpu.memory_space<hbm>>
        %dma_start3A_418 = arith.constant 0 : i32
        %dma_start3A_419 = tpu.memref_slice %arg5[%dma_start3A_412, %dma_start3A_418] : memref<2x128xi32, #tpu.memory_space<vmem>> -> memref<1x128xi32, #tpu.memory_space<vmem>>
        %dma_start3A_420 = tpu.memref_squeeze %dma_start3A_419 : memref<1x128xi32, #tpu.memory_space<vmem>> -> memref<128xi32, #tpu.memory_space<vmem>>
        %dma_start3A_421 = tpu.memref_slice %arg2[%add3A, %mul3A_411] : memref<32x25600xi32, #tpu.memory_space<hbm>> -> memref<1x128xi32, #tpu.memory_space<hbm>>
        %dma_start3A_422 = tpu.memref_squeeze %dma_start3A_421 : memref<1x128xi32, #tpu.memory_space<hbm>> -> memref<128xi32, #tpu.memory_space<hbm>>
        tpu.enqueue_dma source(%dma_start3A_422 : memref<128xi32, #tpu.memory_space<hbm>>) target(%dma_start3A_420 : memref<128xi32, #tpu.memory_space<vmem>>) target_semaphore(%arg10 : memref<!tpu.dma_semaphore, #tpu.memory_space<semaphore_mem>>)
      } else {
      }
      %dma_wait3A_307 = arith.constant 0 : i32
      %dma_wait3A_308 = arith.constant 0 : i32
      %dma_wait3A_309 = arith.constant 0 : i32
      %dma_wait3A_310 = tpu.memref_slice %arg8[%dma_wait3A_307, %dma_wait3A_308, %dma_wait3A_309] : memref<2x128x128xf32, #tpu.memory_space<vmem>> -> memref<1x128x128xf32, #tpu.memory_space<vmem>>
      %dma_wait3A_311 = tpu.memref_squeeze %dma_wait3A_310 : memref<1x128x128xf32, #tpu.memory_space<vmem>> -> memref<128x128xf32, #tpu.memory_space<vmem>>
      %dma_wait3A_312 = arith.constant 0 : i32
      %dma_wait3A_313 = arith.constant 0 : i32
      %dma_wait3A_314 = tpu.memref_slice %arg3[%dma_wait3A_312, %dma_wait3A_313] : memref<250000x128xf32, #tpu.memory_space<hbm>> -> memref<128x128xf32, #tpu.memory_space<hbm>>
      %dma_wait3A_315 = arith.constant 0 : i32
      %dma_wait3A_316 = arith.constant 0 : i32
      %dma_wait3A_317 = tpu.memref_slice %arg8[%dma_wait3A_307, %dma_wait3A_315, %dma_wait3A_316] : memref<2x128x128xf32, #tpu.memory_space<vmem>> -> memref<1x128x128xf32, #tpu.memory_space<vmem>>
      %dma_wait3A_318 = tpu.memref_squeeze %dma_wait3A_317 : memref<1x128x128xf32, #tpu.memory_space<vmem>> -> memref<128x128xf32, #tpu.memory_space<vmem>>
      %dma_wait3A_319 = arith.constant 0 : i32
      %dma_wait3A_320 = arith.constant 0 : i32
      %dma_wait3A_321 = tpu.memref_slice %arg3[%dma_wait3A_319, %dma_wait3A_320] : memref<250000x128xf32, #tpu.memory_space<hbm>> -> memref<128x128xf32, #tpu.memory_space<hbm>>
      tpu.wait_dma2 semaphore(%arg11 : memref<!tpu.dma_semaphore, #tpu.memory_space<semaphore_mem>>) src(%dma_wait3A_321 : memref<128x128xf32, #tpu.memory_space<hbm>>) dst(%dma_wait3A_318 : memref<128x128xf32, #tpu.memory_space<vmem>>)
      %ge3A = arith.constant 2 : i32
      %ge3A_322 = arith.cmpi sge, %add3A_295, %ge3A : i32
      %convert_element_type3A_323 = arith.extui %ge3A_322 : i1 to i32
      %cond3A_324 = arith.constant 0 : i32
      %cond3A_325 = arith.cmpi ne, %convert_element_type3A_323, %cond3A_324 : i32
      scf.if %cond3A_325 {
        %dma_wait3A_408 = arith.constant 0 : i32
        %dma_wait3A_409 = arith.constant 0 : i32
        %dma_wait3A_410 = arith.constant 0 : i32
        %dma_wait3A_411 = tpu.memref_slice %arg9[%dma_wait3A_408, %dma_wait3A_409, %dma_wait3A_410] : memref<2x32x128xf32, #tpu.memory_space<vmem>> -> memref<1x32x128xf32, #tpu.memory_space<vmem>>
        %dma_wait3A_412 = tpu.memref_squeeze %dma_wait3A_411 : memref<1x32x128xf32, #tpu.memory_space<vmem>> -> memref<32x128xf32, #tpu.memory_space<vmem>>
        %dma_wait3A_413 = arith.constant 0 : i32
        %dma_wait3A_414 = arith.constant 0 : i32
        %dma_wait3A_415 = tpu.memref_slice %arg4[%dma_wait3A_413, %dma_wait3A_414] : memref<204800x128xf32, #tpu.memory_space<hbm>> -> memref<32x128xf32, #tpu.memory_space<hbm>>
        %dma_wait3A_416 = arith.constant 0 : i32
        %dma_wait3A_417 = arith.constant 0 : i32
        %dma_wait3A_418 = tpu.memref_slice %arg4[%dma_wait3A_416, %dma_wait3A_417] : memref<204800x128xf32, #tpu.memory_space<hbm>> -> memref<32x128xf32, #tpu.memory_space<hbm>>
        %dma_wait3A_419 = arith.constant 0 : i32
        %dma_wait3A_420 = arith.constant 0 : i32
        %dma_wait3A_421 = tpu.memref_slice %arg9[%dma_wait3A_408, %dma_wait3A_419, %dma_wait3A_420] : memref<2x32x128xf32, #tpu.memory_space<vmem>> -> memref<1x32x128xf32, #tpu.memory_space<vmem>>
        %dma_wait3A_422 = tpu.memref_squeeze %dma_wait3A_421 : memref<1x32x128xf32, #tpu.memory_space<vmem>> -> memref<32x128xf32, #tpu.memory_space<vmem>>
        tpu.wait_dma2 semaphore(%arg12 : memref<!tpu.dma_semaphore, #tpu.memory_space<semaphore_mem>>) src(%dma_wait3A_422 : memref<32x128xf32, #tpu.memory_space<vmem>>) dst(%dma_wait3A_418 : memref<32x128xf32, #tpu.memory_space<hbm>>)
      } else {
      }
      %scan3A_326 = arith.constant 0 : i32
      %scan3A_327 = arith.constant 0 : i32
      %scan3A_328 = arith.constant 8 : i32
      %scan3A_329 = arith.addi %scan3A_327, %scan3A_328 : i32
      %scan3A_330 = arith.constant 1 : i32
      scf.for %scan3A_408 = %scan3A_327 to %scan3A_329 step %scan3A_330  : i32 {
        %mul3A_409 = arith.constant 16 : i32
        %mul3A_410 = arith.muli %scan3A_408, %mul3A_409 : i32
        %get3A_411 = arith.constant 0 : i32
        %get3A_412 = arith.index_cast %get3A_411 : i32 to index
        %get3A_413 = arith.index_cast %mul3A_410 : i32 to index
        %get3A_414 = tpu.vector_load %arg7[%get3A_412, %get3A_413] {strides = array<i32>} : memref<2x128xi32, #tpu.memory_space<vmem>>, vector<1x16xi32>,
        %get3A_415 = vector.shape_cast %get3A_414 : vector<1x16xi32> to vector<16xi32>
        %slice3A = vector.extract_strided_slice %get3A_415 {offsets = [0], sizes = [1], strides = [1]} : vector<16xi32> to vector<1xi32>
        %squeeze3A = vector.extract %slice3A[0] : i32 from vector<1xi32>
        %mul3A_416 = arith.constant 16 : i32
        %mul3A_417 = arith.muli %scan3A_408, %mul3A_416 : i32
        %add3A_418 = arith.constant 0 : i32
        %add3A_419 = arith.addi %mul3A_417, %add3A_418 : i32
        %mul3A_420 = arith.constant 4 : i32
        %mul3A_421 = arith.muli %scan3A_408, %mul3A_420 : i32
        %add3A_422 = arith.constant 0 : i32
        %add3A_423 = arith.addi %mul3A_421, %add3A_422 : i32
        %get3A_424 = arith.constant 0 : i32
        %get3A_425 = arith.index_cast %get3A_424 : i32 to index
        %get3A_426 = arith.index_cast %add3A_419 : i32 to index
        %get3A_427 = arith.index_cast %squeeze3A : i32 to index
        %get3A_428 = tpu.vector_load %arg8[%get3A_425, %get3A_426, %get3A_427] {strides = array<i32>} : memref<2x128x128xf32, #tpu.memory_space<vmem>>, vector<1x1x16xf32>,
        %get3A_429 = vector.shape_cast %get3A_428 : vector<1x1x16xf32> to vector<16xf32>
        %swap3A_430 = arith.constant 0 : i32
        %swap3A_431 = arith.index_cast %swap3A_430 : i32 to index
        %swap3A_432 = arith.index_cast %add3A_423 : i32 to index
        %swap3A_433 = arith.constant 0 : index
        %swap3A_434 = tpu.vector_load %arg9[%swap3A_431, %swap3A_432, %swap3A_433] {strides = array<i32>} : memref<2x32x128xf32, #tpu.memory_space<vmem>>, vector<1x1x16xf32>,
        %swap3A_435 = vector.shape_cast %swap3A_434 : vector<1x1x16xf32> to vector<16xf32>
        %swap3A_436 = vector.shape_cast %get3A_429 : vector<16xf32> to vector<1x1x16xf32>
        tpu.vector_store %arg9[%swap3A_431, %swap3A_432, %swap3A_433], %swap3A_436 {strides = array<i32>} : memref<2x32x128xf32, #tpu.memory_space<vmem>>, vector<1x1x16xf32>,
        %add3A_437 = arith.constant 16 : i32
        %add3A_438 = arith.addi %squeeze3A, %add3A_437 : i32
        %get3A_439 = arith.constant 0 : i32
        %get3A_440 = arith.index_cast %get3A_439 : i32 to index
        %get3A_441 = arith.index_cast %add3A_419 : i32 to index
        %get3A_442 = arith.index_cast %add3A_438 : i32 to index
        %get3A_443 = tpu.vector_load %arg8[%get3A_440, %get3A_441, %get3A_442] {strides = array<i32>} : memref<2x128x128xf32, #tpu.memory_space<vmem>>, vector<1x1x16xf32>,
        %get3A_444 = vector.shape_cast %get3A_443 : vector<1x1x16xf32> to vector<16xf32>
        %swap3A_445 = arith.constant 0 : i32
        %swap3A_446 = arith.index_cast %swap3A_445 : i32 to index
        %swap3A_447 = arith.index_cast %add3A_423 : i32 to index
        %swap3A_448 = arith.constant 16 : index
        %swap3A_449 = tpu.vector_load %arg9[%swap3A_446, %swap3A_447, %swap3A_448] {strides = array<i32>} : memref<2x32x128xf32, #tpu.memory_space<vmem>>, vector<1x1x16xf32>,
        %swap3A_450 = vector.shape_cast %swap3A_449 : vector<1x1x16xf32> to vector<16xf32>
        %swap3A_451 = vector.shape_cast %get3A_444 : vector<16xf32> to vector<1x1x16xf32>
        tpu.vector_store %arg9[%swap3A_446, %swap3A_447, %swap3A_448], %swap3A_451 {strides = array<i32>} : memref<2x32x128xf32, #tpu.memory_space<vmem>>, vector<1x1x16xf32>,
        %slice3A_452 = vector.extract_strided_slice %get3A_415 {offsets = [1], sizes = [1], strides = [1]} : vector<16xi32> to vector<1xi32>
        %squeeze3A_453 = vector.extract %slice3A_452[0] : i32 from vector<1xi32>
        %mul3A_454 = arith.constant 16 : i32
        %mul3A_455 = arith.muli %scan3A_408, %mul3A_454 : i32
        %add3A_456 = arith.constant 1 : i32
        %add3A_457 = arith.addi %mul3A_455, %add3A_456 : i32
        %mul3A_458 = arith.constant 4 : i32
        %mul3A_459 = arith.muli %scan3A_408, %mul3A_458 : i32
        %add3A_460 = arith.constant 0 : i32
        %add3A_461 = arith.addi %mul3A_459, %add3A_460 : i32
        %get3A_462 = arith.constant 0 : i32
        %get3A_463 = arith.index_cast %get3A_462 : i32 to index
        %get3A_464 = arith.index_cast %add3A_457 : i32 to index
        %get3A_465 = arith.index_cast %squeeze3A_453 : i32 to index
        %get3A_466 = tpu.vector_load %arg8[%get3A_463, %get3A_464, %get3A_465] {strides = array<i32>} : memref<2x128x128xf32, #tpu.memory_space<vmem>>, vector<1x1x16xf32>,
        %get3A_467 = vector.shape_cast %get3A_466 : vector<1x1x16xf32> to vector<16xf32>
        %swap3A_468 = arith.constant 0 : i32
        %swap3A_469 = arith.index_cast %swap3A_468 : i32 to index
        %swap3A_470 = arith.index_cast %add3A_461 : i32 to index
        %swap3A_471 = arith.constant 32 : index
        %swap3A_472 = tpu.vector_load %arg9[%swap3A_469, %swap3A_470, %swap3A_471] {strides = array<i32>} : memref<2x32x128xf32, #tpu.memory_space<vmem>>, vector<1x1x16xf32>,
        %swap3A_473 = vector.shape_cast %swap3A_472 : vector<1x1x16xf32> to vector<16xf32>
        %swap3A_474 = vector.shape_cast %get3A_467 : vector<16xf32> to vector<1x1x16xf32>
        tpu.vector_store %arg9[%swap3A_469, %swap3A_470, %swap3A_471], %swap3A_474 {strides = array<i32>} : memref<2x32x128xf32, #tpu.memory_space<vmem>>, vector<1x1x16xf32>,
        %add3A_475 = arith.constant 16 : i32
        %add3A_476 = arith.addi %squeeze3A_453, %add3A_475 : i32
        %get3A_477 = arith.constant 0 : i32
        %get3A_478 = arith.index_cast %get3A_477 : i32 to index
        %get3A_479 = arith.index_cast %add3A_457 : i32 to index
        %get3A_480 = arith.index_cast %add3A_476 : i32 to index
        %get3A_481 = tpu.vector_load %arg8[%get3A_478, %get3A_479, %get3A_480] {strides = array<i32>} : memref<2x128x128xf32, #tpu.memory_space<vmem>>, vector<1x1x16xf32>,
        %get3A_482 = vector.shape_cast %get3A_481 : vector<1x1x16xf32> to vector<16xf32>
        %swap3A_483 = arith.constant 0 : i32
        %swap3A_484 = arith.index_cast %swap3A_483 : i32 to index
        %swap3A_485 = arith.index_cast %add3A_461 : i32 to index
        %swap3A_486 = arith.constant 48 : index
        %swap3A_487 = tpu.vector_load %arg9[%swap3A_484, %swap3A_485, %swap3A_486] {strides = array<i32>} : memref<2x32x128xf32, #tpu.memory_space<vmem>>, vector<1x1x16xf32>,
        %swap3A_488 = vector.shape_cast %swap3A_487 : vector<1x1x16xf32> to vector<16xf32>
        %swap3A_489 = vector.shape_cast %get3A_482 : vector<16xf32> to vector<1x1x16xf32>
        tpu.vector_store %arg9[%swap3A_484, %swap3A_485, %swap3A_486], %swap3A_489 {strides = array<i32>} : memref<2x32x128xf32, #tpu.memory_space<vmem>>, vector<1x1x16xf32>,
        %slice3A_490 = vector.extract_strided_slice %get3A_415 {offsets = [2], sizes = [1], strides = [1]} : vector<16xi32> to vector<1xi32>
        %squeeze3A_491 = vector.extract %slice3A_490[0] : i32 from vector<1xi32>
        %mul3A_492 = arith.constant 16 : i32
        %mul3A_493 = arith.muli %scan3A_408, %mul3A_492 : i32
        %add3A_494 = arith.constant 2 : i32
        %add3A_495 = arith.addi %mul3A_493, %add3A_494 : i32
        %mul3A_496 = arith.constant 4 : i32
        %mul3A_497 = arith.muli %scan3A_408, %mul3A_496 : i32
        %add3A_498 = arith.constant 0 : i32
        %add3A_499 = arith.addi %mul3A_497, %add3A_498 : i32
        %get3A_500 = arith.constant 0 : i32
        %get3A_501 = arith.index_cast %get3A_500 : i32 to index
        %get3A_502 = arith.index_cast %add3A_495 : i32 to index
        %get3A_503 = arith.index_cast %squeeze3A_491 : i32 to index
        %get3A_504 = tpu.vector_load %arg8[%get3A_501, %get3A_502, %get3A_503] {strides = array<i32>} : memref<2x128x128xf32, #tpu.memory_space<vmem>>, vector<1x1x16xf32>,
        %get3A_505 = vector.shape_cast %get3A_504 : vector<1x1x16xf32> to vector<16xf32>
        %swap3A_506 = arith.constant 0 : i32
        %swap3A_507 = arith.index_cast %swap3A_506 : i32 to index
        %swap3A_508 = arith.index_cast %add3A_499 : i32 to index
        %swap3A_509 = arith.constant 64 : index
        %swap3A_510 = tpu.vector_load %arg9[%swap3A_507, %swap3A_508, %swap3A_509] {strides = array<i32>} : memref<2x32x128xf32, #tpu.memory_space<vmem>>, vector<1x1x16xf32>,
        %swap3A_511 = vector.shape_cast %swap3A_510 : vector<1x1x16xf32> to vector<16xf32>
        %swap3A_512 = vector.shape_cast %get3A_505 : vector<16xf32> to vector<1x1x16xf32>
        tpu.vector_store %arg9[%swap3A_507, %swap3A_508, %swap3A_509], %swap3A_512 {strides = array<i32>} : memref<2x32x128xf32, #tpu.memory_space<vmem>>, vector<1x1x16xf32>,
        %add3A_513 = arith.constant 16 : i32
        %add3A_514 = arith.addi %squeeze3A_491, %add3A_513 : i32
        %get3A_515 = arith.constant 0 : i32
        %get3A_516 = arith.index_cast %get3A_515 : i32 to index
        %get3A_517 = arith.index_cast %add3A_495 : i32 to index
        %get3A_518 = arith.index_cast %add3A_514 : i32 to index
        %get3A_519 = tpu.vector_load %arg8[%get3A_516, %get3A_517, %get3A_518] {strides = array<i32>} : memref<2x128x128xf32, #tpu.memory_space<vmem>>, vector<1x1x16xf32>,
        %get3A_520 = vector.shape_cast %get3A_519 : vector<1x1x16xf32> to vector<16xf32>
        %swap3A_521 = arith.constant 0 : i32
        %swap3A_522 = arith.index_cast %swap3A_521 : i32 to index
        %swap3A_523 = arith.index_cast %add3A_499 : i32 to index
        %swap3A_524 = arith.constant 80 : index
        %swap3A_525 = tpu.vector_load %arg9[%swap3A_522, %swap3A_523, %swap3A_524] {strides = array<i32>} : memref<2x32x128xf32, #tpu.memory_space<vmem>>, vector<1x1x16xf32>,
        %swap3A_526 = vector.shape_cast %swap3A_525 : vector<1x1x16xf32> to vector<16xf32>
        %swap3A_527 = vector.shape_cast %get3A_520 : vector<16xf32> to vector<1x1x16xf32>
        tpu.vector_store %arg9[%swap3A_522, %swap3A_523, %swap3A_524], %swap3A_527 {strides = array<i32>} : memref<2x32x128xf32, #tpu.memory_space<vmem>>, vector<1x1x16xf32>,
        %slice3A_528 = vector.extract_strided_slice %get3A_415 {offsets = [3], sizes = [1], strides = [1]} : vector<16xi32> to vector<1xi32>
        %squeeze3A_529 = vector.extract %slice3A_528[0] : i32 from vector<1xi32>
        %mul3A_530 = arith.constant 16 : i32
        %mul3A_531 = arith.muli %scan3A_408, %mul3A_530 : i32
        %add3A_532 = arith.constant 3 : i32
        %add3A_533 = arith.addi %mul3A_531, %add3A_532 : i32
        %mul3A_534 = arith.constant 4 : i32
        %mul3A_535 = arith.muli %scan3A_408, %mul3A_534 : i32
        %add3A_536 = arith.constant 0 : i32
        %add3A_537 = arith.addi %mul3A_535, %add3A_536 : i32
        %get3A_538 = arith.constant 0 : i32
        %get3A_539 = arith.index_cast %get3A_538 : i32 to index
        %get3A_540 = arith.index_cast %add3A_533 : i32 to index
        %get3A_541 = arith.index_cast %squeeze3A_529 : i32 to index
        %get3A_542 = tpu.vector_load %arg8[%get3A_539, %get3A_540, %get3A_541] {strides = array<i32>} : memref<2x128x128xf32, #tpu.memory_space<vmem>>, vector<1x1x16xf32>,
        %get3A_543 = vector.shape_cast %get3A_542 : vector<1x1x16xf32> to vector<16xf32>
        %swap3A_544 = arith.constant 0 : i32
        %swap3A_545 = arith.index_cast %swap3A_544 : i32 to index
        %swap3A_546 = arith.index_cast %add3A_537 : i32 to index
        %swap3A_547 = arith.constant 96 : index
        %swap3A_548 = tpu.vector_load %arg9[%swap3A_545, %swap3A_546, %swap3A_547] {strides = array<i32>} : memref<2x32x128xf32, #tpu.memory_space<vmem>>, vector<1x1x16xf32>,
        %swap3A_549 = vector.shape_cast %swap3A_548 : vector<1x1x16xf32> to vector<16xf32>
        %swap3A_550 = vector.shape_cast %get3A_543 : vector<16xf32> to vector<1x1x16xf32>
        tpu.vector_store %arg9[%swap3A_545, %swap3A_546, %swap3A_547], %swap3A_550 {strides = array<i32>} : memref<2x32x128xf32, #tpu.memory_space<vmem>>, vector<1x1x16xf32>,
        %add3A_551 = arith.constant 16 : i32
        %add3A_552 = arith.addi %squeeze3A_529, %add3A_551 : i32
        %get3A_553 = arith.constant 0 : i32
        %get3A_554 = arith.index_cast %get3A_553 : i32 to index
        %get3A_555 = arith.index_cast %add3A_533 : i32 to index
        %get3A_556 = arith.index_cast %add3A_552 : i32 to index
        %get3A_557 = tpu.vector_load %arg8[%get3A_554, %get3A_555, %get3A_556] {strides = array<i32>} : memref<2x128x128xf32, #tpu.memory_space<vmem>>, vector<1x1x16xf32>,
        %get3A_558 = vector.shape_cast %get3A_557 : vector<1x1x16xf32> to vector<16xf32>
        %swap3A_559 = arith.constant 0 : i32
        %swap3A_560 = arith.index_cast %swap3A_559 : i32 to index
        %swap3A_561 = arith.index_cast %add3A_537 : i32 to index
        %swap3A_562 = arith.constant 112 : index
        %swap3A_563 = tpu.vector_load %arg9[%swap3A_560, %swap3A_561, %swap3A_562] {strides = array<i32>} : memref<2x32x128xf32, #tpu.memory_space<vmem>>, vector<1x1x16xf32>,
        %swap3A_564 = vector.shape_cast %swap3A_563 : vector<1x1x16xf32> to vector<16xf32>
        %swap3A_565 = vector.shape_cast %get3A_558 : vector<16xf32> to vector<1x1x16xf32>
        tpu.vector_store %arg9[%swap3A_560, %swap3A_561, %swap3A_562], %swap3A_565 {strides = array<i32>} : memref<2x32x128xf32, #tpu.memory_space<vmem>>, vector<1x1x16xf32>,
        %slice3A_566 = vector.extract_strided_slice %get3A_415 {offsets = [4], sizes = [1], strides = [1]} : vector<16xi32> to vector<1xi32>
        %squeeze3A_567 = vector.extract %slice3A_566[0] : i32 from vector<1xi32>
        %mul3A_568 = arith.constant 16 : i32
        %mul3A_569 = arith.muli %scan3A_408, %mul3A_568 : i32
        %add3A_570 = arith.constant 4 : i32
        %add3A_571 = arith.addi %mul3A_569, %add3A_570 : i32
        %mul3A_572 = arith.constant 4 : i32
        %mul3A_573 = arith.muli %scan3A_408, %mul3A_572 : i32
        %add3A_574 = arith.constant 1 : i32
        %add3A_575 = arith.addi %mul3A_573, %add3A_574 : i32
        %get3A_576 = arith.constant 0 : i32
        %get3A_577 = arith.index_cast %get3A_576 : i32 to index
        %get3A_578 = arith.index_cast %add3A_571 : i32 to index
        %get3A_579 = arith.index_cast %squeeze3A_567 : i32 to index
        %get3A_580 = tpu.vector_load %arg8[%get3A_577, %get3A_578, %get3A_579] {strides = array<i32>} : memref<2x128x128xf32, #tpu.memory_space<vmem>>, vector<1x1x16xf32>,
        %get3A_581 = vector.shape_cast %get3A_580 : vector<1x1x16xf32> to vector<16xf32>
        %swap3A_582 = arith.constant 0 : i32
        %swap3A_583 = arith.index_cast %swap3A_582 : i32 to index
        %swap3A_584 = arith.index_cast %add3A_575 : i32 to index
        %swap3A_585 = arith.constant 0 : index
        %swap3A_586 = tpu.vector_load %arg9[%swap3A_583, %swap3A_584, %swap3A_585] {strides = array<i32>} : memref<2x32x128xf32, #tpu.memory_space<vmem>>, vector<1x1x16xf32>,
        %swap3A_587 = vector.shape_cast %swap3A_586 : vector<1x1x16xf32> to vector<16xf32>
        %swap3A_588 = vector.shape_cast %get3A_581 : vector<16xf32> to vector<1x1x16xf32>
        tpu.vector_store %arg9[%swap3A_583, %swap3A_584, %swap3A_585], %swap3A_588 {strides = array<i32>} : memref<2x32x128xf32, #tpu.memory_space<vmem>>, vector<1x1x16xf32>,
        %add3A_589 = arith.constant 16 : i32
        %add3A_590 = arith.addi %squeeze3A_567, %add3A_589 : i32
        %get3A_591 = arith.constant 0 : i32
        %get3A_592 = arith.index_cast %get3A_591 : i32 to index
        %get3A_593 = arith.index_cast %add3A_571 : i32 to index
        %get3A_594 = arith.index_cast %add3A_590 : i32 to index
        %get3A_595 = tpu.vector_load %arg8[%get3A_592, %get3A_593, %get3A_594] {strides = array<i32>} : memref<2x128x128xf32, #tpu.memory_space<vmem>>, vector<1x1x16xf32>,
        %get3A_596 = vector.shape_cast %get3A_595 : vector<1x1x16xf32> to vector<16xf32>
        %swap3A_597 = arith.constant 0 : i32
        %swap3A_598 = arith.index_cast %swap3A_597 : i32 to index
        %swap3A_599 = arith.index_cast %add3A_575 : i32 to index
        %swap3A_600 = arith.constant 16 : index
        %swap3A_601 = tpu.vector_load %arg9[%swap3A_598, %swap3A_599, %swap3A_600] {strides = array<i32>} : memref<2x32x128xf32, #tpu.memory_space<vmem>>, vector<1x1x16xf32>,
        %swap3A_602 = vector.shape_cast %swap3A_601 : vector<1x1x16xf32> to vector<16xf32>
        %swap3A_603 = vector.shape_cast %get3A_596 : vector<16xf32> to vector<1x1x16xf32>
        tpu.vector_store %arg9[%swap3A_598, %swap3A_599, %swap3A_600], %swap3A_603 {strides = array<i32>} : memref<2x32x128xf32, #tpu.memory_space<vmem>>, vector<1x1x16xf32>,
        %slice3A_604 = vector.extract_strided_slice %get3A_415 {offsets = [5], sizes = [1], strides = [1]} : vector<16xi32> to vector<1xi32>
        %squeeze3A_605 = vector.extract %slice3A_604[0] : i32 from vector<1xi32>
        %mul3A_606 = arith.constant 16 : i32
        %mul3A_607 = arith.muli %scan3A_408, %mul3A_606 : i32
        %add3A_608 = arith.constant 5 : i32
        %add3A_609 = arith.addi %mul3A_607, %add3A_608 : i32
        %mul3A_610 = arith.constant 4 : i32
        %mul3A_611 = arith.muli %scan3A_408, %mul3A_610 : i32
        %add3A_612 = arith.constant 1 : i32
        %add3A_613 = arith.addi %mul3A_611, %add3A_612 : i32
        %get3A_614 = arith.constant 0 : i32
        %get3A_615 = arith.index_cast %get3A_614 : i32 to index
        %get3A_616 = arith.index_cast %add3A_609 : i32 to index
        %get3A_617 = arith.index_cast %squeeze3A_605 : i32 to index
        %get3A_618 = tpu.vector_load %arg8[%get3A_615, %get3A_616, %get3A_617] {strides = array<i32>} : memref<2x128x128xf32, #tpu.memory_space<vmem>>, vector<1x1x16xf32>,
        %get3A_619 = vector.shape_cast %get3A_618 : vector<1x1x16xf32> to vector<16xf32>
        %swap3A_620 = arith.constant 0 : i32
        %swap3A_621 = arith.index_cast %swap3A_620 : i32 to index
        %swap3A_622 = arith.index_cast %add3A_613 : i32 to index
        %swap3A_623 = arith.constant 32 : index
        %swap3A_624 = tpu.vector_load %arg9[%swap3A_621, %swap3A_622, %swap3A_623] {strides = array<i32>} : memref<2x32x128xf32, #tpu.memory_space<vmem>>, vector<1x1x16xf32>,
        %swap3A_625 = vector.shape_cast %swap3A_624 : vector<1x1x16xf32> to vector<16xf32>
        %swap3A_626 = vector.shape_cast %get3A_619 : vector<16xf32> to vector<1x1x16xf32>
        tpu.vector_store %arg9[%swap3A_621, %swap3A_622, %swap3A_623], %swap3A_626 {strides = array<i32>} : memref<2x32x128xf32, #tpu.memory_space<vmem>>, vector<1x1x16xf32>,
        %add3A_627 = arith.constant 16 : i32
        %add3A_628 = arith.addi %squeeze3A_605, %add3A_627 : i32
        %get3A_629 = arith.constant 0 : i32
        %get3A_630 = arith.index_cast %get3A_629 : i32 to index
        %get3A_631 = arith.index_cast %add3A_609 : i32 to index
        %get3A_632 = arith.index_cast %add3A_628 : i32 to index
        %get3A_633 = tpu.vector_load %arg8[%get3A_630, %get3A_631, %get3A_632] {strides = array<i32>} : memref<2x128x128xf32, #tpu.memory_space<vmem>>, vector<1x1x16xf32>,
        %get3A_634 = vector.shape_cast %get3A_633 : vector<1x1x16xf32> to vector<16xf32>
        %swap3A_635 = arith.constant 0 : i32
        %swap3A_636 = arith.index_cast %swap3A_635 : i32 to index
        %swap3A_637 = arith.index_cast %add3A_613 : i32 to index
        %swap3A_638 = arith.constant 48 : index
        %swap3A_639 = tpu.vector_load %arg9[%swap3A_636, %swap3A_637, %swap3A_638] {strides = array<i32>} : memref<2x32x128xf32, #tpu.memory_space<vmem>>, vector<1x1x16xf32>,
        %swap3A_640 = vector.shape_cast %swap3A_639 : vector<1x1x16xf32> to vector<16xf32>
        %swap3A_641 = vector.shape_cast %get3A_634 : vector<16xf32> to vector<1x1x16xf32>
        tpu.vector_store %arg9[%swap3A_636, %swap3A_637, %swap3A_638], %swap3A_641 {strides = array<i32>} : memref<2x32x128xf32, #tpu.memory_space<vmem>>, vector<1x1x16xf32>,
        %slice3A_642 = vector.extract_strided_slice %get3A_415 {offsets = [6], sizes = [1], strides = [1]} : vector<16xi32> to vector<1xi32>
        %squeeze3A_643 = vector.extract %slice3A_642[0] : i32 from vector<1xi32>
        %mul3A_644 = arith.constant 16 : i32
        %mul3A_645 = arith.muli %scan3A_408, %mul3A_644 : i32
        %add3A_646 = arith.constant 6 : i32
        %add3A_647 = arith.addi %mul3A_645, %add3A_646 : i32
        %mul3A_648 = arith.constant 4 : i32
        %mul3A_649 = arith.muli %scan3A_408, %mul3A_648 : i32
        %add3A_650 = arith.constant 1 : i32
        %add3A_651 = arith.addi %mul3A_649, %add3A_650 : i32
        %get3A_652 = arith.constant 0 : i32
        %get3A_653 = arith.index_cast %get3A_652 : i32 to index
        %get3A_654 = arith.index_cast %add3A_647 : i32 to index
        %get3A_655 = arith.index_cast %squeeze3A_643 : i32 to index
        %get3A_656 = tpu.vector_load %arg8[%get3A_653, %get3A_654, %get3A_655] {strides = array<i32>} : memref<2x128x128xf32, #tpu.memory_space<vmem>>, vector<1x1x16xf32>,
        %get3A_657 = vector.shape_cast %get3A_656 : vector<1x1x16xf32> to vector<16xf32>
        %swap3A_658 = arith.constant 0 : i32
        %swap3A_659 = arith.index_cast %swap3A_658 : i32 to index
        %swap3A_660 = arith.index_cast %add3A_651 : i32 to index
        %swap3A_661 = arith.constant 64 : index
        %swap3A_662 = tpu.vector_load %arg9[%swap3A_659, %swap3A_660, %swap3A_661] {strides = array<i32>} : memref<2x32x128xf32, #tpu.memory_space<vmem>>, vector<1x1x16xf32>,
        %swap3A_663 = vector.shape_cast %swap3A_662 : vector<1x1x16xf32> to vector<16xf32>
        %swap3A_664 = vector.shape_cast %get3A_657 : vector<16xf32> to vector<1x1x16xf32>
        tpu.vector_store %arg9[%swap3A_659, %swap3A_660, %swap3A_661], %swap3A_664 {strides = array<i32>} : memref<2x32x128xf32, #tpu.memory_space<vmem>>, vector<1x1x16xf32>,
        %add3A_665 = arith.constant 16 : i32
        %add3A_666 = arith.addi %squeeze3A_643, %add3A_665 : i32
        %get3A_667 = arith.constant 0 : i32
        %get3A_668 = arith.index_cast %get3A_667 : i32 to index
        %get3A_669 = arith.index_cast %add3A_647 : i32 to index
        %get3A_670 = arith.index_cast %add3A_666 : i32 to index
        %get3A_671 = tpu.vector_load %arg8[%get3A_668, %get3A_669, %get3A_670] {strides = array<i32>} : memref<2x128x128xf32, #tpu.memory_space<vmem>>, vector<1x1x16xf32>,
        %get3A_672 = vector.shape_cast %get3A_671 : vector<1x1x16xf32> to vector<16xf32>
        %swap3A_673 = arith.constant 0 : i32
        %swap3A_674 = arith.index_cast %swap3A_673 : i32 to index
        %swap3A_675 = arith.index_cast %add3A_651 : i32 to index
        %swap3A_676 = arith.constant 80 : index
        %swap3A_677 = tpu.vector_load %arg9[%swap3A_674, %swap3A_675, %swap3A_676] {strides = array<i32>} : memref<2x32x128xf32, #tpu.memory_space<vmem>>, vector<1x1x16xf32>,
        %swap3A_678 = vector.shape_cast %swap3A_677 : vector<1x1x16xf32> to vector<16xf32>
        %swap3A_679 = vector.shape_cast %get3A_672 : vector<16xf32> to vector<1x1x16xf32>
        tpu.vector_store %arg9[%swap3A_674, %swap3A_675, %swap3A_676], %swap3A_679 {strides = array<i32>} : memref<2x32x128xf32, #tpu.memory_space<vmem>>, vector<1x1x16xf32>,
        %slice3A_680 = vector.extract_strided_slice %get3A_415 {offsets = [7], sizes = [1], strides = [1]} : vector<16xi32> to vector<1xi32>
        %squeeze3A_681 = vector.extract %slice3A_680[0] : i32 from vector<1xi32>
        %mul3A_682 = arith.constant 16 : i32
        %mul3A_683 = arith.muli %scan3A_408, %mul3A_682 : i32
        %add3A_684 = arith.constant 7 : i32
        %add3A_685 = arith.addi %mul3A_683, %add3A_684 : i32
        %mul3A_686 = arith.constant 4 : i32
        %mul3A_687 = arith.muli %scan3A_408, %mul3A_686 : i32
        %add3A_688 = arith.constant 1 : i32
        %add3A_689 = arith.addi %mul3A_687, %add3A_688 : i32
        %get3A_690 = arith.constant 0 : i32
        %get3A_691 = arith.index_cast %get3A_690 : i32 to index
        %get3A_692 = arith.index_cast %add3A_685 : i32 to index
        %get3A_693 = arith.index_cast %squeeze3A_681 : i32 to index
        %get3A_694 = tpu.vector_load %arg8[%get3A_691, %get3A_692, %get3A_693] {strides = array<i32>} : memref<2x128x128xf32, #tpu.memory_space<vmem>>, vector<1x1x16xf32>,
        %get3A_695 = vector.shape_cast %get3A_694 : vector<1x1x16xf32> to vector<16xf32>
        %swap3A_696 = arith.constant 0 : i32
        %swap3A_697 = arith.index_cast %swap3A_696 : i32 to index
        %swap3A_698 = arith.index_cast %add3A_689 : i32 to index
        %swap3A_699 = arith.constant 96 : index
        %swap3A_700 = tpu.vector_load %arg9[%swap3A_697, %swap3A_698, %swap3A_699] {strides = array<i32>} : memref<2x32x128xf32, #tpu.memory_space<vmem>>, vector<1x1x16xf32>,
        %swap3A_701 = vector.shape_cast %swap3A_700 : vector<1x1x16xf32> to vector<16xf32>
        %swap3A_702 = vector.shape_cast %get3A_695 : vector<16xf32> to vector<1x1x16xf32>
        tpu.vector_store %arg9[%swap3A_697, %swap3A_698, %swap3A_699], %swap3A_702 {strides = array<i32>} : memref<2x32x128xf32, #tpu.memory_space<vmem>>, vector<1x1x16xf32>,
        %add3A_703 = arith.constant 16 : i32
        %add3A_704 = arith.addi %squeeze3A_681, %add3A_703 : i32
        %get3A_705 = arith.constant 0 : i32
        %get3A_706 = arith.index_cast %get3A_705 : i32 to index
        %get3A_707 = arith.index_cast %add3A_685 : i32 to index
        %get3A_708 = arith.index_cast %add3A_704 : i32 to index
        %get3A_709 = tpu.vector_load %arg8[%get3A_706, %get3A_707, %get3A_708] {strides = array<i32>} : memref<2x128x128xf32, #tpu.memory_space<vmem>>, vector<1x1x16xf32>,
        %get3A_710 = vector.shape_cast %get3A_709 : vector<1x1x16xf32> to vector<16xf32>
        %swap3A_711 = arith.constant 0 : i32
        %swap3A_712 = arith.index_cast %swap3A_711 : i32 to index
        %swap3A_713 = arith.index_cast %add3A_689 : i32 to index
        %swap3A_714 = arith.constant 112 : index
        %swap3A_715 = tpu.vector_load %arg9[%swap3A_712, %swap3A_713, %swap3A_714] {strides = array<i32>} : memref<2x32x128xf32, #tpu.memory_space<vmem>>, vector<1x1x16xf32>,
        %swap3A_716 = vector.shape_cast %swap3A_715 : vector<1x1x16xf32> to vector<16xf32>
        %swap3A_717 = vector.shape_cast %get3A_710 : vector<16xf32> to vector<1x1x16xf32>
        tpu.vector_store %arg9[%swap3A_712, %swap3A_713, %swap3A_714], %swap3A_717 {strides = array<i32>} : memref<2x32x128xf32, #tpu.memory_space<vmem>>, vector<1x1x16xf32>,
        %slice3A_718 = vector.extract_strided_slice %get3A_415 {offsets = [8], sizes = [1], strides = [1]} : vector<16xi32> to vector<1xi32>
        %squeeze3A_719 = vector.extract %slice3A_718[0] : i32 from vector<1xi32>
        %mul3A_720 = arith.constant 16 : i32
        %mul3A_721 = arith.muli %scan3A_408, %mul3A_720 : i32
        %add3A_722 = arith.constant 8 : i32
        %add3A_723 = arith.addi %mul3A_721, %add3A_722 : i32
        %mul3A_724 = arith.constant 4 : i32
        %mul3A_725 = arith.muli %scan3A_408, %mul3A_724 : i32
        %add3A_726 = arith.constant 2 : i32
        %add3A_727 = arith.addi %mul3A_725, %add3A_726 : i32
        %get3A_728 = arith.constant 0 : i32
        %get3A_729 = arith.index_cast %get3A_728 : i32 to index
        %get3A_730 = arith.index_cast %add3A_723 : i32 to index
        %get3A_731 = arith.index_cast %squeeze3A_719 : i32 to index
        %get3A_732 = tpu.vector_load %arg8[%get3A_729, %get3A_730, %get3A_731] {strides = array<i32>} : memref<2x128x128xf32, #tpu.memory_space<vmem>>, vector<1x1x16xf32>,
        %get3A_733 = vector.shape_cast %get3A_732 : vector<1x1x16xf32> to vector<16xf32>
        %swap3A_734 = arith.constant 0 : i32
        %swap3A_735 = arith.index_cast %swap3A_734 : i32 to index
        %swap3A_736 = arith.index_cast %add3A_727 : i32 to index
        %swap3A_737 = arith.constant 0 : index
        %swap3A_738 = tpu.vector_load %arg9[%swap3A_735, %swap3A_736, %swap3A_737] {strides = array<i32>} : memref<2x32x128xf32, #tpu.memory_space<vmem>>, vector<1x1x16xf32>,
        %swap3A_739 = vector.shape_cast %swap3A_738 : vector<1x1x16xf32> to vector<16xf32>
        %swap3A_740 = vector.shape_cast %get3A_733 : vector<16xf32> to vector<1x1x16xf32>
        tpu.vector_store %arg9[%swap3A_735, %swap3A_736, %swap3A_737], %swap3A_740 {strides = array<i32>} : memref<2x32x128xf32, #tpu.memory_space<vmem>>, vector<1x1x16xf32>,
        %add3A_741 = arith.constant 16 : i32
        %add3A_742 = arith.addi %squeeze3A_719, %add3A_741 : i32
        %get3A_743 = arith.constant 0 : i32
        %get3A_744 = arith.index_cast %get3A_743 : i32 to index
        %get3A_745 = arith.index_cast %add3A_723 : i32 to index
        %get3A_746 = arith.index_cast %add3A_742 : i32 to index
        %get3A_747 = tpu.vector_load %arg8[%get3A_744, %get3A_745, %get3A_746] {strides = array<i32>} : memref<2x128x128xf32, #tpu.memory_space<vmem>>, vector<1x1x16xf32>,
        %get3A_748 = vector.shape_cast %get3A_747 : vector<1x1x16xf32> to vector<16xf32>
        %swap3A_749 = arith.constant 0 : i32
        %swap3A_750 = arith.index_cast %swap3A_749 : i32 to index
        %swap3A_751 = arith.index_cast %add3A_727 : i32 to index
        %swap3A_752 = arith.constant 16 : index
        %swap3A_753 = tpu.vector_load %arg9[%swap3A_750, %swap3A_751, %swap3A_752] {strides = array<i32>} : memref<2x32x128xf32, #tpu.memory_space<vmem>>, vector<1x1x16xf32>,
        %swap3A_754 = vector.shape_cast %swap3A_753 : vector<1x1x16xf32> to vector<16xf32>
        %swap3A_755 = vector.shape_cast %get3A_748 : vector<16xf32> to vector<1x1x16xf32>
        tpu.vector_store %arg9[%swap3A_750, %swap3A_751, %swap3A_752], %swap3A_755 {strides = array<i32>} : memref<2x32x128xf32, #tpu.memory_space<vmem>>, vector<1x1x16xf32>,
        %slice3A_756 = vector.extract_strided_slice %get3A_415 {offsets = [9], sizes = [1], strides = [1]} : vector<16xi32> to vector<1xi32>
        %squeeze3A_757 = vector.extract %slice3A_756[0] : i32 from vector<1xi32>
        %mul3A_758 = arith.constant 16 : i32
        %mul3A_759 = arith.muli %scan3A_408, %mul3A_758 : i32
        %add3A_760 = arith.constant 9 : i32
        %add3A_761 = arith.addi %mul3A_759, %add3A_760 : i32
        %mul3A_762 = arith.constant 4 : i32
        %mul3A_763 = arith.muli %scan3A_408, %mul3A_762 : i32
        %add3A_764 = arith.constant 2 : i32
        %add3A_765 = arith.addi %mul3A_763, %add3A_764 : i32
        %get3A_766 = arith.constant 0 : i32
        %get3A_767 = arith.index_cast %get3A_766 : i32 to index
        %get3A_768 = arith.index_cast %add3A_761 : i32 to index
        %get3A_769 = arith.index_cast %squeeze3A_757 : i32 to index
        %get3A_770 = tpu.vector_load %arg8[%get3A_767, %get3A_768, %get3A_769] {strides = array<i32>} : memref<2x128x128xf32, #tpu.memory_space<vmem>>, vector<1x1x16xf32>,
        %get3A_771 = vector.shape_cast %get3A_770 : vector<1x1x16xf32> to vector<16xf32>
        %swap3A_772 = arith.constant 0 : i32
        %swap3A_773 = arith.index_cast %swap3A_772 : i32 to index
        %swap3A_774 = arith.index_cast %add3A_765 : i32 to index
        %swap3A_775 = arith.constant 32 : index
        %swap3A_776 = tpu.vector_load %arg9[%swap3A_773, %swap3A_774, %swap3A_775] {strides = array<i32>} : memref<2x32x128xf32, #tpu.memory_space<vmem>>, vector<1x1x16xf32>,
        %swap3A_777 = vector.shape_cast %swap3A_776 : vector<1x1x16xf32> to vector<16xf32>
        %swap3A_778 = vector.shape_cast %get3A_771 : vector<16xf32> to vector<1x1x16xf32>
        tpu.vector_store %arg9[%swap3A_773, %swap3A_774, %swap3A_775], %swap3A_778 {strides = array<i32>} : memref<2x32x128xf32, #tpu.memory_space<vmem>>, vector<1x1x16xf32>,
        %add3A_779 = arith.constant 16 : i32
        %add3A_780 = arith.addi %squeeze3A_757, %add3A_779 : i32
        %get3A_781 = arith.constant 0 : i32
        %get3A_782 = arith.index_cast %get3A_781 : i32 to index
        %get3A_783 = arith.index_cast %add3A_761 : i32 to index
        %get3A_784 = arith.index_cast %add3A_780 : i32 to index
        %get3A_785 = tpu.vector_load %arg8[%get3A_782, %get3A_783, %get3A_784] {strides = array<i32>} : memref<2x128x128xf32, #tpu.memory_space<vmem>>, vector<1x1x16xf32>,
        %get3A_786 = vector.shape_cast %get3A_785 : vector<1x1x16xf32> to vector<16xf32>
        %swap3A_787 = arith.constant 0 : i32
        %swap3A_788 = arith.index_cast %swap3A_787 : i32 to index
        %swap3A_789 = arith.index_cast %add3A_765 : i32 to index
        %swap3A_790 = arith.constant 48 : index
        %swap3A_791 = tpu.vector_load %arg9[%swap3A_788, %swap3A_789, %swap3A_790] {strides = array<i32>} : memref<2x32x128xf32, #tpu.memory_space<vmem>>, vector<1x1x16xf32>,
        %swap3A_792 = vector.shape_cast %swap3A_791 : vector<1x1x16xf32> to vector<16xf32>
        %swap3A_793 = vector.shape_cast %get3A_786 : vector<16xf32> to vector<1x1x16xf32>
        tpu.vector_store %arg9[%swap3A_788, %swap3A_789, %swap3A_790], %swap3A_793 {strides = array<i32>} : memref<2x32x128xf32, #tpu.memory_space<vmem>>, vector<1x1x16xf32>,
        %slice3A_794 = vector.extract_strided_slice %get3A_415 {offsets = [10], sizes = [1], strides = [1]} : vector<16xi32> to vector<1xi32>
        %squeeze3A_795 = vector.extract %slice3A_794[0] : i32 from vector<1xi32>
        %mul3A_796 = arith.constant 16 : i32
        %mul3A_797 = arith.muli %scan3A_408, %mul3A_796 : i32
        %add3A_798 = arith.constant 10 : i32
        %add3A_799 = arith.addi %mul3A_797, %add3A_798 : i32
        %mul3A_800 = arith.constant 4 : i32
        %mul3A_801 = arith.muli %scan3A_408, %mul3A_800 : i32
        %add3A_802 = arith.constant 2 : i32
        %add3A_803 = arith.addi %mul3A_801, %add3A_802 : i32
        %get3A_804 = arith.constant 0 : i32
        %get3A_805 = arith.index_cast %get3A_804 : i32 to index
        %get3A_806 = arith.index_cast %add3A_799 : i32 to index
        %get3A_807 = arith.index_cast %squeeze3A_795 : i32 to index
        %get3A_808 = tpu.vector_load %arg8[%get3A_805, %get3A_806, %get3A_807] {strides = array<i32>} : memref<2x128x128xf32, #tpu.memory_space<vmem>>, vector<1x1x16xf32>,
        %get3A_809 = vector.shape_cast %get3A_808 : vector<1x1x16xf32> to vector<16xf32>
        %swap3A_810 = arith.constant 0 : i32
        %swap3A_811 = arith.index_cast %swap3A_810 : i32 to index
        %swap3A_812 = arith.index_cast %add3A_803 : i32 to index
        %swap3A_813 = arith.constant 64 : index
        %swap3A_814 = tpu.vector_load %arg9[%swap3A_811, %swap3A_812, %swap3A_813] {strides = array<i32>} : memref<2x32x128xf32, #tpu.memory_space<vmem>>, vector<1x1x16xf32>,
        %swap3A_815 = vector.shape_cast %swap3A_814 : vector<1x1x16xf32> to vector<16xf32>
        %swap3A_816 = vector.shape_cast %get3A_809 : vector<16xf32> to vector<1x1x16xf32>
        tpu.vector_store %arg9[%swap3A_811, %swap3A_812, %swap3A_813], %swap3A_816 {strides = array<i32>} : memref<2x32x128xf32, #tpu.memory_space<vmem>>, vector<1x1x16xf32>,
        %add3A_817 = arith.constant 16 : i32
        %add3A_818 = arith.addi %squeeze3A_795, %add3A_817 : i32
        %get3A_819 = arith.constant 0 : i32
        %get3A_820 = arith.index_cast %get3A_819 : i32 to index
        %get3A_821 = arith.index_cast %add3A_799 : i32 to index
        %get3A_822 = arith.index_cast %add3A_818 : i32 to index
        %get3A_823 = tpu.vector_load %arg8[%get3A_820, %get3A_821, %get3A_822] {strides = array<i32>} : memref<2x128x128xf32, #tpu.memory_space<vmem>>, vector<1x1x16xf32>,
        %get3A_824 = vector.shape_cast %get3A_823 : vector<1x1x16xf32> to vector<16xf32>
        %swap3A_825 = arith.constant 0 : i32
        %swap3A_826 = arith.index_cast %swap3A_825 : i32 to index
        %swap3A_827 = arith.index_cast %add3A_803 : i32 to index
        %swap3A_828 = arith.constant 80 : index
        %swap3A_829 = tpu.vector_load %arg9[%swap3A_826, %swap3A_827, %swap3A_828] {strides = array<i32>} : memref<2x32x128xf32, #tpu.memory_space<vmem>>, vector<1x1x16xf32>,
        %swap3A_830 = vector.shape_cast %swap3A_829 : vector<1x1x16xf32> to vector<16xf32>
        %swap3A_831 = vector.shape_cast %get3A_824 : vector<16xf32> to vector<1x1x16xf32>
        tpu.vector_store %arg9[%swap3A_826, %swap3A_827, %swap3A_828], %swap3A_831 {strides = array<i32>} : memref<2x32x128xf32, #tpu.memory_space<vmem>>, vector<1x1x16xf32>,
        %slice3A_832 = vector.extract_strided_slice %get3A_415 {offsets = [11], sizes = [1], strides = [1]} : vector<16xi32> to vector<1xi32>
        %squeeze3A_833 = vector.extract %slice3A_832[0] : i32 from vector<1xi32>
        %mul3A_834 = arith.constant 16 : i32
        %mul3A_835 = arith.muli %scan3A_408, %mul3A_834 : i32
        %add3A_836 = arith.constant 11 : i32
        %add3A_837 = arith.addi %mul3A_835, %add3A_836 : i32
        %mul3A_838 = arith.constant 4 : i32
        %mul3A_839 = arith.muli %scan3A_408, %mul3A_838 : i32
        %add3A_840 = arith.constant 2 : i32
        %add3A_841 = arith.addi %mul3A_839, %add3A_840 : i32
        %get3A_842 = arith.constant 0 : i32
        %get3A_843 = arith.index_cast %get3A_842 : i32 to index
        %get3A_844 = arith.index_cast %add3A_837 : i32 to index
        %get3A_845 = arith.index_cast %squeeze3A_833 : i32 to index
        %get3A_846 = tpu.vector_load %arg8[%get3A_843, %get3A_844, %get3A_845] {strides = array<i32>} : memref<2x128x128xf32, #tpu.memory_space<vmem>>, vector<1x1x16xf32>,
        %get3A_847 = vector.shape_cast %get3A_846 : vector<1x1x16xf32> to vector<16xf32>
        %swap3A_848 = arith.constant 0 : i32
        %swap3A_849 = arith.index_cast %swap3A_848 : i32 to index
        %swap3A_850 = arith.index_cast %add3A_841 : i32 to index
        %swap3A_851 = arith.constant 96 : index
        %swap3A_852 = tpu.vector_load %arg9[%swap3A_849, %swap3A_850, %swap3A_851] {strides = array<i32>} : memref<2x32x128xf32, #tpu.memory_space<vmem>>, vector<1x1x16xf32>,
        %swap3A_853 = vector.shape_cast %swap3A_852 : vector<1x1x16xf32> to vector<16xf32>
        %swap3A_854 = vector.shape_cast %get3A_847 : vector<16xf32> to vector<1x1x16xf32>
        tpu.vector_store %arg9[%swap3A_849, %swap3A_850, %swap3A_851], %swap3A_854 {strides = array<i32>} : memref<2x32x128xf32, #tpu.memory_space<vmem>>, vector<1x1x16xf32>,
        %add3A_855 = arith.constant 16 : i32
        %add3A_856 = arith.addi %squeeze3A_833, %add3A_855 : i32
        %get3A_857 = arith.constant 0 : i32
        %get3A_858 = arith.index_cast %get3A_857 : i32 to index
        %get3A_859 = arith.index_cast %add3A_837 : i32 to index
        %get3A_860 = arith.index_cast %add3A_856 : i32 to index
        %get3A_861 = tpu.vector_load %arg8[%get3A_858, %get3A_859, %get3A_860] {strides = array<i32>} : memref<2x128x128xf32, #tpu.memory_space<vmem>>, vector<1x1x16xf32>,
        %get3A_862 = vector.shape_cast %get3A_861 : vector<1x1x16xf32> to vector<16xf32>
        %swap3A_863 = arith.constant 0 : i32
        %swap3A_864 = arith.index_cast %swap3A_863 : i32 to index
        %swap3A_865 = arith.index_cast %add3A_841 : i32 to index
        %swap3A_866 = arith.constant 112 : index
        %swap3A_867 = tpu.vector_load %arg9[%swap3A_864, %swap3A_865, %swap3A_866] {strides = array<i32>} : memref<2x32x128xf32, #tpu.memory_space<vmem>>, vector<1x1x16xf32>,
        %swap3A_868 = vector.shape_cast %swap3A_867 : vector<1x1x16xf32> to vector<16xf32>
        %swap3A_869 = vector.shape_cast %get3A_862 : vector<16xf32> to vector<1x1x16xf32>
        tpu.vector_store %arg9[%swap3A_864, %swap3A_865, %swap3A_866], %swap3A_869 {strides = array<i32>} : memref<2x32x128xf32, #tpu.memory_space<vmem>>, vector<1x1x16xf32>,
        %slice3A_870 = vector.extract_strided_slice %get3A_415 {offsets = [12], sizes = [1], strides = [1]} : vector<16xi32> to vector<1xi32>
        %squeeze3A_871 = vector.extract %slice3A_870[0] : i32 from vector<1xi32>
        %mul3A_872 = arith.constant 16 : i32
        %mul3A_873 = arith.muli %scan3A_408, %mul3A_872 : i32
        %add3A_874 = arith.constant 12 : i32
        %add3A_875 = arith.addi %mul3A_873, %add3A_874 : i32
        %mul3A_876 = arith.constant 4 : i32
        %mul3A_877 = arith.muli %scan3A_408, %mul3A_876 : i32
        %add3A_878 = arith.constant 3 : i32
        %add3A_879 = arith.addi %mul3A_877, %add3A_878 : i32
        %get3A_880 = arith.constant 0 : i32
        %get3A_881 = arith.index_cast %get3A_880 : i32 to index
        %get3A_882 = arith.index_cast %add3A_875 : i32 to index
        %get3A_883 = arith.index_cast %squeeze3A_871 : i32 to index
        %get3A_884 = tpu.vector_load %arg8[%get3A_881, %get3A_882, %get3A_883] {strides = array<i32>} : memref<2x128x128xf32, #tpu.memory_space<vmem>>, vector<1x1x16xf32>,
        %get3A_885 = vector.shape_cast %get3A_884 : vector<1x1x16xf32> to vector<16xf32>
        %swap3A_886 = arith.constant 0 : i32
        %swap3A_887 = arith.index_cast %swap3A_886 : i32 to index
        %swap3A_888 = arith.index_cast %add3A_879 : i32 to index
        %swap3A_889 = arith.constant 0 : index
        %swap3A_890 = tpu.vector_load %arg9[%swap3A_887, %swap3A_888, %swap3A_889] {strides = array<i32>} : memref<2x32x128xf32, #tpu.memory_space<vmem>>, vector<1x1x16xf32>,
        %swap3A_891 = vector.shape_cast %swap3A_890 : vector<1x1x16xf32> to vector<16xf32>
        %swap3A_892 = vector.shape_cast %get3A_885 : vector<16xf32> to vector<1x1x16xf32>
        tpu.vector_store %arg9[%swap3A_887, %swap3A_888, %swap3A_889], %swap3A_892 {strides = array<i32>} : memref<2x32x128xf32, #tpu.memory_space<vmem>>, vector<1x1x16xf32>,
        %add3A_893 = arith.constant 16 : i32
        %add3A_894 = arith.addi %squeeze3A_871, %add3A_893 : i32
        %get3A_895 = arith.constant 0 : i32
        %get3A_896 = arith.index_cast %get3A_895 : i32 to index
        %get3A_897 = arith.index_cast %add3A_875 : i32 to index
        %get3A_898 = arith.index_cast %add3A_894 : i32 to index
        %get3A_899 = tpu.vector_load %arg8[%get3A_896, %get3A_897, %get3A_898] {strides = array<i32>} : memref<2x128x128xf32, #tpu.memory_space<vmem>>, vector<1x1x16xf32>,
        %get3A_900 = vector.shape_cast %get3A_899 : vector<1x1x16xf32> to vector<16xf32>
        %swap3A_901 = arith.constant 0 : i32
        %swap3A_902 = arith.index_cast %swap3A_901 : i32 to index
        %swap3A_903 = arith.index_cast %add3A_879 : i32 to index
        %swap3A_904 = arith.constant 16 : index
        %swap3A_905 = tpu.vector_load %arg9[%swap3A_902, %swap3A_903, %swap3A_904] {strides = array<i32>} : memref<2x32x128xf32, #tpu.memory_space<vmem>>, vector<1x1x16xf32>,
        %swap3A_906 = vector.shape_cast %swap3A_905 : vector<1x1x16xf32> to vector<16xf32>
        %swap3A_907 = vector.shape_cast %get3A_900 : vector<16xf32> to vector<1x1x16xf32>
        tpu.vector_store %arg9[%swap3A_902, %swap3A_903, %swap3A_904], %swap3A_907 {strides = array<i32>} : memref<2x32x128xf32, #tpu.memory_space<vmem>>, vector<1x1x16xf32>,
        %slice3A_908 = vector.extract_strided_slice %get3A_415 {offsets = [13], sizes = [1], strides = [1]} : vector<16xi32> to vector<1xi32>
        %squeeze3A_909 = vector.extract %slice3A_908[0] : i32 from vector<1xi32>
        %mul3A_910 = arith.constant 16 : i32
        %mul3A_911 = arith.muli %scan3A_408, %mul3A_910 : i32
        %add3A_912 = arith.constant 13 : i32
        %add3A_913 = arith.addi %mul3A_911, %add3A_912 : i32
        %mul3A_914 = arith.constant 4 : i32
        %mul3A_915 = arith.muli %scan3A_408, %mul3A_914 : i32
        %add3A_916 = arith.constant 3 : i32
        %add3A_917 = arith.addi %mul3A_915, %add3A_916 : i32
        %get3A_918 = arith.constant 0 : i32
        %get3A_919 = arith.index_cast %get3A_918 : i32 to index
        %get3A_920 = arith.index_cast %add3A_913 : i32 to index
        %get3A_921 = arith.index_cast %squeeze3A_909 : i32 to index
        %get3A_922 = tpu.vector_load %arg8[%get3A_919, %get3A_920, %get3A_921] {strides = array<i32>} : memref<2x128x128xf32, #tpu.memory_space<vmem>>, vector<1x1x16xf32>,
        %get3A_923 = vector.shape_cast %get3A_922 : vector<1x1x16xf32> to vector<16xf32>
        %swap3A_924 = arith.constant 0 : i32
        %swap3A_925 = arith.index_cast %swap3A_924 : i32 to index
        %swap3A_926 = arith.index_cast %add3A_917 : i32 to index
        %swap3A_927 = arith.constant 32 : index
        %swap3A_928 = tpu.vector_load %arg9[%swap3A_925, %swap3A_926, %swap3A_927] {strides = array<i32>} : memref<2x32x128xf32, #tpu.memory_space<vmem>>, vector<1x1x16xf32>,
        %swap3A_929 = vector.shape_cast %swap3A_928 : vector<1x1x16xf32> to vector<16xf32>
        %swap3A_930 = vector.shape_cast %get3A_923 : vector<16xf32> to vector<1x1x16xf32>
        tpu.vector_store %arg9[%swap3A_925, %swap3A_926, %swap3A_927], %swap3A_930 {strides = array<i32>} : memref<2x32x128xf32, #tpu.memory_space<vmem>>, vector<1x1x16xf32>,
        %add3A_931 = arith.constant 16 : i32
        %add3A_932 = arith.addi %squeeze3A_909, %add3A_931 : i32
        %get3A_933 = arith.constant 0 : i32
        %get3A_934 = arith.index_cast %get3A_933 : i32 to index
        %get3A_935 = arith.index_cast %add3A_913 : i32 to index
        %get3A_936 = arith.index_cast %add3A_932 : i32 to index
        %get3A_937 = tpu.vector_load %arg8[%get3A_934, %get3A_935, %get3A_936] {strides = array<i32>} : memref<2x128x128xf32, #tpu.memory_space<vmem>>, vector<1x1x16xf32>,
        %get3A_938 = vector.shape_cast %get3A_937 : vector<1x1x16xf32> to vector<16xf32>
        %swap3A_939 = arith.constant 0 : i32
        %swap3A_940 = arith.index_cast %swap3A_939 : i32 to index
        %swap3A_941 = arith.index_cast %add3A_917 : i32 to index
        %swap3A_942 = arith.constant 48 : index
        %swap3A_943 = tpu.vector_load %arg9[%swap3A_940, %swap3A_941, %swap3A_942] {strides = array<i32>} : memref<2x32x128xf32, #tpu.memory_space<vmem>>, vector<1x1x16xf32>,
        %swap3A_944 = vector.shape_cast %swap3A_943 : vector<1x1x16xf32> to vector<16xf32>
        %swap3A_945 = vector.shape_cast %get3A_938 : vector<16xf32> to vector<1x1x16xf32>
        tpu.vector_store %arg9[%swap3A_940, %swap3A_941, %swap3A_942], %swap3A_945 {strides = array<i32>} : memref<2x32x128xf32, #tpu.memory_space<vmem>>, vector<1x1x16xf32>,
        %slice3A_946 = vector.extract_strided_slice %get3A_415 {offsets = [14], sizes = [1], strides = [1]} : vector<16xi32> to vector<1xi32>
        %squeeze3A_947 = vector.extract %slice3A_946[0] : i32 from vector<1xi32>
        %mul3A_948 = arith.constant 16 : i32
        %mul3A_949 = arith.muli %scan3A_408, %mul3A_948 : i32
        %add3A_950 = arith.constant 14 : i32
        %add3A_951 = arith.addi %mul3A_949, %add3A_950 : i32
        %mul3A_952 = arith.constant 4 : i32
        %mul3A_953 = arith.muli %scan3A_408, %mul3A_952 : i32
        %add3A_954 = arith.constant 3 : i32
        %add3A_955 = arith.addi %mul3A_953, %add3A_954 : i32
        %get3A_956 = arith.constant 0 : i32
        %get3A_957 = arith.index_cast %get3A_956 : i32 to index
        %get3A_958 = arith.index_cast %add3A_951 : i32 to index
        %get3A_959 = arith.index_cast %squeeze3A_947 : i32 to index
        %get3A_960 = tpu.vector_load %arg8[%get3A_957, %get3A_958, %get3A_959] {strides = array<i32>} : memref<2x128x128xf32, #tpu.memory_space<vmem>>, vector<1x1x16xf32>,
        %get3A_961 = vector.shape_cast %get3A_960 : vector<1x1x16xf32> to vector<16xf32>
        %swap3A_962 = arith.constant 0 : i32
        %swap3A_963 = arith.index_cast %swap3A_962 : i32 to index
        %swap3A_964 = arith.index_cast %add3A_955 : i32 to index
        %swap3A_965 = arith.constant 64 : index
        %swap3A_966 = tpu.vector_load %arg9[%swap3A_963, %swap3A_964, %swap3A_965] {strides = array<i32>} : memref<2x32x128xf32, #tpu.memory_space<vmem>>, vector<1x1x16xf32>,
        %swap3A_967 = vector.shape_cast %swap3A_966 : vector<1x1x16xf32> to vector<16xf32>
        %swap3A_968 = vector.shape_cast %get3A_961 : vector<16xf32> to vector<1x1x16xf32>
        tpu.vector_store %arg9[%swap3A_963, %swap3A_964, %swap3A_965], %swap3A_968 {strides = array<i32>} : memref<2x32x128xf32, #tpu.memory_space<vmem>>, vector<1x1x16xf32>,
        %add3A_969 = arith.constant 16 : i32
        %add3A_970 = arith.addi %squeeze3A_947, %add3A_969 : i32
        %get3A_971 = arith.constant 0 : i32
        %get3A_972 = arith.index_cast %get3A_971 : i32 to index
        %get3A_973 = arith.index_cast %add3A_951 : i32 to index
        %get3A_974 = arith.index_cast %add3A_970 : i32 to index
        %get3A_975 = tpu.vector_load %arg8[%get3A_972, %get3A_973, %get3A_974] {strides = array<i32>} : memref<2x128x128xf32, #tpu.memory_space<vmem>>, vector<1x1x16xf32>,
        %get3A_976 = vector.shape_cast %get3A_975 : vector<1x1x16xf32> to vector<16xf32>
        %swap3A_977 = arith.constant 0 : i32
        %swap3A_978 = arith.index_cast %swap3A_977 : i32 to index
        %swap3A_979 = arith.index_cast %add3A_955 : i32 to index
        %swap3A_980 = arith.constant 80 : index
        %swap3A_981 = tpu.vector_load %arg9[%swap3A_978, %swap3A_979, %swap3A_980] {strides = array<i32>} : memref<2x32x128xf32, #tpu.memory_space<vmem>>, vector<1x1x16xf32>,
        %swap3A_982 = vector.shape_cast %swap3A_981 : vector<1x1x16xf32> to vector<16xf32>
        %swap3A_983 = vector.shape_cast %get3A_976 : vector<16xf32> to vector<1x1x16xf32>
        tpu.vector_store %arg9[%swap3A_978, %swap3A_979, %swap3A_980], %swap3A_983 {strides = array<i32>} : memref<2x32x128xf32, #tpu.memory_space<vmem>>, vector<1x1x16xf32>,
        %slice3A_984 = vector.extract_strided_slice %get3A_415 {offsets = [15], sizes = [1], strides = [1]} : vector<16xi32> to vector<1xi32>
        %squeeze3A_985 = vector.extract %slice3A_984[0] : i32 from vector<1xi32>
        %mul3A_986 = arith.constant 16 : i32
        %mul3A_987 = arith.muli %scan3A_408, %mul3A_986 : i32
        %add3A_988 = arith.constant 15 : i32
        %add3A_989 = arith.addi %mul3A_987, %add3A_988 : i32
        %mul3A_990 = arith.constant 4 : i32
        %mul3A_991 = arith.muli %scan3A_408, %mul3A_990 : i32
        %add3A_992 = arith.constant 3 : i32
        %add3A_993 = arith.addi %mul3A_991, %add3A_992 : i32
        %get3A_994 = arith.constant 0 : i32
        %get3A_995 = arith.index_cast %get3A_994 : i32 to index
        %get3A_996 = arith.index_cast %add3A_989 : i32 to index
        %get3A_997 = arith.index_cast %squeeze3A_985 : i32 to index
        %get3A_998 = tpu.vector_load %arg8[%get3A_995, %get3A_996, %get3A_997] {strides = array<i32>} : memref<2x128x128xf32, #tpu.memory_space<vmem>>, vector<1x1x16xf32>,
        %get3A_999 = vector.shape_cast %get3A_998 : vector<1x1x16xf32> to vector<16xf32>
        %swap3A_1000 = arith.constant 0 : i32
        %swap3A_1001 = arith.index_cast %swap3A_1000 : i32 to index
        %swap3A_1002 = arith.index_cast %add3A_993 : i32 to index
        %swap3A_1003 = arith.constant 96 : index
        %swap3A_1004 = tpu.vector_load %arg9[%swap3A_1001, %swap3A_1002, %swap3A_1003] {strides = array<i32>} : memref<2x32x128xf32, #tpu.memory_space<vmem>>, vector<1x1x16xf32>,
        %swap3A_1005 = vector.shape_cast %swap3A_1004 : vector<1x1x16xf32> to vector<16xf32>
        %swap3A_1006 = vector.shape_cast %get3A_999 : vector<16xf32> to vector<1x1x16xf32>
        tpu.vector_store %arg9[%swap3A_1001, %swap3A_1002, %swap3A_1003], %swap3A_1006 {strides = array<i32>} : memref<2x32x128xf32, #tpu.memory_space<vmem>>, vector<1x1x16xf32>,
        %add3A_1007 = arith.constant 16 : i32
        %add3A_1008 = arith.addi %squeeze3A_985, %add3A_1007 : i32
        %get3A_1009 = arith.constant 0 : i32
        %get3A_1010 = arith.index_cast %get3A_1009 : i32 to index
        %get3A_1011 = arith.index_cast %add3A_989 : i32 to index
        %get3A_1012 = arith.index_cast %add3A_1008 : i32 to index
        %get3A_1013 = tpu.vector_load %arg8[%get3A_1010, %get3A_1011, %get3A_1012] {strides = array<i32>} : memref<2x128x128xf32, #tpu.memory_space<vmem>>, vector<1x1x16xf32>,
        %get3A_1014 = vector.shape_cast %get3A_1013 : vector<1x1x16xf32> to vector<16xf32>
        %swap3A_1015 = arith.constant 0 : i32
        %swap3A_1016 = arith.index_cast %swap3A_1015 : i32 to index
        %swap3A_1017 = arith.index_cast %add3A_993 : i32 to index
        %swap3A_1018 = arith.constant 112 : index
        %swap3A_1019 = tpu.vector_load %arg9[%swap3A_1016, %swap3A_1017, %swap3A_1018] {strides = array<i32>} : memref<2x32x128xf32, #tpu.memory_space<vmem>>, vector<1x1x16xf32>,
        %swap3A_1020 = vector.shape_cast %swap3A_1019 : vector<1x1x16xf32> to vector<16xf32>
        %swap3A_1021 = vector.shape_cast %get3A_1014 : vector<16xf32> to vector<1x1x16xf32>
        tpu.vector_store %arg9[%swap3A_1016, %swap3A_1017, %swap3A_1018], %swap3A_1021 {strides = array<i32>} : memref<2x32x128xf32, #tpu.memory_space<vmem>>, vector<1x1x16xf32>,
      }
      %scan3A_331 = arith.constant 8 : i32
      %mul3A_332 = arith.constant 32 : i32
      %mul3A_333 = arith.muli %add3A_295, %mul3A_332 : i32
      %add3A_334 = arith.addi %mul3A_2, %mul3A_333 : i32
      %dma_start3A_335 = arith.constant 0 : i32
      %dma_start3A_336 = arith.constant 0 : i32
      %dma_start3A_337 = arith.constant 0 : i32
      %dma_start3A_338 = tpu.memref_slice %arg9[%dma_start3A_335, %dma_start3A_336, %dma_start3A_337] : memref<2x32x128xf32, #tpu.memory_space<vmem>> -> memref<1x32x128xf32, #tpu.memory_space<vmem>>
      %dma_start3A_339 = tpu.memref_squeeze %dma_start3A_338 : memref<1x32x128xf32, #tpu.memory_space<vmem>> -> memref<32x128xf32, #tpu.memory_space<vmem>>
      %dma_start3A_340 = arith.constant 0 : i32
      %dma_start3A_341 = tpu.memref_slice %arg4[%add3A_334, %dma_start3A_340] : memref<204800x128xf32, #tpu.memory_space<hbm>> -> memref<32x128xf32, #tpu.memory_space<hbm>>
      %dma_start3A_342 = arith.constant 0 : i32
      %dma_start3A_343 = tpu.memref_slice %arg4[%add3A_334, %dma_start3A_342] : memref<204800x128xf32, #tpu.memory_space<hbm>> -> memref<32x128xf32, #tpu.memory_space<hbm>>
      %dma_start3A_344 = arith.constant 0 : i32
      %dma_start3A_345 = arith.constant 0 : i32
      %dma_start3A_346 = tpu.memref_slice %arg9[%dma_start3A_335, %dma_start3A_344, %dma_start3A_345] : memref<2x32x128xf32, #tpu.memory_space<vmem>> -> memref<1x32x128xf32, #tpu.memory_space<vmem>>
      %dma_start3A_347 = tpu.memref_squeeze %dma_start3A_346 : memref<1x32x128xf32, #tpu.memory_space<vmem>> -> memref<32x128xf32, #tpu.memory_space<vmem>>
      tpu.enqueue_dma source(%dma_start3A_347 : memref<32x128xf32, #tpu.memory_space<vmem>>) target(%dma_start3A_343 : memref<32x128xf32, #tpu.memory_space<hbm>>) target_semaphore(%arg12 : memref<!tpu.dma_semaphore, #tpu.memory_space<semaphore_mem>>)
      %mul3A_348 = arith.constant 2 : i32
      %mul3A_349 = arith.muli %mul3A_348, %scan3A_291 : i32
      %add3A_350 = arith.constant 1 : i32
      %add3A_351 = arith.addi %mul3A_349, %add3A_350 : i32
      %add3A_352 = arith.constant 1 : i32
      %add3A_353 = arith.addi %add3A_351, %add3A_352 : i32
      %lt3A_354 = arith.constant 200 : i32
      %lt3A_355 = arith.cmpi slt, %add3A_353, %lt3A_354 : i32
      %convert_element_type3A_356 = arith.extui %lt3A_355 : i1 to i32
      %cond3A_357 = arith.constant 0 : i32
      %cond3A_358 = arith.cmpi ne, %convert_element_type3A_356, %cond3A_357 : i32
      scf.if %cond3A_358 {
        %dma_wait3A_408 = arith.constant 0 : i32
        %dma_wait3A_409 = arith.constant 0 : i32
        %dma_wait3A_410 = tpu.memref_slice %arg5[%dma_wait3A_408, %dma_wait3A_409] : memref<2x128xi32, #tpu.memory_space<vmem>> -> memref<1x128xi32, #tpu.memory_space<vmem>>
        %dma_wait3A_411 = tpu.memref_squeeze %dma_wait3A_410 : memref<1x128xi32, #tpu.memory_space<vmem>> -> memref<128xi32, #tpu.memory_space<vmem>>
        %dma_wait3A_412 = arith.constant 0 : i32
        %dma_wait3A_413 = tpu.memref_slice %arg2[%add3A, %dma_wait3A_412] : memref<32x25600xi32, #tpu.memory_space<hbm>> -> memref<1x128xi32, #tpu.memory_space<hbm>>
        %dma_wait3A_414 = tpu.memref_squeeze %dma_wait3A_413 : memref<1x128xi32, #tpu.memory_space<hbm>> -> memref<128xi32, #tpu.memory_space<hbm>>
        %dma_wait3A_415 = arith.constant 0 : i32
        %dma_wait3A_416 = tpu.memref_slice %arg5[%dma_wait3A_408, %dma_wait3A_415] : memref<2x128xi32, #tpu.memory_space<vmem>> -> memref<1x128xi32, #tpu.memory_space<vmem>>
        %dma_wait3A_417 = tpu.memref_squeeze %dma_wait3A_416 : memref<1x128xi32, #tpu.memory_space<vmem>> -> memref<128xi32, #tpu.memory_space<vmem>>
        %dma_wait3A_418 = arith.constant 0 : i32
        %dma_wait3A_419 = tpu.memref_slice %arg2[%add3A, %dma_wait3A_418] : memref<32x25600xi32, #tpu.memory_space<hbm>> -> memref<1x128xi32, #tpu.memory_space<hbm>>
        %dma_wait3A_420 = tpu.memref_squeeze %dma_wait3A_419 : memref<1x128xi32, #tpu.memory_space<hbm>> -> memref<128xi32, #tpu.memory_space<hbm>>
        tpu.wait_dma2 semaphore(%arg10 : memref<!tpu.dma_semaphore, #tpu.memory_space<semaphore_mem>>) src(%dma_wait3A_420 : memref<128xi32, #tpu.memory_space<hbm>>) dst(%dma_wait3A_417 : memref<128xi32, #tpu.memory_space<vmem>>)
        %get3A_421 = arith.constant 0 : i32
        %get3A_422 = arith.index_cast %get3A_421 : i32 to index
        %get3A_423 = arith.constant 0 : index
        %get3A_424 = tpu.vector_load %arg5[%get3A_422, %get3A_423] {strides = array<i32>} : memref<2x128xi32, #tpu.memory_space<vmem>>, vector<1x16xi32>,
        %get3A_425 = vector.shape_cast %get3A_424 : vector<1x16xi32> to vector<16xi32>
        %shift_right_logical3A_426 = arith.constant 2 : i32
        %shift_right_logical3A_427 = vector.broadcast %shift_right_logical3A_426 : i32 to vector<16xi32>
        %shift_right_logical3A_428 = arith.shrui %get3A_425, %shift_right_logical3A_427 : vector<16xi32>
        %swap3A_429 = arith.constant 0 : i32
        %swap3A_430 = arith.index_cast %swap3A_429 : i32 to index
        %swap3A_431 = arith.constant 0 : index
        %swap3A_432 = tpu.vector_load %arg6[%swap3A_430, %swap3A_431] {strides = array<i32>} : memref<2x128xi32, #tpu.memory_space<vmem>>, vector<1x16xi32>,
        %swap3A_433 = vector.shape_cast %swap3A_432 : vector<1x16xi32> to vector<16xi32>
        %swap3A_434 = vector.shape_cast %shift_right_logical3A_428 : vector<16xi32> to vector<1x16xi32>
        tpu.vector_store %arg6[%swap3A_430, %swap3A_431], %swap3A_434 {strides = array<i32>} : memref<2x128xi32, #tpu.memory_space<vmem>>, vector<1x16xi32>,
        %and3A_435 = arith.constant 3 : i32
        %and3A_436 = vector.broadcast %and3A_435 : i32 to vector<16xi32>
        %and3A_437 = arith.andi %get3A_425, %and3A_436 : vector<16xi32>
        %mul3A_438 = arith.constant 32 : i32
        %mul3A_439 = vector.broadcast %mul3A_438 : i32 to vector<16xi32>
        %mul3A_440 = arith.muli %and3A_437, %mul3A_439 : vector<16xi32>
        %swap3A_441 = arith.constant 0 : i32
        %swap3A_442 = arith.index_cast %swap3A_441 : i32 to index
        %swap3A_443 = arith.constant 0 : index
        %swap3A_444 = tpu.vector_load %arg7[%swap3A_442, %swap3A_443] {strides = array<i32>} : memref<2x128xi32, #tpu.memory_space<vmem>>, vector<1x16xi32>,
        %swap3A_445 = vector.shape_cast %swap3A_444 : vector<1x16xi32> to vector<16xi32>
        %swap3A_446 = vector.shape_cast %mul3A_440 : vector<16xi32> to vector<1x16xi32>
        tpu.vector_store %arg7[%swap3A_442, %swap3A_443], %swap3A_446 {strides = array<i32>} : memref<2x128xi32, #tpu.memory_space<vmem>>, vector<1x16xi32>,
        %get3A_447 = arith.constant 0 : i32
        %get3A_448 = arith.index_cast %get3A_447 : i32 to index
        %get3A_449 = arith.constant 16 : index
        %get3A_450 = tpu.vector_load %arg5[%get3A_448, %get3A_449] {strides = array<i32>} : memref<2x128xi32, #tpu.memory_space<vmem>>, vector<1x16xi32>,
        %get3A_451 = vector.shape_cast %get3A_450 : vector<1x16xi32> to vector<16xi32>
        %shift_right_logical3A_452 = arith.constant 2 : i32
        %shift_right_logical3A_453 = vector.broadcast %shift_right_logical3A_452 : i32 to vector<16xi32>
        %shift_right_logical3A_454 = arith.shrui %get3A_451, %shift_right_logical3A_453 : vector<16xi32>
        %swap3A_455 = arith.constant 0 : i32
        %swap3A_456 = arith.index_cast %swap3A_455 : i32 to index
        %swap3A_457 = arith.constant 16 : index
        %swap3A_458 = tpu.vector_load %arg6[%swap3A_456, %swap3A_457] {strides = array<i32>} : memref<2x128xi32, #tpu.memory_space<vmem>>, vector<1x16xi32>,
        %swap3A_459 = vector.shape_cast %swap3A_458 : vector<1x16xi32> to vector<16xi32>
        %swap3A_460 = vector.shape_cast %shift_right_logical3A_454 : vector<16xi32> to vector<1x16xi32>
        tpu.vector_store %arg6[%swap3A_456, %swap3A_457], %swap3A_460 {strides = array<i32>} : memref<2x128xi32, #tpu.memory_space<vmem>>, vector<1x16xi32>,
        %and3A_461 = arith.constant 3 : i32
        %and3A_462 = vector.broadcast %and3A_461 : i32 to vector<16xi32>
        %and3A_463 = arith.andi %get3A_451, %and3A_462 : vector<16xi32>
        %mul3A_464 = arith.constant 32 : i32
        %mul3A_465 = vector.broadcast %mul3A_464 : i32 to vector<16xi32>
        %mul3A_466 = arith.muli %and3A_463, %mul3A_465 : vector<16xi32>
        %swap3A_467 = arith.constant 0 : i32
        %swap3A_468 = arith.index_cast %swap3A_467 : i32 to index
        %swap3A_469 = arith.constant 16 : index
        %swap3A_470 = tpu.vector_load %arg7[%swap3A_468, %swap3A_469] {strides = array<i32>} : memref<2x128xi32, #tpu.memory_space<vmem>>, vector<1x16xi32>,
        %swap3A_471 = vector.shape_cast %swap3A_470 : vector<1x16xi32> to vector<16xi32>
        %swap3A_472 = vector.shape_cast %mul3A_466 : vector<16xi32> to vector<1x16xi32>
        tpu.vector_store %arg7[%swap3A_468, %swap3A_469], %swap3A_472 {strides = array<i32>} : memref<2x128xi32, #tpu.memory_space<vmem>>, vector<1x16xi32>,
        %get3A_473 = arith.constant 0 : i32
        %get3A_474 = arith.index_cast %get3A_473 : i32 to index
        %get3A_475 = arith.constant 32 : index
        %get3A_476 = tpu.vector_load %arg5[%get3A_474, %get3A_475] {strides = array<i32>} : memref<2x128xi32, #tpu.memory_space<vmem>>, vector<1x16xi32>,
        %get3A_477 = vector.shape_cast %get3A_476 : vector<1x16xi32> to vector<16xi32>
        %shift_right_logical3A_478 = arith.constant 2 : i32
        %shift_right_logical3A_479 = vector.broadcast %shift_right_logical3A_478 : i32 to vector<16xi32>
        %shift_right_logical3A_480 = arith.shrui %get3A_477, %shift_right_logical3A_479 : vector<16xi32>
        %swap3A_481 = arith.constant 0 : i32
        %swap3A_482 = arith.index_cast %swap3A_481 : i32 to index
        %swap3A_483 = arith.constant 32 : index
        %swap3A_484 = tpu.vector_load %arg6[%swap3A_482, %swap3A_483] {strides = array<i32>} : memref<2x128xi32, #tpu.memory_space<vmem>>, vector<1x16xi32>,
        %swap3A_485 = vector.shape_cast %swap3A_484 : vector<1x16xi32> to vector<16xi32>
        %swap3A_486 = vector.shape_cast %shift_right_logical3A_480 : vector<16xi32> to vector<1x16xi32>
        tpu.vector_store %arg6[%swap3A_482, %swap3A_483], %swap3A_486 {strides = array<i32>} : memref<2x128xi32, #tpu.memory_space<vmem>>, vector<1x16xi32>,
        %and3A_487 = arith.constant 3 : i32
        %and3A_488 = vector.broadcast %and3A_487 : i32 to vector<16xi32>
        %and3A_489 = arith.andi %get3A_477, %and3A_488 : vector<16xi32>
        %mul3A_490 = arith.constant 32 : i32
        %mul3A_491 = vector.broadcast %mul3A_490 : i32 to vector<16xi32>
        %mul3A_492 = arith.muli %and3A_489, %mul3A_491 : vector<16xi32>
        %swap3A_493 = arith.constant 0 : i32
        %swap3A_494 = arith.index_cast %swap3A_493 : i32 to index
        %swap3A_495 = arith.constant 32 : index
        %swap3A_496 = tpu.vector_load %arg7[%swap3A_494, %swap3A_495] {strides = array<i32>} : memref<2x128xi32, #tpu.memory_space<vmem>>, vector<1x16xi32>,
        %swap3A_497 = vector.shape_cast %swap3A_496 : vector<1x16xi32> to vector<16xi32>
        %swap3A_498 = vector.shape_cast %mul3A_492 : vector<16xi32> to vector<1x16xi32>
        tpu.vector_store %arg7[%swap3A_494, %swap3A_495], %swap3A_498 {strides = array<i32>} : memref<2x128xi32, #tpu.memory_space<vmem>>, vector<1x16xi32>,
        %get3A_499 = arith.constant 0 : i32
        %get3A_500 = arith.index_cast %get3A_499 : i32 to index
        %get3A_501 = arith.constant 48 : index
        %get3A_502 = tpu.vector_load %arg5[%get3A_500, %get3A_501] {strides = array<i32>} : memref<2x128xi32, #tpu.memory_space<vmem>>, vector<1x16xi32>,
        %get3A_503 = vector.shape_cast %get3A_502 : vector<1x16xi32> to vector<16xi32>
        %shift_right_logical3A_504 = arith.constant 2 : i32
        %shift_right_logical3A_505 = vector.broadcast %shift_right_logical3A_504 : i32 to vector<16xi32>
        %shift_right_logical3A_506 = arith.shrui %get3A_503, %shift_right_logical3A_505 : vector<16xi32>
        %swap3A_507 = arith.constant 0 : i32
        %swap3A_508 = arith.index_cast %swap3A_507 : i32 to index
        %swap3A_509 = arith.constant 48 : index
        %swap3A_510 = tpu.vector_load %arg6[%swap3A_508, %swap3A_509] {strides = array<i32>} : memref<2x128xi32, #tpu.memory_space<vmem>>, vector<1x16xi32>,
        %swap3A_511 = vector.shape_cast %swap3A_510 : vector<1x16xi32> to vector<16xi32>
        %swap3A_512 = vector.shape_cast %shift_right_logical3A_506 : vector<16xi32> to vector<1x16xi32>
        tpu.vector_store %arg6[%swap3A_508, %swap3A_509], %swap3A_512 {strides = array<i32>} : memref<2x128xi32, #tpu.memory_space<vmem>>, vector<1x16xi32>,
        %and3A_513 = arith.constant 3 : i32
        %and3A_514 = vector.broadcast %and3A_513 : i32 to vector<16xi32>
        %and3A_515 = arith.andi %get3A_503, %and3A_514 : vector<16xi32>
        %mul3A_516 = arith.constant 32 : i32
        %mul3A_517 = vector.broadcast %mul3A_516 : i32 to vector<16xi32>
        %mul3A_518 = arith.muli %and3A_515, %mul3A_517 : vector<16xi32>
        %swap3A_519 = arith.constant 0 : i32
        %swap3A_520 = arith.index_cast %swap3A_519 : i32 to index
        %swap3A_521 = arith.constant 48 : index
        %swap3A_522 = tpu.vector_load %arg7[%swap3A_520, %swap3A_521] {strides = array<i32>} : memref<2x128xi32, #tpu.memory_space<vmem>>, vector<1x16xi32>,
        %swap3A_523 = vector.shape_cast %swap3A_522 : vector<1x16xi32> to vector<16xi32>
        %swap3A_524 = vector.shape_cast %mul3A_518 : vector<16xi32> to vector<1x16xi32>
        tpu.vector_store %arg7[%swap3A_520, %swap3A_521], %swap3A_524 {strides = array<i32>} : memref<2x128xi32, #tpu.memory_space<vmem>>, vector<1x16xi32>,
        %get3A_525 = arith.constant 0 : i32
        %get3A_526 = arith.index_cast %get3A_525 : i32 to index
        %get3A_527 = arith.constant 64 : index
        %get3A_528 = tpu.vector_load %arg5[%get3A_526, %get3A_527] {strides = array<i32>} : memref<2x128xi32, #tpu.memory_space<vmem>>, vector<1x16xi32>,
        %get3A_529 = vector.shape_cast %get3A_528 : vector<1x16xi32> to vector<16xi32>
        %shift_right_logical3A_530 = arith.constant 2 : i32
        %shift_right_logical3A_531 = vector.broadcast %shift_right_logical3A_530 : i32 to vector<16xi32>
        %shift_right_logical3A_532 = arith.shrui %get3A_529, %shift_right_logical3A_531 : vector<16xi32>
        %swap3A_533 = arith.constant 0 : i32
        %swap3A_534 = arith.index_cast %swap3A_533 : i32 to index
        %swap3A_535 = arith.constant 64 : index
        %swap3A_536 = tpu.vector_load %arg6[%swap3A_534, %swap3A_535] {strides = array<i32>} : memref<2x128xi32, #tpu.memory_space<vmem>>, vector<1x16xi32>,
        %swap3A_537 = vector.shape_cast %swap3A_536 : vector<1x16xi32> to vector<16xi32>
        %swap3A_538 = vector.shape_cast %shift_right_logical3A_532 : vector<16xi32> to vector<1x16xi32>
        tpu.vector_store %arg6[%swap3A_534, %swap3A_535], %swap3A_538 {strides = array<i32>} : memref<2x128xi32, #tpu.memory_space<vmem>>, vector<1x16xi32>,
        %and3A_539 = arith.constant 3 : i32
        %and3A_540 = vector.broadcast %and3A_539 : i32 to vector<16xi32>
        %and3A_541 = arith.andi %get3A_529, %and3A_540 : vector<16xi32>
        %mul3A_542 = arith.constant 32 : i32
        %mul3A_543 = vector.broadcast %mul3A_542 : i32 to vector<16xi32>
        %mul3A_544 = arith.muli %and3A_541, %mul3A_543 : vector<16xi32>
        %swap3A_545 = arith.constant 0 : i32
        %swap3A_546 = arith.index_cast %swap3A_545 : i32 to index
        %swap3A_547 = arith.constant 64 : index
        %swap3A_548 = tpu.vector_load %arg7[%swap3A_546, %swap3A_547] {strides = array<i32>} : memref<2x128xi32, #tpu.memory_space<vmem>>, vector<1x16xi32>,
        %swap3A_549 = vector.shape_cast %swap3A_548 : vector<1x16xi32> to vector<16xi32>
        %swap3A_550 = vector.shape_cast %mul3A_544 : vector<16xi32> to vector<1x16xi32>
        tpu.vector_store %arg7[%swap3A_546, %swap3A_547], %swap3A_550 {strides = array<i32>} : memref<2x128xi32, #tpu.memory_space<vmem>>, vector<1x16xi32>,
        %get3A_551 = arith.constant 0 : i32
        %get3A_552 = arith.index_cast %get3A_551 : i32 to index
        %get3A_553 = arith.constant 80 : index
        %get3A_554 = tpu.vector_load %arg5[%get3A_552, %get3A_553] {strides = array<i32>} : memref<2x128xi32, #tpu.memory_space<vmem>>, vector<1x16xi32>,
        %get3A_555 = vector.shape_cast %get3A_554 : vector<1x16xi32> to vector<16xi32>
        %shift_right_logical3A_556 = arith.constant 2 : i32
        %shift_right_logical3A_557 = vector.broadcast %shift_right_logical3A_556 : i32 to vector<16xi32>
        %shift_right_logical3A_558 = arith.shrui %get3A_555, %shift_right_logical3A_557 : vector<16xi32>
        %swap3A_559 = arith.constant 0 : i32
        %swap3A_560 = arith.index_cast %swap3A_559 : i32 to index
        %swap3A_561 = arith.constant 80 : index
        %swap3A_562 = tpu.vector_load %arg6[%swap3A_560, %swap3A_561] {strides = array<i32>} : memref<2x128xi32, #tpu.memory_space<vmem>>, vector<1x16xi32>,
        %swap3A_563 = vector.shape_cast %swap3A_562 : vector<1x16xi32> to vector<16xi32>
        %swap3A_564 = vector.shape_cast %shift_right_logical3A_558 : vector<16xi32> to vector<1x16xi32>
        tpu.vector_store %arg6[%swap3A_560, %swap3A_561], %swap3A_564 {strides = array<i32>} : memref<2x128xi32, #tpu.memory_space<vmem>>, vector<1x16xi32>,
        %and3A_565 = arith.constant 3 : i32
        %and3A_566 = vector.broadcast %and3A_565 : i32 to vector<16xi32>
        %and3A_567 = arith.andi %get3A_555, %and3A_566 : vector<16xi32>
        %mul3A_568 = arith.constant 32 : i32
        %mul3A_569 = vector.broadcast %mul3A_568 : i32 to vector<16xi32>
        %mul3A_570 = arith.muli %and3A_567, %mul3A_569 : vector<16xi32>
        %swap3A_571 = arith.constant 0 : i32
        %swap3A_572 = arith.index_cast %swap3A_571 : i32 to index
        %swap3A_573 = arith.constant 80 : index
        %swap3A_574 = tpu.vector_load %arg7[%swap3A_572, %swap3A_573] {strides = array<i32>} : memref<2x128xi32, #tpu.memory_space<vmem>>, vector<1x16xi32>,
        %swap3A_575 = vector.shape_cast %swap3A_574 : vector<1x16xi32> to vector<16xi32>
        %swap3A_576 = vector.shape_cast %mul3A_570 : vector<16xi32> to vector<1x16xi32>
        tpu.vector_store %arg7[%swap3A_572, %swap3A_573], %swap3A_576 {strides = array<i32>} : memref<2x128xi32, #tpu.memory_space<vmem>>, vector<1x16xi32>,
        %get3A_577 = arith.constant 0 : i32
        %get3A_578 = arith.index_cast %get3A_577 : i32 to index
        %get3A_579 = arith.constant 96 : index
        %get3A_580 = tpu.vector_load %arg5[%get3A_578, %get3A_579] {strides = array<i32>} : memref<2x128xi32, #tpu.memory_space<vmem>>, vector<1x16xi32>,
        %get3A_581 = vector.shape_cast %get3A_580 : vector<1x16xi32> to vector<16xi32>
        %shift_right_logical3A_582 = arith.constant 2 : i32
        %shift_right_logical3A_583 = vector.broadcast %shift_right_logical3A_582 : i32 to vector<16xi32>
        %shift_right_logical3A_584 = arith.shrui %get3A_581, %shift_right_logical3A_583 : vector<16xi32>
        %swap3A_585 = arith.constant 0 : i32
        %swap3A_586 = arith.index_cast %swap3A_585 : i32 to index
        %swap3A_587 = arith.constant 96 : index
        %swap3A_588 = tpu.vector_load %arg6[%swap3A_586, %swap3A_587] {strides = array<i32>} : memref<2x128xi32, #tpu.memory_space<vmem>>, vector<1x16xi32>,
        %swap3A_589 = vector.shape_cast %swap3A_588 : vector<1x16xi32> to vector<16xi32>
        %swap3A_590 = vector.shape_cast %shift_right_logical3A_584 : vector<16xi32> to vector<1x16xi32>
        tpu.vector_store %arg6[%swap3A_586, %swap3A_587], %swap3A_590 {strides = array<i32>} : memref<2x128xi32, #tpu.memory_space<vmem>>, vector<1x16xi32>,
        %and3A_591 = arith.constant 3 : i32
        %and3A_592 = vector.broadcast %and3A_591 : i32 to vector<16xi32>
        %and3A_593 = arith.andi %get3A_581, %and3A_592 : vector<16xi32>
        %mul3A_594 = arith.constant 32 : i32
        %mul3A_595 = vector.broadcast %mul3A_594 : i32 to vector<16xi32>
        %mul3A_596 = arith.muli %and3A_593, %mul3A_595 : vector<16xi32>
        %swap3A_597 = arith.constant 0 : i32
        %swap3A_598 = arith.index_cast %swap3A_597 : i32 to index
        %swap3A_599 = arith.constant 96 : index
        %swap3A_600 = tpu.vector_load %arg7[%swap3A_598, %swap3A_599] {strides = array<i32>} : memref<2x128xi32, #tpu.memory_space<vmem>>, vector<1x16xi32>,
        %swap3A_601 = vector.shape_cast %swap3A_600 : vector<1x16xi32> to vector<16xi32>
        %swap3A_602 = vector.shape_cast %mul3A_596 : vector<16xi32> to vector<1x16xi32>
        tpu.vector_store %arg7[%swap3A_598, %swap3A_599], %swap3A_602 {strides = array<i32>} : memref<2x128xi32, #tpu.memory_space<vmem>>, vector<1x16xi32>,
        %get3A_603 = arith.constant 0 : i32
        %get3A_604 = arith.index_cast %get3A_603 : i32 to index
        %get3A_605 = arith.constant 112 : index
        %get3A_606 = tpu.vector_load %arg5[%get3A_604, %get3A_605] {strides = array<i32>} : memref<2x128xi32, #tpu.memory_space<vmem>>, vector<1x16xi32>,
        %get3A_607 = vector.shape_cast %get3A_606 : vector<1x16xi32> to vector<16xi32>
        %shift_right_logical3A_608 = arith.constant 2 : i32
        %shift_right_logical3A_609 = vector.broadcast %shift_right_logical3A_608 : i32 to vector<16xi32>
        %shift_right_logical3A_610 = arith.shrui %get3A_607, %shift_right_logical3A_609 : vector<16xi32>
        %swap3A_611 = arith.constant 0 : i32
        %swap3A_612 = arith.index_cast %swap3A_611 : i32 to index
        %swap3A_613 = arith.constant 112 : index
        %swap3A_614 = tpu.vector_load %arg6[%swap3A_612, %swap3A_613] {strides = array<i32>} : memref<2x128xi32, #tpu.memory_space<vmem>>, vector<1x16xi32>,
        %swap3A_615 = vector.shape_cast %swap3A_614 : vector<1x16xi32> to vector<16xi32>
        %swap3A_616 = vector.shape_cast %shift_right_logical3A_610 : vector<16xi32> to vector<1x16xi32>
        tpu.vector_store %arg6[%swap3A_612, %swap3A_613], %swap3A_616 {strides = array<i32>} : memref<2x128xi32, #tpu.memory_space<vmem>>, vector<1x16xi32>,
        %and3A_617 = arith.constant 3 : i32
        %and3A_618 = vector.broadcast %and3A_617 : i32 to vector<16xi32>
        %and3A_619 = arith.andi %get3A_607, %and3A_618 : vector<16xi32>
        %mul3A_620 = arith.constant 32 : i32
        %mul3A_621 = vector.broadcast %mul3A_620 : i32 to vector<16xi32>
        %mul3A_622 = arith.muli %and3A_619, %mul3A_621 : vector<16xi32>
        %swap3A_623 = arith.constant 0 : i32
        %swap3A_624 = arith.index_cast %swap3A_623 : i32 to index
        %swap3A_625 = arith.constant 112 : index
        %swap3A_626 = tpu.vector_load %arg7[%swap3A_624, %swap3A_625] {strides = array<i32>} : memref<2x128xi32, #tpu.memory_space<vmem>>, vector<1x16xi32>,
        %swap3A_627 = vector.shape_cast %swap3A_626 : vector<1x16xi32> to vector<16xi32>
        %swap3A_628 = vector.shape_cast %mul3A_622 : vector<16xi32> to vector<1x16xi32>
        tpu.vector_store %arg7[%swap3A_624, %swap3A_625], %swap3A_628 {strides = array<i32>} : memref<2x128xi32, #tpu.memory_space<vmem>>, vector<1x16xi32>,
        %dma_start3A_629 = arith.constant 0 : i32
        %dma_start3A_630 = arith.constant 0 : i32
        %dma_start3A_631 = arith.constant 0 : i32
        %dma_start3A_632 = arith.constant 0 : i32
        %dma_start3A_633 = tpu.memref_slice %arg8[%dma_start3A_630, %dma_start3A_631, %dma_start3A_632] : memref<2x128x128xf32, #tpu.memory_space<vmem>> -> memref<1x128x128xf32, #tpu.memory_space<vmem>>
        %dma_start3A_634 = tpu.memref_squeeze %dma_start3A_633 : memref<1x128x128xf32, #tpu.memory_space<vmem>> -> memref<128x128xf32, #tpu.memory_space<vmem>>
        %dma_start3A_635 = arith.constant 0 : i32
        %dma_start3A_636 = tpu.memref_slice %arg6[%dma_start3A_629, %dma_start3A_635] : memref<2x128xi32, #tpu.memory_space<vmem>> -> memref<1x128xi32, #tpu.memory_space<vmem>>
        %dma_start3A_637 = tpu.memref_squeeze %dma_start3A_636 : memref<1x128xi32, #tpu.memory_space<vmem>> -> memref<128xi32, #tpu.memory_space<vmem>>
        %dma_start3A_638 = arith.constant 0 : i32
        %dma_start3A_639 = arith.constant 0 : i32
        %dma_start3A_640 = tpu.memref_slice %arg3[%dma_start3A_638, %dma_start3A_639] : memref<250000x128xf32, #tpu.memory_space<hbm>> -> memref<250000x128xf32, #tpu.memory_space<hbm>>
        tpu.enqueue_indirect_dma source(%dma_start3A_640 : memref<250000x128xf32, #tpu.memory_space<hbm>>) target(%dma_start3A_634 : memref<128x128xf32, #tpu.memory_space<vmem>>) offsets(%dma_start3A_637 : memref<128xi32, #tpu.memory_space<vmem>>) semaphore(%arg11 : memref<!tpu.dma_semaphore, #tpu.memory_space<semaphore_mem>>)
      } else {
      }
      %add3A_359 = arith.constant 2 : i32
      %add3A_360 = arith.addi %add3A_351, %add3A_359 : i32
      %lt3A_361 = arith.constant 200 : i32
      %lt3A_362 = arith.cmpi slt, %add3A_360, %lt3A_361 : i32
      %convert_element_type3A_363 = arith.extui %lt3A_362 : i1 to i32
      %cond3A_364 = arith.constant 0 : i32
      %cond3A_365 = arith.cmpi ne, %convert_element_type3A_363, %cond3A_364 : i32
      scf.if %cond3A_365 {
        %add3A_408 = arith.constant 2 : i32
        %add3A_409 = arith.addi %add3A_351, %add3A_408 : i32
        %mul3A_410 = arith.constant 128 : i32
        %mul3A_411 = arith.muli %add3A_409, %mul3A_410 : i32
        %dma_start3A_412 = arith.constant 1 : i32
        %dma_start3A_413 = arith.constant 0 : i32
        %dma_start3A_414 = tpu.memref_slice %arg5[%dma_start3A_412, %dma_start3A_413] : memref<2x128xi32, #tpu.memory_space<vmem>> -> memref<1x128xi32, #tpu.memory_space<vmem>>
        %dma_start3A_415 = tpu.memref_squeeze %dma_start3A_414 : memref<1x128xi32, #tpu.memory_space<vmem>> -> memref<128xi32, #tpu.memory_space<vmem>>
        %dma_start3A_416 = tpu.memref_slice %arg2[%add3A, %mul3A_411] : memref<32x25600xi32, #tpu.memory_space<hbm>> -> memref<1x128xi32, #tpu.memory_space<hbm>>
        %dma_start3A_417 = tpu.memref_squeeze %dma_start3A_416 : memref<1x128xi32, #tpu.memory_space<hbm>> -> memref<128xi32, #tpu.memory_space<hbm>>
        %dma_start3A_418 = arith.constant 0 : i32
        %dma_start3A_419 = tpu.memref_slice %arg5[%dma_start3A_412, %dma_start3A_418] : memref<2x128xi32, #tpu.memory_space<vmem>> -> memref<1x128xi32, #tpu.memory_space<vmem>>
        %dma_start3A_420 = tpu.memref_squeeze %dma_start3A_419 : memref<1x128xi32, #tpu.memory_space<vmem>> -> memref<128xi32, #tpu.memory_space<vmem>>
        %dma_start3A_421 = tpu.memref_slice %arg2[%add3A, %mul3A_411] : memref<32x25600xi32, #tpu.memory_space<hbm>> -> memref<1x128xi32, #tpu.memory_space<hbm>>
        %dma_start3A_422 = tpu.memref_squeeze %dma_start3A_421 : memref<1x128xi32, #tpu.memory_space<hbm>> -> memref<128xi32, #tpu.memory_space<hbm>>
        tpu.enqueue_dma source(%dma_start3A_422 : memref<128xi32, #tpu.memory_space<hbm>>) target(%dma_start3A_420 : memref<128xi32, #tpu.memory_space<vmem>>) target_semaphore(%arg10 : memref<!tpu.dma_semaphore, #tpu.memory_space<semaphore_mem>>)
      } else {
      }
      %dma_wait3A_366 = arith.constant 1 : i32
      %dma_wait3A_367 = arith.constant 0 : i32
      %dma_wait3A_368 = arith.constant 0 : i32
      %dma_wait3A_369 = tpu.memref_slice %arg8[%dma_wait3A_366, %dma_wait3A_367, %dma_wait3A_368] : memref<2x128x128xf32, #tpu.memory_space<vmem>> -> memref<1x128x128xf32, #tpu.memory_space<vmem>>
      %dma_wait3A_370 = tpu.memref_squeeze %dma_wait3A_369 : memref<1x128x128xf32, #tpu.memory_space<vmem>> -> memref<128x128xf32, #tpu.memory_space<vmem>>
      %dma_wait3A_371 = arith.constant 0 : i32
      %dma_wait3A_372 = arith.constant 0 : i32
      %dma_wait3A_373 = tpu.memref_slice %arg3[%dma_wait3A_371, %dma_wait3A_372] : memref<250000x128xf32, #tpu.memory_space<hbm>> -> memref<128x128xf32, #tpu.memory_space<hbm>>
      %dma_wait3A_374 = arith.constant 0 : i32
      %dma_wait3A_375 = arith.constant 0 : i32
      %dma_wait3A_376 = tpu.memref_slice %arg8[%dma_wait3A_366, %dma_wait3A_374, %dma_wait3A_375] : memref<2x128x128xf32, #tpu.memory_space<vmem>> -> memref<1x128x128xf32, #tpu.memory_space<vmem>>
      %dma_wait3A_377 = tpu.memref_squeeze %dma_wait3A_376 : memref<1x128x128xf32, #tpu.memory_space<vmem>> -> memref<128x128xf32, #tpu.memory_space<vmem>>
      %dma_wait3A_378 = arith.constant 0 : i32
      %dma_wait3A_379 = arith.constant 0 : i32
      %dma_wait3A_380 = tpu.memref_slice %arg3[%dma_wait3A_378, %dma_wait3A_379] : memref<250000x128xf32, #tpu.memory_space<hbm>> -> memref<128x128xf32, #tpu.memory_space<hbm>>
      tpu.wait_dma2 semaphore(%arg11 : memref<!tpu.dma_semaphore, #tpu.memory_space<semaphore_mem>>) src(%dma_wait3A_380 : memref<128x128xf32, #tpu.memory_space<hbm>>) dst(%dma_wait3A_377 : memref<128x128xf32, #tpu.memory_space<vmem>>)
      %ge3A_381 = arith.constant 2 : i32
      %ge3A_382 = arith.cmpi sge, %add3A_351, %ge3A_381 : i32
      %convert_element_type3A_383 = arith.extui %ge3A_382 : i1 to i32
      %cond3A_384 = arith.constant 0 : i32
      %cond3A_385 = arith.cmpi ne, %convert_element_type3A_383, %cond3A_384 : i32
      scf.if %cond3A_385 {
        %dma_wait3A_408 = arith.constant 1 : i32
        %dma_wait3A_409 = arith.constant 0 : i32
        %dma_wait3A_410 = arith.constant 0 : i32
        %dma_wait3A_411 = tpu.memref_slice %arg9[%dma_wait3A_408, %dma_wait3A_409, %dma_wait3A_410] : memref<2x32x128xf32, #tpu.memory_space<vmem>> -> memref<1x32x128xf32, #tpu.memory_space<vmem>>
        %dma_wait3A_412 = tpu.memref_squeeze %dma_wait3A_411 : memref<1x32x128xf32, #tpu.memory_space<vmem>> -> memref<32x128xf32, #tpu.memory_space<vmem>>
        %dma_wait3A_413 = arith.constant 0 : i32
        %dma_wait3A_414 = arith.constant 0 : i32
        %dma_wait3A_415 = tpu.memref_slice %arg4[%dma_wait3A_413, %dma_wait3A_414] : memref<204800x128xf32, #tpu.memory_space<hbm>> -> memref<32x128xf32, #tpu.memory_space<hbm>>
        %dma_wait3A_416 = arith.constant 0 : i32
        %dma_wait3A_417 = arith.constant 0 : i32
        %dma_wait3A_418 = tpu.memref_slice %arg4[%dma_wait3A_416, %dma_wait3A_417] : memref<204800x128xf32, #tpu.memory_space<hbm>> -> memref<32x128xf32, #tpu.memory_space<hbm>>
        %dma_wait3A_419 = arith.constant 0 : i32
        %dma_wait3A_420 = arith.constant 0 : i32
        %dma_wait3A_421 = tpu.memref_slice %arg9[%dma_wait3A_408, %dma_wait3A_419, %dma_wait3A_420] : memref<2x32x128xf32, #tpu.memory_space<vmem>> -> memref<1x32x128xf32, #tpu.memory_space<vmem>>
        %dma_wait3A_422 = tpu.memref_squeeze %dma_wait3A_421 : memref<1x32x128xf32, #tpu.memory_space<vmem>> -> memref<32x128xf32, #tpu.memory_space<vmem>>
        tpu.wait_dma2 semaphore(%arg12 : memref<!tpu.dma_semaphore, #tpu.memory_space<semaphore_mem>>) src(%dma_wait3A_422 : memref<32x128xf32, #tpu.memory_space<vmem>>) dst(%dma_wait3A_418 : memref<32x128xf32, #tpu.memory_space<hbm>>)
      } else {
      }
      %scan3A_386 = arith.constant 0 : i32
      %scan3A_387 = arith.constant 0 : i32
      %scan3A_388 = arith.constant 8 : i32
      %scan3A_389 = arith.addi %scan3A_387, %scan3A_388 : i32
      %scan3A_390 = arith.constant 1 : i32
      scf.for %scan3A_408 = %scan3A_387 to %scan3A_389 step %scan3A_390  : i32 {
        %mul3A_409 = arith.constant 16 : i32
        %mul3A_410 = arith.muli %scan3A_408, %mul3A_409 : i32
        %get3A_411 = arith.constant 1 : i32
        %get3A_412 = arith.index_cast %get3A_411 : i32 to index
        %get3A_413 = arith.index_cast %mul3A_410 : i32 to index
        %get3A_414 = tpu.vector_load %arg7[%get3A_412, %get3A_413] {strides = array<i32>} : memref<2x128xi32, #tpu.memory_space<vmem>>, vector<1x16xi32>,
        %get3A_415 = vector.shape_cast %get3A_414 : vector<1x16xi32> to vector<16xi32>
        %slice3A = vector.extract_strided_slice %get3A_415 {offsets = [0], sizes = [1], strides = [1]} : vector<16xi32> to vector<1xi32>
        %squeeze3A = vector.extract %slice3A[0] : i32 from vector<1xi32>
        %mul3A_416 = arith.constant 16 : i32
        %mul3A_417 = arith.muli %scan3A_408, %mul3A_416 : i32
        %add3A_418 = arith.constant 0 : i32
        %add3A_419 = arith.addi %mul3A_417, %add3A_418 : i32
        %mul3A_420 = arith.constant 4 : i32
        %mul3A_421 = arith.muli %scan3A_408, %mul3A_420 : i32
        %add3A_422 = arith.constant 0 : i32
        %add3A_423 = arith.addi %mul3A_421, %add3A_422 : i32
        %get3A_424 = arith.constant 1 : i32
        %get3A_425 = arith.index_cast %get3A_424 : i32 to index
        %get3A_426 = arith.index_cast %add3A_419 : i32 to index
        %get3A_427 = arith.index_cast %squeeze3A : i32 to index
        %get3A_428 = tpu.vector_load %arg8[%get3A_425, %get3A_426, %get3A_427] {strides = array<i32>} : memref<2x128x128xf32, #tpu.memory_space<vmem>>, vector<1x1x16xf32>,
        %get3A_429 = vector.shape_cast %get3A_428 : vector<1x1x16xf32> to vector<16xf32>
        %swap3A_430 = arith.constant 1 : i32
        %swap3A_431 = arith.index_cast %swap3A_430 : i32 to index
        %swap3A_432 = arith.index_cast %add3A_423 : i32 to index
        %swap3A_433 = arith.constant 0 : index
        %swap3A_434 = tpu.vector_load %arg9[%swap3A_431, %swap3A_432, %swap3A_433] {strides = array<i32>} : memref<2x32x128xf32, #tpu.memory_space<vmem>>, vector<1x1x16xf32>,
        %swap3A_435 = vector.shape_cast %swap3A_434 : vector<1x1x16xf32> to vector<16xf32>
        %swap3A_436 = vector.shape_cast %get3A_429 : vector<16xf32> to vector<1x1x16xf32>
        tpu.vector_store %arg9[%swap3A_431, %swap3A_432, %swap3A_433], %swap3A_436 {strides = array<i32>} : memref<2x32x128xf32, #tpu.memory_space<vmem>>, vector<1x1x16xf32>,
        %add3A_437 = arith.constant 16 : i32
        %add3A_438 = arith.addi %squeeze3A, %add3A_437 : i32
        %get3A_439 = arith.constant 1 : i32
        %get3A_440 = arith.index_cast %get3A_439 : i32 to index
        %get3A_441 = arith.index_cast %add3A_419 : i32 to index
        %get3A_442 = arith.index_cast %add3A_438 : i32 to index
        %get3A_443 = tpu.vector_load %arg8[%get3A_440, %get3A_441, %get3A_442] {strides = array<i32>} : memref<2x128x128xf32, #tpu.memory_space<vmem>>, vector<1x1x16xf32>,
        %get3A_444 = vector.shape_cast %get3A_443 : vector<1x1x16xf32> to vector<16xf32>
        %swap3A_445 = arith.constant 1 : i32
        %swap3A_446 = arith.index_cast %swap3A_445 : i32 to index
        %swap3A_447 = arith.index_cast %add3A_423 : i32 to index
        %swap3A_448 = arith.constant 16 : index
        %swap3A_449 = tpu.vector_load %arg9[%swap3A_446, %swap3A_447, %swap3A_448] {strides = array<i32>} : memref<2x32x128xf32, #tpu.memory_space<vmem>>, vector<1x1x16xf32>,
        %swap3A_450 = vector.shape_cast %swap3A_449 : vector<1x1x16xf32> to vector<16xf32>
        %swap3A_451 = vector.shape_cast %get3A_444 : vector<16xf32> to vector<1x1x16xf32>
        tpu.vector_store %arg9[%swap3A_446, %swap3A_447, %swap3A_448], %swap3A_451 {strides = array<i32>} : memref<2x32x128xf32, #tpu.memory_space<vmem>>, vector<1x1x16xf32>,
        %slice3A_452 = vector.extract_strided_slice %get3A_415 {offsets = [1], sizes = [1], strides = [1]} : vector<16xi32> to vector<1xi32>
        %squeeze3A_453 = vector.extract %slice3A_452[0] : i32 from vector<1xi32>
        %mul3A_454 = arith.constant 16 : i32
        %mul3A_455 = arith.muli %scan3A_408, %mul3A_454 : i32
        %add3A_456 = arith.constant 1 : i32
        %add3A_457 = arith.addi %mul3A_455, %add3A_456 : i32
        %mul3A_458 = arith.constant 4 : i32
        %mul3A_459 = arith.muli %scan3A_408, %mul3A_458 : i32
        %add3A_460 = arith.constant 0 : i32
        %add3A_461 = arith.addi %mul3A_459, %add3A_460 : i32
        %get3A_462 = arith.constant 1 : i32
        %get3A_463 = arith.index_cast %get3A_462 : i32 to index
        %get3A_464 = arith.index_cast %add3A_457 : i32 to index
        %get3A_465 = arith.index_cast %squeeze3A_453 : i32 to index
        %get3A_466 = tpu.vector_load %arg8[%get3A_463, %get3A_464, %get3A_465] {strides = array<i32>} : memref<2x128x128xf32, #tpu.memory_space<vmem>>, vector<1x1x16xf32>,
        %get3A_467 = vector.shape_cast %get3A_466 : vector<1x1x16xf32> to vector<16xf32>
        %swap3A_468 = arith.constant 1 : i32
        %swap3A_469 = arith.index_cast %swap3A_468 : i32 to index
        %swap3A_470 = arith.index_cast %add3A_461 : i32 to index
        %swap3A_471 = arith.constant 32 : index
        %swap3A_472 = tpu.vector_load %arg9[%swap3A_469, %swap3A_470, %swap3A_471] {strides = array<i32>} : memref<2x32x128xf32, #tpu.memory_space<vmem>>, vector<1x1x16xf32>,
        %swap3A_473 = vector.shape_cast %swap3A_472 : vector<1x1x16xf32> to vector<16xf32>
        %swap3A_474 = vector.shape_cast %get3A_467 : vector<16xf32> to vector<1x1x16xf32>
        tpu.vector_store %arg9[%swap3A_469, %swap3A_470, %swap3A_471], %swap3A_474 {strides = array<i32>} : memref<2x32x128xf32, #tpu.memory_space<vmem>>, vector<1x1x16xf32>,
        %add3A_475 = arith.constant 16 : i32
        %add3A_476 = arith.addi %squeeze3A_453, %add3A_475 : i32
        %get3A_477 = arith.constant 1 : i32
        %get3A_478 = arith.index_cast %get3A_477 : i32 to index
        %get3A_479 = arith.index_cast %add3A_457 : i32 to index
        %get3A_480 = arith.index_cast %add3A_476 : i32 to index
        %get3A_481 = tpu.vector_load %arg8[%get3A_478, %get3A_479, %get3A_480] {strides = array<i32>} : memref<2x128x128xf32, #tpu.memory_space<vmem>>, vector<1x1x16xf32>,
        %get3A_482 = vector.shape_cast %get3A_481 : vector<1x1x16xf32> to vector<16xf32>
        %swap3A_483 = arith.constant 1 : i32
        %swap3A_484 = arith.index_cast %swap3A_483 : i32 to index
        %swap3A_485 = arith.index_cast %add3A_461 : i32 to index
        %swap3A_486 = arith.constant 48 : index
        %swap3A_487 = tpu.vector_load %arg9[%swap3A_484, %swap3A_485, %swap3A_486] {strides = array<i32>} : memref<2x32x128xf32, #tpu.memory_space<vmem>>, vector<1x1x16xf32>,
        %swap3A_488 = vector.shape_cast %swap3A_487 : vector<1x1x16xf32> to vector<16xf32>
        %swap3A_489 = vector.shape_cast %get3A_482 : vector<16xf32> to vector<1x1x16xf32>
        tpu.vector_store %arg9[%swap3A_484, %swap3A_485, %swap3A_486], %swap3A_489 {strides = array<i32>} : memref<2x32x128xf32, #tpu.memory_space<vmem>>, vector<1x1x16xf32>,
        %slice3A_490 = vector.extract_strided_slice %get3A_415 {offsets = [2], sizes = [1], strides = [1]} : vector<16xi32> to vector<1xi32>
        %squeeze3A_491 = vector.extract %slice3A_490[0] : i32 from vector<1xi32>
        %mul3A_492 = arith.constant 16 : i32
        %mul3A_493 = arith.muli %scan3A_408, %mul3A_492 : i32
        %add3A_494 = arith.constant 2 : i32
        %add3A_495 = arith.addi %mul3A_493, %add3A_494 : i32
        %mul3A_496 = arith.constant 4 : i32
        %mul3A_497 = arith.muli %scan3A_408, %mul3A_496 : i32
        %add3A_498 = arith.constant 0 : i32
        %add3A_499 = arith.addi %mul3A_497, %add3A_498 : i32
        %get3A_500 = arith.constant 1 : i32
        %get3A_501 = arith.index_cast %get3A_500 : i32 to index
        %get3A_502 = arith.index_cast %add3A_495 : i32 to index
        %get3A_503 = arith.index_cast %squeeze3A_491 : i32 to index
        %get3A_504 = tpu.vector_load %arg8[%get3A_501, %get3A_502, %get3A_503] {strides = array<i32>} : memref<2x128x128xf32, #tpu.memory_space<vmem>>, vector<1x1x16xf32>,
        %get3A_505 = vector.shape_cast %get3A_504 : vector<1x1x16xf32> to vector<16xf32>
        %swap3A_506 = arith.constant 1 : i32
        %swap3A_507 = arith.index_cast %swap3A_506 : i32 to index
        %swap3A_508 = arith.index_cast %add3A_499 : i32 to index
        %swap3A_509 = arith.constant 64 : index
        %swap3A_510 = tpu.vector_load %arg9[%swap3A_507, %swap3A_508, %swap3A_509] {strides = array<i32>} : memref<2x32x128xf32, #tpu.memory_space<vmem>>, vector<1x1x16xf32>,
        %swap3A_511 = vector.shape_cast %swap3A_510 : vector<1x1x16xf32> to vector<16xf32>
        %swap3A_512 = vector.shape_cast %get3A_505 : vector<16xf32> to vector<1x1x16xf32>
        tpu.vector_store %arg9[%swap3A_507, %swap3A_508, %swap3A_509], %swap3A_512 {strides = array<i32>} : memref<2x32x128xf32, #tpu.memory_space<vmem>>, vector<1x1x16xf32>,
        %add3A_513 = arith.constant 16 : i32
        %add3A_514 = arith.addi %squeeze3A_491, %add3A_513 : i32
        %get3A_515 = arith.constant 1 : i32
        %get3A_516 = arith.index_cast %get3A_515 : i32 to index
        %get3A_517 = arith.index_cast %add3A_495 : i32 to index
        %get3A_518 = arith.index_cast %add3A_514 : i32 to index
        %get3A_519 = tpu.vector_load %arg8[%get3A_516, %get3A_517, %get3A_518] {strides = array<i32>} : memref<2x128x128xf32, #tpu.memory_space<vmem>>, vector<1x1x16xf32>,
        %get3A_520 = vector.shape_cast %get3A_519 : vector<1x1x16xf32> to vector<16xf32>
        %swap3A_521 = arith.constant 1 : i32
        %swap3A_522 = arith.index_cast %swap3A_521 : i32 to index
        %swap3A_523 = arith.index_cast %add3A_499 : i32 to index
        %swap3A_524 = arith.constant 80 : index
        %swap3A_525 = tpu.vector_load %arg9[%swap3A_522, %swap3A_523, %swap3A_524] {strides = array<i32>} : memref<2x32x128xf32, #tpu.memory_space<vmem>>, vector<1x1x16xf32>,
        %swap3A_526 = vector.shape_cast %swap3A_525 : vector<1x1x16xf32> to vector<16xf32>
        %swap3A_527 = vector.shape_cast %get3A_520 : vector<16xf32> to vector<1x1x16xf32>
        tpu.vector_store %arg9[%swap3A_522, %swap3A_523, %swap3A_524], %swap3A_527 {strides = array<i32>} : memref<2x32x128xf32, #tpu.memory_space<vmem>>, vector<1x1x16xf32>,
        %slice3A_528 = vector.extract_strided_slice %get3A_415 {offsets = [3], sizes = [1], strides = [1]} : vector<16xi32> to vector<1xi32>
        %squeeze3A_529 = vector.extract %slice3A_528[0] : i32 from vector<1xi32>
        %mul3A_530 = arith.constant 16 : i32
        %mul3A_531 = arith.muli %scan3A_408, %mul3A_530 : i32
        %add3A_532 = arith.constant 3 : i32
        %add3A_533 = arith.addi %mul3A_531, %add3A_532 : i32
        %mul3A_534 = arith.constant 4 : i32
        %mul3A_535 = arith.muli %scan3A_408, %mul3A_534 : i32
        %add3A_536 = arith.constant 0 : i32
        %add3A_537 = arith.addi %mul3A_535, %add3A_536 : i32
        %get3A_538 = arith.constant 1 : i32
        %get3A_539 = arith.index_cast %get3A_538 : i32 to index
        %get3A_540 = arith.index_cast %add3A_533 : i32 to index
        %get3A_541 = arith.index_cast %squeeze3A_529 : i32 to index
        %get3A_542 = tpu.vector_load %arg8[%get3A_539, %get3A_540, %get3A_541] {strides = array<i32>} : memref<2x128x128xf32, #tpu.memory_space<vmem>>, vector<1x1x16xf32>,
        %get3A_543 = vector.shape_cast %get3A_542 : vector<1x1x16xf32> to vector<16xf32>
        %swap3A_544 = arith.constant 1 : i32
        %swap3A_545 = arith.index_cast %swap3A_544 : i32 to index
        %swap3A_546 = arith.index_cast %add3A_537 : i32 to index
        %swap3A_547 = arith.constant 96 : index
        %swap3A_548 = tpu.vector_load %arg9[%swap3A_545, %swap3A_546, %swap3A_547] {strides = array<i32>} : memref<2x32x128xf32, #tpu.memory_space<vmem>>, vector<1x1x16xf32>,
        %swap3A_549 = vector.shape_cast %swap3A_548 : vector<1x1x16xf32> to vector<16xf32>
        %swap3A_550 = vector.shape_cast %get3A_543 : vector<16xf32> to vector<1x1x16xf32>
        tpu.vector_store %arg9[%swap3A_545, %swap3A_546, %swap3A_547], %swap3A_550 {strides = array<i32>} : memref<2x32x128xf32, #tpu.memory_space<vmem>>, vector<1x1x16xf32>,
        %add3A_551 = arith.constant 16 : i32
        %add3A_552 = arith.addi %squeeze3A_529, %add3A_551 : i32
        %get3A_553 = arith.constant 1 : i32
        %get3A_554 = arith.index_cast %get3A_553 : i32 to index
        %get3A_555 = arith.index_cast %add3A_533 : i32 to index
        %get3A_556 = arith.index_cast %add3A_552 : i32 to index
        %get3A_557 = tpu.vector_load %arg8[%get3A_554, %get3A_555, %get3A_556] {strides = array<i32>} : memref<2x128x128xf32, #tpu.memory_space<vmem>>, vector<1x1x16xf32>,
        %get3A_558 = vector.shape_cast %get3A_557 : vector<1x1x16xf32> to vector<16xf32>
        %swap3A_559 = arith.constant 1 : i32
        %swap3A_560 = arith.index_cast %swap3A_559 : i32 to index
        %swap3A_561 = arith.index_cast %add3A_537 : i32 to index
        %swap3A_562 = arith.constant 112 : index
        %swap3A_563 = tpu.vector_load %arg9[%swap3A_560, %swap3A_561, %swap3A_562] {strides = array<i32>} : memref<2x32x128xf32, #tpu.memory_space<vmem>>, vector<1x1x16xf32>,
        %swap3A_564 = vector.shape_cast %swap3A_563 : vector<1x1x16xf32> to vector<16xf32>
        %swap3A_565 = vector.shape_cast %get3A_558 : vector<16xf32> to vector<1x1x16xf32>
        tpu.vector_store %arg9[%swap3A_560, %swap3A_561, %swap3A_562], %swap3A_565 {strides = array<i32>} : memref<2x32x128xf32, #tpu.memory_space<vmem>>, vector<1x1x16xf32>,
        %slice3A_566 = vector.extract_strided_slice %get3A_415 {offsets = [4], sizes = [1], strides = [1]} : vector<16xi32> to vector<1xi32>
        %squeeze3A_567 = vector.extract %slice3A_566[0] : i32 from vector<1xi32>
        %mul3A_568 = arith.constant 16 : i32
        %mul3A_569 = arith.muli %scan3A_408, %mul3A_568 : i32
        %add3A_570 = arith.constant 4 : i32
        %add3A_571 = arith.addi %mul3A_569, %add3A_570 : i32
        %mul3A_572 = arith.constant 4 : i32
        %mul3A_573 = arith.muli %scan3A_408, %mul3A_572 : i32
        %add3A_574 = arith.constant 1 : i32
        %add3A_575 = arith.addi %mul3A_573, %add3A_574 : i32
        %get3A_576 = arith.constant 1 : i32
        %get3A_577 = arith.index_cast %get3A_576 : i32 to index
        %get3A_578 = arith.index_cast %add3A_571 : i32 to index
        %get3A_579 = arith.index_cast %squeeze3A_567 : i32 to index
        %get3A_580 = tpu.vector_load %arg8[%get3A_577, %get3A_578, %get3A_579] {strides = array<i32>} : memref<2x128x128xf32, #tpu.memory_space<vmem>>, vector<1x1x16xf32>,
        %get3A_581 = vector.shape_cast %get3A_580 : vector<1x1x16xf32> to vector<16xf32>
        %swap3A_582 = arith.constant 1 : i32
        %swap3A_583 = arith.index_cast %swap3A_582 : i32 to index
        %swap3A_584 = arith.index_cast %add3A_575 : i32 to index
        %swap3A_585 = arith.constant 0 : index
        %swap3A_586 = tpu.vector_load %arg9[%swap3A_583, %swap3A_584, %swap3A_585] {strides = array<i32>} : memref<2x32x128xf32, #tpu.memory_space<vmem>>, vector<1x1x16xf32>,
        %swap3A_587 = vector.shape_cast %swap3A_586 : vector<1x1x16xf32> to vector<16xf32>
        %swap3A_588 = vector.shape_cast %get3A_581 : vector<16xf32> to vector<1x1x16xf32>
        tpu.vector_store %arg9[%swap3A_583, %swap3A_584, %swap3A_585], %swap3A_588 {strides = array<i32>} : memref<2x32x128xf32, #tpu.memory_space<vmem>>, vector<1x1x16xf32>,
        %add3A_589 = arith.constant 16 : i32
        %add3A_590 = arith.addi %squeeze3A_567, %add3A_589 : i32
        %get3A_591 = arith.constant 1 : i32
        %get3A_592 = arith.index_cast %get3A_591 : i32 to index
        %get3A_593 = arith.index_cast %add3A_571 : i32 to index
        %get3A_594 = arith.index_cast %add3A_590 : i32 to index
        %get3A_595 = tpu.vector_load %arg8[%get3A_592, %get3A_593, %get3A_594] {strides = array<i32>} : memref<2x128x128xf32, #tpu.memory_space<vmem>>, vector<1x1x16xf32>,
        %get3A_596 = vector.shape_cast %get3A_595 : vector<1x1x16xf32> to vector<16xf32>
        %swap3A_597 = arith.constant 1 : i32
        %swap3A_598 = arith.index_cast %swap3A_597 : i32 to index
        %swap3A_599 = arith.index_cast %add3A_575 : i32 to index
        %swap3A_600 = arith.constant 16 : index
        %swap3A_601 = tpu.vector_load %arg9[%swap3A_598, %swap3A_599, %swap3A_600] {strides = array<i32>} : memref<2x32x128xf32, #tpu.memory_space<vmem>>, vector<1x1x16xf32>,
        %swap3A_602 = vector.shape_cast %swap3A_601 : vector<1x1x16xf32> to vector<16xf32>
        %swap3A_603 = vector.shape_cast %get3A_596 : vector<16xf32> to vector<1x1x16xf32>
        tpu.vector_store %arg9[%swap3A_598, %swap3A_599, %swap3A_600], %swap3A_603 {strides = array<i32>} : memref<2x32x128xf32, #tpu.memory_space<vmem>>, vector<1x1x16xf32>,
        %slice3A_604 = vector.extract_strided_slice %get3A_415 {offsets = [5], sizes = [1], strides = [1]} : vector<16xi32> to vector<1xi32>
        %squeeze3A_605 = vector.extract %slice3A_604[0] : i32 from vector<1xi32>
        %mul3A_606 = arith.constant 16 : i32
        %mul3A_607 = arith.muli %scan3A_408, %mul3A_606 : i32
        %add3A_608 = arith.constant 5 : i32
        %add3A_609 = arith.addi %mul3A_607, %add3A_608 : i32
        %mul3A_610 = arith.constant 4 : i32
        %mul3A_611 = arith.muli %scan3A_408, %mul3A_610 : i32
        %add3A_612 = arith.constant 1 : i32
        %add3A_613 = arith.addi %mul3A_611, %add3A_612 : i32
        %get3A_614 = arith.constant 1 : i32
        %get3A_615 = arith.index_cast %get3A_614 : i32 to index
        %get3A_616 = arith.index_cast %add3A_609 : i32 to index
        %get3A_617 = arith.index_cast %squeeze3A_605 : i32 to index
        %get3A_618 = tpu.vector_load %arg8[%get3A_615, %get3A_616, %get3A_617] {strides = array<i32>} : memref<2x128x128xf32, #tpu.memory_space<vmem>>, vector<1x1x16xf32>,
        %get3A_619 = vector.shape_cast %get3A_618 : vector<1x1x16xf32> to vector<16xf32>
        %swap3A_620 = arith.constant 1 : i32
        %swap3A_621 = arith.index_cast %swap3A_620 : i32 to index
        %swap3A_622 = arith.index_cast %add3A_613 : i32 to index
        %swap3A_623 = arith.constant 32 : index
        %swap3A_624 = tpu.vector_load %arg9[%swap3A_621, %swap3A_622, %swap3A_623] {strides = array<i32>} : memref<2x32x128xf32, #tpu.memory_space<vmem>>, vector<1x1x16xf32>,
        %swap3A_625 = vector.shape_cast %swap3A_624 : vector<1x1x16xf32> to vector<16xf32>
        %swap3A_626 = vector.shape_cast %get3A_619 : vector<16xf32> to vector<1x1x16xf32>
        tpu.vector_store %arg9[%swap3A_621, %swap3A_622, %swap3A_623], %swap3A_626 {strides = array<i32>} : memref<2x32x128xf32, #tpu.memory_space<vmem>>, vector<1x1x16xf32>,
        %add3A_627 = arith.constant 16 : i32
        %add3A_628 = arith.addi %squeeze3A_605, %add3A_627 : i32
        %get3A_629 = arith.constant 1 : i32
        %get3A_630 = arith.index_cast %get3A_629 : i32 to index
        %get3A_631 = arith.index_cast %add3A_609 : i32 to index
        %get3A_632 = arith.index_cast %add3A_628 : i32 to index
        %get3A_633 = tpu.vector_load %arg8[%get3A_630, %get3A_631, %get3A_632] {strides = array<i32>} : memref<2x128x128xf32, #tpu.memory_space<vmem>>, vector<1x1x16xf32>,
        %get3A_634 = vector.shape_cast %get3A_633 : vector<1x1x16xf32> to vector<16xf32>
        %swap3A_635 = arith.constant 1 : i32
        %swap3A_636 = arith.index_cast %swap3A_635 : i32 to index
        %swap3A_637 = arith.index_cast %add3A_613 : i32 to index
        %swap3A_638 = arith.constant 48 : index
        %swap3A_639 = tpu.vector_load %arg9[%swap3A_636, %swap3A_637, %swap3A_638] {strides = array<i32>} : memref<2x32x128xf32, #tpu.memory_space<vmem>>, vector<1x1x16xf32>,
        %swap3A_640 = vector.shape_cast %swap3A_639 : vector<1x1x16xf32> to vector<16xf32>
        %swap3A_641 = vector.shape_cast %get3A_634 : vector<16xf32> to vector<1x1x16xf32>
        tpu.vector_store %arg9[%swap3A_636, %swap3A_637, %swap3A_638], %swap3A_641 {strides = array<i32>} : memref<2x32x128xf32, #tpu.memory_space<vmem>>, vector<1x1x16xf32>,
        %slice3A_642 = vector.extract_strided_slice %get3A_415 {offsets = [6], sizes = [1], strides = [1]} : vector<16xi32> to vector<1xi32>
        %squeeze3A_643 = vector.extract %slice3A_642[0] : i32 from vector<1xi32>
        %mul3A_644 = arith.constant 16 : i32
        %mul3A_645 = arith.muli %scan3A_408, %mul3A_644 : i32
        %add3A_646 = arith.constant 6 : i32
        %add3A_647 = arith.addi %mul3A_645, %add3A_646 : i32
        %mul3A_648 = arith.constant 4 : i32
        %mul3A_649 = arith.muli %scan3A_408, %mul3A_648 : i32
        %add3A_650 = arith.constant 1 : i32
        %add3A_651 = arith.addi %mul3A_649, %add3A_650 : i32
        %get3A_652 = arith.constant 1 : i32
        %get3A_653 = arith.index_cast %get3A_652 : i32 to index
        %get3A_654 = arith.index_cast %add3A_647 : i32 to index
        %get3A_655 = arith.index_cast %squeeze3A_643 : i32 to index
        %get3A_656 = tpu.vector_load %arg8[%get3A_653, %get3A_654, %get3A_655] {strides = array<i32>} : memref<2x128x128xf32, #tpu.memory_space<vmem>>, vector<1x1x16xf32>,
        %get3A_657 = vector.shape_cast %get3A_656 : vector<1x1x16xf32> to vector<16xf32>
        %swap3A_658 = arith.constant 1 : i32
        %swap3A_659 = arith.index_cast %swap3A_658 : i32 to index
        %swap3A_660 = arith.index_cast %add3A_651 : i32 to index
        %swap3A_661 = arith.constant 64 : index
        %swap3A_662 = tpu.vector_load %arg9[%swap3A_659, %swap3A_660, %swap3A_661] {strides = array<i32>} : memref<2x32x128xf32, #tpu.memory_space<vmem>>, vector<1x1x16xf32>,
        %swap3A_663 = vector.shape_cast %swap3A_662 : vector<1x1x16xf32> to vector<16xf32>
        %swap3A_664 = vector.shape_cast %get3A_657 : vector<16xf32> to vector<1x1x16xf32>
        tpu.vector_store %arg9[%swap3A_659, %swap3A_660, %swap3A_661], %swap3A_664 {strides = array<i32>} : memref<2x32x128xf32, #tpu.memory_space<vmem>>, vector<1x1x16xf32>,
        %add3A_665 = arith.constant 16 : i32
        %add3A_666 = arith.addi %squeeze3A_643, %add3A_665 : i32
        %get3A_667 = arith.constant 1 : i32
        %get3A_668 = arith.index_cast %get3A_667 : i32 to index
        %get3A_669 = arith.index_cast %add3A_647 : i32 to index
        %get3A_670 = arith.index_cast %add3A_666 : i32 to index
        %get3A_671 = tpu.vector_load %arg8[%get3A_668, %get3A_669, %get3A_670] {strides = array<i32>} : memref<2x128x128xf32, #tpu.memory_space<vmem>>, vector<1x1x16xf32>,
        %get3A_672 = vector.shape_cast %get3A_671 : vector<1x1x16xf32> to vector<16xf32>
        %swap3A_673 = arith.constant 1 : i32
        %swap3A_674 = arith.index_cast %swap3A_673 : i32 to index
        %swap3A_675 = arith.index_cast %add3A_651 : i32 to index
        %swap3A_676 = arith.constant 80 : index
        %swap3A_677 = tpu.vector_load %arg9[%swap3A_674, %swap3A_675, %swap3A_676] {strides = array<i32>} : memref<2x32x128xf32, #tpu.memory_space<vmem>>, vector<1x1x16xf32>,
        %swap3A_678 = vector.shape_cast %swap3A_677 : vector<1x1x16xf32> to vector<16xf32>
        %swap3A_679 = vector.shape_cast %get3A_672 : vector<16xf32> to vector<1x1x16xf32>
        tpu.vector_store %arg9[%swap3A_674, %swap3A_675, %swap3A_676], %swap3A_679 {strides = array<i32>} : memref<2x32x128xf32, #tpu.memory_space<vmem>>, vector<1x1x16xf32>,
        %slice3A_680 = vector.extract_strided_slice %get3A_415 {offsets = [7], sizes = [1], strides = [1]} : vector<16xi32> to vector<1xi32>
        %squeeze3A_681 = vector.extract %slice3A_680[0] : i32 from vector<1xi32>
        %mul3A_682 = arith.constant 16 : i32
        %mul3A_683 = arith.muli %scan3A_408, %mul3A_682 : i32
        %add3A_684 = arith.constant 7 : i32
        %add3A_685 = arith.addi %mul3A_683, %add3A_684 : i32
        %mul3A_686 = arith.constant 4 : i32
        %mul3A_687 = arith.muli %scan3A_408, %mul3A_686 : i32
        %add3A_688 = arith.constant 1 : i32
        %add3A_689 = arith.addi %mul3A_687, %add3A_688 : i32
        %get3A_690 = arith.constant 1 : i32
        %get3A_691 = arith.index_cast %get3A_690 : i32 to index
        %get3A_692 = arith.index_cast %add3A_685 : i32 to index
        %get3A_693 = arith.index_cast %squeeze3A_681 : i32 to index
        %get3A_694 = tpu.vector_load %arg8[%get3A_691, %get3A_692, %get3A_693] {strides = array<i32>} : memref<2x128x128xf32, #tpu.memory_space<vmem>>, vector<1x1x16xf32>,
        %get3A_695 = vector.shape_cast %get3A_694 : vector<1x1x16xf32> to vector<16xf32>
        %swap3A_696 = arith.constant 1 : i32
        %swap3A_697 = arith.index_cast %swap3A_696 : i32 to index
        %swap3A_698 = arith.index_cast %add3A_689 : i32 to index
        %swap3A_699 = arith.constant 96 : index
        %swap3A_700 = tpu.vector_load %arg9[%swap3A_697, %swap3A_698, %swap3A_699] {strides = array<i32>} : memref<2x32x128xf32, #tpu.memory_space<vmem>>, vector<1x1x16xf32>,
        %swap3A_701 = vector.shape_cast %swap3A_700 : vector<1x1x16xf32> to vector<16xf32>
        %swap3A_702 = vector.shape_cast %get3A_695 : vector<16xf32> to vector<1x1x16xf32>
        tpu.vector_store %arg9[%swap3A_697, %swap3A_698, %swap3A_699], %swap3A_702 {strides = array<i32>} : memref<2x32x128xf32, #tpu.memory_space<vmem>>, vector<1x1x16xf32>,
        %add3A_703 = arith.constant 16 : i32
        %add3A_704 = arith.addi %squeeze3A_681, %add3A_703 : i32
        %get3A_705 = arith.constant 1 : i32
        %get3A_706 = arith.index_cast %get3A_705 : i32 to index
        %get3A_707 = arith.index_cast %add3A_685 : i32 to index
        %get3A_708 = arith.index_cast %add3A_704 : i32 to index
        %get3A_709 = tpu.vector_load %arg8[%get3A_706, %get3A_707, %get3A_708] {strides = array<i32>} : memref<2x128x128xf32, #tpu.memory_space<vmem>>, vector<1x1x16xf32>,
        %get3A_710 = vector.shape_cast %get3A_709 : vector<1x1x16xf32> to vector<16xf32>
        %swap3A_711 = arith.constant 1 : i32
        %swap3A_712 = arith.index_cast %swap3A_711 : i32 to index
        %swap3A_713 = arith.index_cast %add3A_689 : i32 to index
        %swap3A_714 = arith.constant 112 : index
        %swap3A_715 = tpu.vector_load %arg9[%swap3A_712, %swap3A_713, %swap3A_714] {strides = array<i32>} : memref<2x32x128xf32, #tpu.memory_space<vmem>>, vector<1x1x16xf32>,
        %swap3A_716 = vector.shape_cast %swap3A_715 : vector<1x1x16xf32> to vector<16xf32>
        %swap3A_717 = vector.shape_cast %get3A_710 : vector<16xf32> to vector<1x1x16xf32>
        tpu.vector_store %arg9[%swap3A_712, %swap3A_713, %swap3A_714], %swap3A_717 {strides = array<i32>} : memref<2x32x128xf32, #tpu.memory_space<vmem>>, vector<1x1x16xf32>,
        %slice3A_718 = vector.extract_strided_slice %get3A_415 {offsets = [8], sizes = [1], strides = [1]} : vector<16xi32> to vector<1xi32>
        %squeeze3A_719 = vector.extract %slice3A_718[0] : i32 from vector<1xi32>
        %mul3A_720 = arith.constant 16 : i32
        %mul3A_721 = arith.muli %scan3A_408, %mul3A_720 : i32
        %add3A_722 = arith.constant 8 : i32
        %add3A_723 = arith.addi %mul3A_721, %add3A_722 : i32
        %mul3A_724 = arith.constant 4 : i32
        %mul3A_725 = arith.muli %scan3A_408, %mul3A_724 : i32
        %add3A_726 = arith.constant 2 : i32
        %add3A_727 = arith.addi %mul3A_725, %add3A_726 : i32
        %get3A_728 = arith.constant 1 : i32
        %get3A_729 = arith.index_cast %get3A_728 : i32 to index
        %get3A_730 = arith.index_cast %add3A_723 : i32 to index
        %get3A_731 = arith.index_cast %squeeze3A_719 : i32 to index
        %get3A_732 = tpu.vector_load %arg8[%get3A_729, %get3A_730, %get3A_731] {strides = array<i32>} : memref<2x128x128xf32, #tpu.memory_space<vmem>>, vector<1x1x16xf32>,
        %get3A_733 = vector.shape_cast %get3A_732 : vector<1x1x16xf32> to vector<16xf32>
        %swap3A_734 = arith.constant 1 : i32
        %swap3A_735 = arith.index_cast %swap3A_734 : i32 to index
        %swap3A_736 = arith.index_cast %add3A_727 : i32 to index
        %swap3A_737 = arith.constant 0 : index
        %swap3A_738 = tpu.vector_load %arg9[%swap3A_735, %swap3A_736, %swap3A_737] {strides = array<i32>} : memref<2x32x128xf32, #tpu.memory_space<vmem>>, vector<1x1x16xf32>,
        %swap3A_739 = vector.shape_cast %swap3A_738 : vector<1x1x16xf32> to vector<16xf32>
        %swap3A_740 = vector.shape_cast %get3A_733 : vector<16xf32> to vector<1x1x16xf32>
        tpu.vector_store %arg9[%swap3A_735, %swap3A_736, %swap3A_737], %swap3A_740 {strides = array<i32>} : memref<2x32x128xf32, #tpu.memory_space<vmem>>, vector<1x1x16xf32>,
        %add3A_741 = arith.constant 16 : i32
        %add3A_742 = arith.addi %squeeze3A_719, %add3A_741 : i32
        %get3A_743 = arith.constant 1 : i32
        %get3A_744 = arith.index_cast %get3A_743 : i32 to index
        %get3A_745 = arith.index_cast %add3A_723 : i32 to index
        %get3A_746 = arith.index_cast %add3A_742 : i32 to index
        %get3A_747 = tpu.vector_load %arg8[%get3A_744, %get3A_745, %get3A_746] {strides = array<i32>} : memref<2x128x128xf32, #tpu.memory_space<vmem>>, vector<1x1x16xf32>,
        %get3A_748 = vector.shape_cast %get3A_747 : vector<1x1x16xf32> to vector<16xf32>
        %swap3A_749 = arith.constant 1 : i32
        %swap3A_750 = arith.index_cast %swap3A_749 : i32 to index
        %swap3A_751 = arith.index_cast %add3A_727 : i32 to index
        %swap3A_752 = arith.constant 16 : index
        %swap3A_753 = tpu.vector_load %arg9[%swap3A_750, %swap3A_751, %swap3A_752] {strides = array<i32>} : memref<2x32x128xf32, #tpu.memory_space<vmem>>, vector<1x1x16xf32>,
        %swap3A_754 = vector.shape_cast %swap3A_753 : vector<1x1x16xf32> to vector<16xf32>
        %swap3A_755 = vector.shape_cast %get3A_748 : vector<16xf32> to vector<1x1x16xf32>
        tpu.vector_store %arg9[%swap3A_750, %swap3A_751, %swap3A_752], %swap3A_755 {strides = array<i32>} : memref<2x32x128xf32, #tpu.memory_space<vmem>>, vector<1x1x16xf32>,
        %slice3A_756 = vector.extract_strided_slice %get3A_415 {offsets = [9], sizes = [1], strides = [1]} : vector<16xi32> to vector<1xi32>
        %squeeze3A_757 = vector.extract %slice3A_756[0] : i32 from vector<1xi32>
        %mul3A_758 = arith.constant 16 : i32
        %mul3A_759 = arith.muli %scan3A_408, %mul3A_758 : i32
        %add3A_760 = arith.constant 9 : i32
        %add3A_761 = arith.addi %mul3A_759, %add3A_760 : i32
        %mul3A_762 = arith.constant 4 : i32
        %mul3A_763 = arith.muli %scan3A_408, %mul3A_762 : i32
        %add3A_764 = arith.constant 2 : i32
        %add3A_765 = arith.addi %mul3A_763, %add3A_764 : i32
        %get3A_766 = arith.constant 1 : i32
        %get3A_767 = arith.index_cast %get3A_766 : i32 to index
        %get3A_768 = arith.index_cast %add3A_761 : i32 to index
        %get3A_769 = arith.index_cast %squeeze3A_757 : i32 to index
        %get3A_770 = tpu.vector_load %arg8[%get3A_767, %get3A_768, %get3A_769] {strides = array<i32>} : memref<2x128x128xf32, #tpu.memory_space<vmem>>, vector<1x1x16xf32>,
        %get3A_771 = vector.shape_cast %get3A_770 : vector<1x1x16xf32> to vector<16xf32>
        %swap3A_772 = arith.constant 1 : i32
        %swap3A_773 = arith.index_cast %swap3A_772 : i32 to index
        %swap3A_774 = arith.index_cast %add3A_765 : i32 to index
        %swap3A_775 = arith.constant 32 : index
        %swap3A_776 = tpu.vector_load %arg9[%swap3A_773, %swap3A_774, %swap3A_775] {strides = array<i32>} : memref<2x32x128xf32, #tpu.memory_space<vmem>>, vector<1x1x16xf32>,
        %swap3A_777 = vector.shape_cast %swap3A_776 : vector<1x1x16xf32> to vector<16xf32>
        %swap3A_778 = vector.shape_cast %get3A_771 : vector<16xf32> to vector<1x1x16xf32>
        tpu.vector_store %arg9[%swap3A_773, %swap3A_774, %swap3A_775], %swap3A_778 {strides = array<i32>} : memref<2x32x128xf32, #tpu.memory_space<vmem>>, vector<1x1x16xf32>,
        %add3A_779 = arith.constant 16 : i32
        %add3A_780 = arith.addi %squeeze3A_757, %add3A_779 : i32
        %get3A_781 = arith.constant 1 : i32
        %get3A_782 = arith.index_cast %get3A_781 : i32 to index
        %get3A_783 = arith.index_cast %add3A_761 : i32 to index
        %get3A_784 = arith.index_cast %add3A_780 : i32 to index
        %get3A_785 = tpu.vector_load %arg8[%get3A_782, %get3A_783, %get3A_784] {strides = array<i32>} : memref<2x128x128xf32, #tpu.memory_space<vmem>>, vector<1x1x16xf32>,
        %get3A_786 = vector.shape_cast %get3A_785 : vector<1x1x16xf32> to vector<16xf32>
        %swap3A_787 = arith.constant 1 : i32
        %swap3A_788 = arith.index_cast %swap3A_787 : i32 to index
        %swap3A_789 = arith.index_cast %add3A_765 : i32 to index
        %swap3A_790 = arith.constant 48 : index
        %swap3A_791 = tpu.vector_load %arg9[%swap3A_788, %swap3A_789, %swap3A_790] {strides = array<i32>} : memref<2x32x128xf32, #tpu.memory_space<vmem>>, vector<1x1x16xf32>,
        %swap3A_792 = vector.shape_cast %swap3A_791 : vector<1x1x16xf32> to vector<16xf32>
        %swap3A_793 = vector.shape_cast %get3A_786 : vector<16xf32> to vector<1x1x16xf32>
        tpu.vector_store %arg9[%swap3A_788, %swap3A_789, %swap3A_790], %swap3A_793 {strides = array<i32>} : memref<2x32x128xf32, #tpu.memory_space<vmem>>, vector<1x1x16xf32>,
        %slice3A_794 = vector.extract_strided_slice %get3A_415 {offsets = [10], sizes = [1], strides = [1]} : vector<16xi32> to vector<1xi32>
        %squeeze3A_795 = vector.extract %slice3A_794[0] : i32 from vector<1xi32>
        %mul3A_796 = arith.constant 16 : i32
        %mul3A_797 = arith.muli %scan3A_408, %mul3A_796 : i32
        %add3A_798 = arith.constant 10 : i32
        %add3A_799 = arith.addi %mul3A_797, %add3A_798 : i32
        %mul3A_800 = arith.constant 4 : i32
        %mul3A_801 = arith.muli %scan3A_408, %mul3A_800 : i32
        %add3A_802 = arith.constant 2 : i32
        %add3A_803 = arith.addi %mul3A_801, %add3A_802 : i32
        %get3A_804 = arith.constant 1 : i32
        %get3A_805 = arith.index_cast %get3A_804 : i32 to index
        %get3A_806 = arith.index_cast %add3A_799 : i32 to index
        %get3A_807 = arith.index_cast %squeeze3A_795 : i32 to index
        %get3A_808 = tpu.vector_load %arg8[%get3A_805, %get3A_806, %get3A_807] {strides = array<i32>} : memref<2x128x128xf32, #tpu.memory_space<vmem>>, vector<1x1x16xf32>,
        %get3A_809 = vector.shape_cast %get3A_808 : vector<1x1x16xf32> to vector<16xf32>
        %swap3A_810 = arith.constant 1 : i32
        %swap3A_811 = arith.index_cast %swap3A_810 : i32 to index
        %swap3A_812 = arith.index_cast %add3A_803 : i32 to index
        %swap3A_813 = arith.constant 64 : index
        %swap3A_814 = tpu.vector_load %arg9[%swap3A_811, %swap3A_812, %swap3A_813] {strides = array<i32>} : memref<2x32x128xf32, #tpu.memory_space<vmem>>, vector<1x1x16xf32>,
        %swap3A_815 = vector.shape_cast %swap3A_814 : vector<1x1x16xf32> to vector<16xf32>
        %swap3A_816 = vector.shape_cast %get3A_809 : vector<16xf32> to vector<1x1x16xf32>
        tpu.vector_store %arg9[%swap3A_811, %swap3A_812, %swap3A_813], %swap3A_816 {strides = array<i32>} : memref<2x32x128xf32, #tpu.memory_space<vmem>>, vector<1x1x16xf32>,
        %add3A_817 = arith.constant 16 : i32
        %add3A_818 = arith.addi %squeeze3A_795, %add3A_817 : i32
        %get3A_819 = arith.constant 1 : i32
        %get3A_820 = arith.index_cast %get3A_819 : i32 to index
        %get3A_821 = arith.index_cast %add3A_799 : i32 to index
        %get3A_822 = arith.index_cast %add3A_818 : i32 to index
        %get3A_823 = tpu.vector_load %arg8[%get3A_820, %get3A_821, %get3A_822] {strides = array<i32>} : memref<2x128x128xf32, #tpu.memory_space<vmem>>, vector<1x1x16xf32>,
        %get3A_824 = vector.shape_cast %get3A_823 : vector<1x1x16xf32> to vector<16xf32>
        %swap3A_825 = arith.constant 1 : i32
        %swap3A_826 = arith.index_cast %swap3A_825 : i32 to index
        %swap3A_827 = arith.index_cast %add3A_803 : i32 to index
        %swap3A_828 = arith.constant 80 : index
        %swap3A_829 = tpu.vector_load %arg9[%swap3A_826, %swap3A_827, %swap3A_828] {strides = array<i32>} : memref<2x32x128xf32, #tpu.memory_space<vmem>>, vector<1x1x16xf32>,
        %swap3A_830 = vector.shape_cast %swap3A_829 : vector<1x1x16xf32> to vector<16xf32>
        %swap3A_831 = vector.shape_cast %get3A_824 : vector<16xf32> to vector<1x1x16xf32>
        tpu.vector_store %arg9[%swap3A_826, %swap3A_827, %swap3A_828], %swap3A_831 {strides = array<i32>} : memref<2x32x128xf32, #tpu.memory_space<vmem>>, vector<1x1x16xf32>,
        %slice3A_832 = vector.extract_strided_slice %get3A_415 {offsets = [11], sizes = [1], strides = [1]} : vector<16xi32> to vector<1xi32>
        %squeeze3A_833 = vector.extract %slice3A_832[0] : i32 from vector<1xi32>
        %mul3A_834 = arith.constant 16 : i32
        %mul3A_835 = arith.muli %scan3A_408, %mul3A_834 : i32
        %add3A_836 = arith.constant 11 : i32
        %add3A_837 = arith.addi %mul3A_835, %add3A_836 : i32
        %mul3A_838 = arith.constant 4 : i32
        %mul3A_839 = arith.muli %scan3A_408, %mul3A_838 : i32
        %add3A_840 = arith.constant 2 : i32
        %add3A_841 = arith.addi %mul3A_839, %add3A_840 : i32
        %get3A_842 = arith.constant 1 : i32
        %get3A_843 = arith.index_cast %get3A_842 : i32 to index
        %get3A_844 = arith.index_cast %add3A_837 : i32 to index
        %get3A_845 = arith.index_cast %squeeze3A_833 : i32 to index
        %get3A_846 = tpu.vector_load %arg8[%get3A_843, %get3A_844, %get3A_845] {strides = array<i32>} : memref<2x128x128xf32, #tpu.memory_space<vmem>>, vector<1x1x16xf32>,
        %get3A_847 = vector.shape_cast %get3A_846 : vector<1x1x16xf32> to vector<16xf32>
        %swap3A_848 = arith.constant 1 : i32
        %swap3A_849 = arith.index_cast %swap3A_848 : i32 to index
        %swap3A_850 = arith.index_cast %add3A_841 : i32 to index
        %swap3A_851 = arith.constant 96 : index
        %swap3A_852 = tpu.vector_load %arg9[%swap3A_849, %swap3A_850, %swap3A_851] {strides = array<i32>} : memref<2x32x128xf32, #tpu.memory_space<vmem>>, vector<1x1x16xf32>,
        %swap3A_853 = vector.shape_cast %swap3A_852 : vector<1x1x16xf32> to vector<16xf32>
        %swap3A_854 = vector.shape_cast %get3A_847 : vector<16xf32> to vector<1x1x16xf32>
        tpu.vector_store %arg9[%swap3A_849, %swap3A_850, %swap3A_851], %swap3A_854 {strides = array<i32>} : memref<2x32x128xf32, #tpu.memory_space<vmem>>, vector<1x1x16xf32>,
        %add3A_855 = arith.constant 16 : i32
        %add3A_856 = arith.addi %squeeze3A_833, %add3A_855 : i32
        %get3A_857 = arith.constant 1 : i32
        %get3A_858 = arith.index_cast %get3A_857 : i32 to index
        %get3A_859 = arith.index_cast %add3A_837 : i32 to index
        %get3A_860 = arith.index_cast %add3A_856 : i32 to index
        %get3A_861 = tpu.vector_load %arg8[%get3A_858, %get3A_859, %get3A_860] {strides = array<i32>} : memref<2x128x128xf32, #tpu.memory_space<vmem>>, vector<1x1x16xf32>,
        %get3A_862 = vector.shape_cast %get3A_861 : vector<1x1x16xf32> to vector<16xf32>
        %swap3A_863 = arith.constant 1 : i32
        %swap3A_864 = arith.index_cast %swap3A_863 : i32 to index
        %swap3A_865 = arith.index_cast %add3A_841 : i32 to index
        %swap3A_866 = arith.constant 112 : index
        %swap3A_867 = tpu.vector_load %arg9[%swap3A_864, %swap3A_865, %swap3A_866] {strides = array<i32>} : memref<2x32x128xf32, #tpu.memory_space<vmem>>, vector<1x1x16xf32>,
        %swap3A_868 = vector.shape_cast %swap3A_867 : vector<1x1x16xf32> to vector<16xf32>
        %swap3A_869 = vector.shape_cast %get3A_862 : vector<16xf32> to vector<1x1x16xf32>
        tpu.vector_store %arg9[%swap3A_864, %swap3A_865, %swap3A_866], %swap3A_869 {strides = array<i32>} : memref<2x32x128xf32, #tpu.memory_space<vmem>>, vector<1x1x16xf32>,
        %slice3A_870 = vector.extract_strided_slice %get3A_415 {offsets = [12], sizes = [1], strides = [1]} : vector<16xi32> to vector<1xi32>
        %squeeze3A_871 = vector.extract %slice3A_870[0] : i32 from vector<1xi32>
        %mul3A_872 = arith.constant 16 : i32
        %mul3A_873 = arith.muli %scan3A_408, %mul3A_872 : i32
        %add3A_874 = arith.constant 12 : i32
        %add3A_875 = arith.addi %mul3A_873, %add3A_874 : i32
        %mul3A_876 = arith.constant 4 : i32
        %mul3A_877 = arith.muli %scan3A_408, %mul3A_876 : i32
        %add3A_878 = arith.constant 3 : i32
        %add3A_879 = arith.addi %mul3A_877, %add3A_878 : i32
        %get3A_880 = arith.constant 1 : i32
        %get3A_881 = arith.index_cast %get3A_880 : i32 to index
        %get3A_882 = arith.index_cast %add3A_875 : i32 to index
        %get3A_883 = arith.index_cast %squeeze3A_871 : i32 to index
        %get3A_884 = tpu.vector_load %arg8[%get3A_881, %get3A_882, %get3A_883] {strides = array<i32>} : memref<2x128x128xf32, #tpu.memory_space<vmem>>, vector<1x1x16xf32>,
        %get3A_885 = vector.shape_cast %get3A_884 : vector<1x1x16xf32> to vector<16xf32>
        %swap3A_886 = arith.constant 1 : i32
        %swap3A_887 = arith.index_cast %swap3A_886 : i32 to index
        %swap3A_888 = arith.index_cast %add3A_879 : i32 to index
        %swap3A_889 = arith.constant 0 : index
        %swap3A_890 = tpu.vector_load %arg9[%swap3A_887, %swap3A_888, %swap3A_889] {strides = array<i32>} : memref<2x32x128xf32, #tpu.memory_space<vmem>>, vector<1x1x16xf32>,
        %swap3A_891 = vector.shape_cast %swap3A_890 : vector<1x1x16xf32> to vector<16xf32>
        %swap3A_892 = vector.shape_cast %get3A_885 : vector<16xf32> to vector<1x1x16xf32>
        tpu.vector_store %arg9[%swap3A_887, %swap3A_888, %swap3A_889], %swap3A_892 {strides = array<i32>} : memref<2x32x128xf32, #tpu.memory_space<vmem>>, vector<1x1x16xf32>,
        %add3A_893 = arith.constant 16 : i32
        %add3A_894 = arith.addi %squeeze3A_871, %add3A_893 : i32
        %get3A_895 = arith.constant 1 : i32
        %get3A_896 = arith.index_cast %get3A_895 : i32 to index
        %get3A_897 = arith.index_cast %add3A_875 : i32 to index
        %get3A_898 = arith.index_cast %add3A_894 : i32 to index
        %get3A_899 = tpu.vector_load %arg8[%get3A_896, %get3A_897, %get3A_898] {strides = array<i32>} : memref<2x128x128xf32, #tpu.memory_space<vmem>>, vector<1x1x16xf32>,
        %get3A_900 = vector.shape_cast %get3A_899 : vector<1x1x16xf32> to vector<16xf32>
        %swap3A_901 = arith.constant 1 : i32
        %swap3A_902 = arith.index_cast %swap3A_901 : i32 to index
        %swap3A_903 = arith.index_cast %add3A_879 : i32 to index
        %swap3A_904 = arith.constant 16 : index
        %swap3A_905 = tpu.vector_load %arg9[%swap3A_902, %swap3A_903, %swap3A_904] {strides = array<i32>} : memref<2x32x128xf32, #tpu.memory_space<vmem>>, vector<1x1x16xf32>,
        %swap3A_906 = vector.shape_cast %swap3A_905 : vector<1x1x16xf32> to vector<16xf32>
        %swap3A_907 = vector.shape_cast %get3A_900 : vector<16xf32> to vector<1x1x16xf32>
        tpu.vector_store %arg9[%swap3A_902, %swap3A_903, %swap3A_904], %swap3A_907 {strides = array<i32>} : memref<2x32x128xf32, #tpu.memory_space<vmem>>, vector<1x1x16xf32>,
        %slice3A_908 = vector.extract_strided_slice %get3A_415 {offsets = [13], sizes = [1], strides = [1]} : vector<16xi32> to vector<1xi32>
        %squeeze3A_909 = vector.extract %slice3A_908[0] : i32 from vector<1xi32>
        %mul3A_910 = arith.constant 16 : i32
        %mul3A_911 = arith.muli %scan3A_408, %mul3A_910 : i32
        %add3A_912 = arith.constant 13 : i32
        %add3A_913 = arith.addi %mul3A_911, %add3A_912 : i32
        %mul3A_914 = arith.constant 4 : i32
        %mul3A_915 = arith.muli %scan3A_408, %mul3A_914 : i32
        %add3A_916 = arith.constant 3 : i32
        %add3A_917 = arith.addi %mul3A_915, %add3A_916 : i32
        %get3A_918 = arith.constant 1 : i32
        %get3A_919 = arith.index_cast %get3A_918 : i32 to index
        %get3A_920 = arith.index_cast %add3A_913 : i32 to index
        %get3A_921 = arith.index_cast %squeeze3A_909 : i32 to index
        %get3A_922 = tpu.vector_load %arg8[%get3A_919, %get3A_920, %get3A_921] {strides = array<i32>} : memref<2x128x128xf32, #tpu.memory_space<vmem>>, vector<1x1x16xf32>,
        %get3A_923 = vector.shape_cast %get3A_922 : vector<1x1x16xf32> to vector<16xf32>
        %swap3A_924 = arith.constant 1 : i32
        %swap3A_925 = arith.index_cast %swap3A_924 : i32 to index
        %swap3A_926 = arith.index_cast %add3A_917 : i32 to index
        %swap3A_927 = arith.constant 32 : index
        %swap3A_928 = tpu.vector_load %arg9[%swap3A_925, %swap3A_926, %swap3A_927] {strides = array<i32>} : memref<2x32x128xf32, #tpu.memory_space<vmem>>, vector<1x1x16xf32>,
        %swap3A_929 = vector.shape_cast %swap3A_928 : vector<1x1x16xf32> to vector<16xf32>
        %swap3A_930 = vector.shape_cast %get3A_923 : vector<16xf32> to vector<1x1x16xf32>
        tpu.vector_store %arg9[%swap3A_925, %swap3A_926, %swap3A_927], %swap3A_930 {strides = array<i32>} : memref<2x32x128xf32, #tpu.memory_space<vmem>>, vector<1x1x16xf32>,
        %add3A_931 = arith.constant 16 : i32
        %add3A_932 = arith.addi %squeeze3A_909, %add3A_931 : i32
        %get3A_933 = arith.constant 1 : i32
        %get3A_934 = arith.index_cast %get3A_933 : i32 to index
        %get3A_935 = arith.index_cast %add3A_913 : i32 to index
        %get3A_936 = arith.index_cast %add3A_932 : i32 to index
        %get3A_937 = tpu.vector_load %arg8[%get3A_934, %get3A_935, %get3A_936] {strides = array<i32>} : memref<2x128x128xf32, #tpu.memory_space<vmem>>, vector<1x1x16xf32>,
        %get3A_938 = vector.shape_cast %get3A_937 : vector<1x1x16xf32> to vector<16xf32>
        %swap3A_939 = arith.constant 1 : i32
        %swap3A_940 = arith.index_cast %swap3A_939 : i32 to index
        %swap3A_941 = arith.index_cast %add3A_917 : i32 to index
        %swap3A_942 = arith.constant 48 : index
        %swap3A_943 = tpu.vector_load %arg9[%swap3A_940, %swap3A_941, %swap3A_942] {strides = array<i32>} : memref<2x32x128xf32, #tpu.memory_space<vmem>>, vector<1x1x16xf32>,
        %swap3A_944 = vector.shape_cast %swap3A_943 : vector<1x1x16xf32> to vector<16xf32>
        %swap3A_945 = vector.shape_cast %get3A_938 : vector<16xf32> to vector<1x1x16xf32>
        tpu.vector_store %arg9[%swap3A_940, %swap3A_941, %swap3A_942], %swap3A_945 {strides = array<i32>} : memref<2x32x128xf32, #tpu.memory_space<vmem>>, vector<1x1x16xf32>,
        %slice3A_946 = vector.extract_strided_slice %get3A_415 {offsets = [14], sizes = [1], strides = [1]} : vector<16xi32> to vector<1xi32>
        %squeeze3A_947 = vector.extract %slice3A_946[0] : i32 from vector<1xi32>
        %mul3A_948 = arith.constant 16 : i32
        %mul3A_949 = arith.muli %scan3A_408, %mul3A_948 : i32
        %add3A_950 = arith.constant 14 : i32
        %add3A_951 = arith.addi %mul3A_949, %add3A_950 : i32
        %mul3A_952 = arith.constant 4 : i32
        %mul3A_953 = arith.muli %scan3A_408, %mul3A_952 : i32
        %add3A_954 = arith.constant 3 : i32
        %add3A_955 = arith.addi %mul3A_953, %add3A_954 : i32
        %get3A_956 = arith.constant 1 : i32
        %get3A_957 = arith.index_cast %get3A_956 : i32 to index
        %get3A_958 = arith.index_cast %add3A_951 : i32 to index
        %get3A_959 = arith.index_cast %squeeze3A_947 : i32 to index
        %get3A_960 = tpu.vector_load %arg8[%get3A_957, %get3A_958, %get3A_959] {strides = array<i32>} : memref<2x128x128xf32, #tpu.memory_space<vmem>>, vector<1x1x16xf32>,
        %get3A_961 = vector.shape_cast %get3A_960 : vector<1x1x16xf32> to vector<16xf32>
        %swap3A_962 = arith.constant 1 : i32
        %swap3A_963 = arith.index_cast %swap3A_962 : i32 to index
        %swap3A_964 = arith.index_cast %add3A_955 : i32 to index
        %swap3A_965 = arith.constant 64 : index
        %swap3A_966 = tpu.vector_load %arg9[%swap3A_963, %swap3A_964, %swap3A_965] {strides = array<i32>} : memref<2x32x128xf32, #tpu.memory_space<vmem>>, vector<1x1x16xf32>,
        %swap3A_967 = vector.shape_cast %swap3A_966 : vector<1x1x16xf32> to vector<16xf32>
        %swap3A_968 = vector.shape_cast %get3A_961 : vector<16xf32> to vector<1x1x16xf32>
        tpu.vector_store %arg9[%swap3A_963, %swap3A_964, %swap3A_965], %swap3A_968 {strides = array<i32>} : memref<2x32x128xf32, #tpu.memory_space<vmem>>, vector<1x1x16xf32>,
        %add3A_969 = arith.constant 16 : i32
        %add3A_970 = arith.addi %squeeze3A_947, %add3A_969 : i32
        %get3A_971 = arith.constant 1 : i32
        %get3A_972 = arith.index_cast %get3A_971 : i32 to index
        %get3A_973 = arith.index_cast %add3A_951 : i32 to index
        %get3A_974 = arith.index_cast %add3A_970 : i32 to index
        %get3A_975 = tpu.vector_load %arg8[%get3A_972, %get3A_973, %get3A_974] {strides = array<i32>} : memref<2x128x128xf32, #tpu.memory_space<vmem>>, vector<1x1x16xf32>,
        %get3A_976 = vector.shape_cast %get3A_975 : vector<1x1x16xf32> to vector<16xf32>
        %swap3A_977 = arith.constant 1 : i32
        %swap3A_978 = arith.index_cast %swap3A_977 : i32 to index
        %swap3A_979 = arith.index_cast %add3A_955 : i32 to index
        %swap3A_980 = arith.constant 80 : index
        %swap3A_981 = tpu.vector_load %arg9[%swap3A_978, %swap3A_979, %swap3A_980] {strides = array<i32>} : memref<2x32x128xf32, #tpu.memory_space<vmem>>, vector<1x1x16xf32>,
        %swap3A_982 = vector.shape_cast %swap3A_981 : vector<1x1x16xf32> to vector<16xf32>
        %swap3A_983 = vector.shape_cast %get3A_976 : vector<16xf32> to vector<1x1x16xf32>
        tpu.vector_store %arg9[%swap3A_978, %swap3A_979, %swap3A_980], %swap3A_983 {strides = array<i32>} : memref<2x32x128xf32, #tpu.memory_space<vmem>>, vector<1x1x16xf32>,
        %slice3A_984 = vector.extract_strided_slice %get3A_415 {offsets = [15], sizes = [1], strides = [1]} : vector<16xi32> to vector<1xi32>
        %squeeze3A_985 = vector.extract %slice3A_984[0] : i32 from vector<1xi32>
        %mul3A_986 = arith.constant 16 : i32
        %mul3A_987 = arith.muli %scan3A_408, %mul3A_986 : i32
        %add3A_988 = arith.constant 15 : i32
        %add3A_989 = arith.addi %mul3A_987, %add3A_988 : i32
        %mul3A_990 = arith.constant 4 : i32
        %mul3A_991 = arith.muli %scan3A_408, %mul3A_990 : i32
        %add3A_992 = arith.constant 3 : i32
        %add3A_993 = arith.addi %mul3A_991, %add3A_992 : i32
        %get3A_994 = arith.constant 1 : i32
        %get3A_995 = arith.index_cast %get3A_994 : i32 to index
        %get3A_996 = arith.index_cast %add3A_989 : i32 to index
        %get3A_997 = arith.index_cast %squeeze3A_985 : i32 to index
        %get3A_998 = tpu.vector_load %arg8[%get3A_995, %get3A_996, %get3A_997] {strides = array<i32>} : memref<2x128x128xf32, #tpu.memory_space<vmem>>, vector<1x1x16xf32>,
        %get3A_999 = vector.shape_cast %get3A_998 : vector<1x1x16xf32> to vector<16xf32>
        %swap3A_1000 = arith.constant 1 : i32
        %swap3A_1001 = arith.index_cast %swap3A_1000 : i32 to index
        %swap3A_1002 = arith.index_cast %add3A_993 : i32 to index
        %swap3A_1003 = arith.constant 96 : index
        %swap3A_1004 = tpu.vector_load %arg9[%swap3A_1001, %swap3A_1002, %swap3A_1003] {strides = array<i32>} : memref<2x32x128xf32, #tpu.memory_space<vmem>>, vector<1x1x16xf32>,
        %swap3A_1005 = vector.shape_cast %swap3A_1004 : vector<1x1x16xf32> to vector<16xf32>
        %swap3A_1006 = vector.shape_cast %get3A_999 : vector<16xf32> to vector<1x1x16xf32>
        tpu.vector_store %arg9[%swap3A_1001, %swap3A_1002, %swap3A_1003], %swap3A_1006 {strides = array<i32>} : memref<2x32x128xf32, #tpu.memory_space<vmem>>, vector<1x1x16xf32>,
        %add3A_1007 = arith.constant 16 : i32
        %add3A_1008 = arith.addi %squeeze3A_985, %add3A_1007 : i32
        %get3A_1009 = arith.constant 1 : i32
        %get3A_1010 = arith.index_cast %get3A_1009 : i32 to index
        %get3A_1011 = arith.index_cast %add3A_989 : i32 to index
        %get3A_1012 = arith.index_cast %add3A_1008 : i32 to index
        %get3A_1013 = tpu.vector_load %arg8[%get3A_1010, %get3A_1011, %get3A_1012] {strides = array<i32>} : memref<2x128x128xf32, #tpu.memory_space<vmem>>, vector<1x1x16xf32>,
        %get3A_1014 = vector.shape_cast %get3A_1013 : vector<1x1x16xf32> to vector<16xf32>
        %swap3A_1015 = arith.constant 1 : i32
        %swap3A_1016 = arith.index_cast %swap3A_1015 : i32 to index
        %swap3A_1017 = arith.index_cast %add3A_993 : i32 to index
        %swap3A_1018 = arith.constant 112 : index
        %swap3A_1019 = tpu.vector_load %arg9[%swap3A_1016, %swap3A_1017, %swap3A_1018] {strides = array<i32>} : memref<2x32x128xf32, #tpu.memory_space<vmem>>, vector<1x1x16xf32>,
        %swap3A_1020 = vector.shape_cast %swap3A_1019 : vector<1x1x16xf32> to vector<16xf32>
        %swap3A_1021 = vector.shape_cast %get3A_1014 : vector<16xf32> to vector<1x1x16xf32>
        tpu.vector_store %arg9[%swap3A_1016, %swap3A_1017, %swap3A_1018], %swap3A_1021 {strides = array<i32>} : memref<2x32x128xf32, #tpu.memory_space<vmem>>, vector<1x1x16xf32>,
      }
      %scan3A_391 = arith.constant 8 : i32
      %mul3A_392 = arith.constant 32 : i32
      %mul3A_393 = arith.muli %add3A_351, %mul3A_392 : i32
      %add3A_394 = arith.addi %mul3A_2, %mul3A_393 : i32
      %dma_start3A_395 = arith.constant 1 : i32
      %dma_start3A_396 = arith.constant 0 : i32
      %dma_start3A_397 = arith.constant 0 : i32
      %dma_start3A_398 = tpu.memref_slice %arg9[%dma_start3A_395, %dma_start3A_396, %dma_start3A_397] : memref<2x32x128xf32, #tpu.memory_space<vmem>> -> memref<1x32x128xf32, #tpu.memory_space<vmem>>
      %dma_start3A_399 = tpu.memref_squeeze %dma_start3A_398 : memref<1x32x128xf32, #tpu.memory_space<vmem>> -> memref<32x128xf32, #tpu.memory_space<vmem>>
      %dma_start3A_400 = arith.constant 0 : i32
      %dma_start3A_401 = tpu.memref_slice %arg4[%add3A_394, %dma_start3A_400] : memref<204800x128xf32, #tpu.memory_space<hbm>> -> memref<32x128xf32, #tpu.memory_space<hbm>>
      %dma_start3A_402 = arith.constant 0 : i32
      %dma_start3A_403 = tpu.memref_slice %arg4[%add3A_394, %dma_start3A_402] : memref<204800x128xf32, #tpu.memory_space<hbm>> -> memref<32x128xf32, #tpu.memory_space<hbm>>
      %dma_start3A_404 = arith.constant 0 : i32
      %dma_start3A_405 = arith.constant 0 : i32
      %dma_start3A_406 = tpu.memref_slice %arg9[%dma_start3A_395, %dma_start3A_404, %dma_start3A_405] : memref<2x32x128xf32, #tpu.memory_space<vmem>> -> memref<1x32x128xf32, #tpu.memory_space<vmem>>
      %dma_start3A_407 = tpu.memref_squeeze %dma_start3A_406 : memref<1x32x128xf32, #tpu.memory_space<vmem>> -> memref<32x128xf32, #tpu.memory_space<vmem>>
      tpu.enqueue_dma source(%dma_start3A_407 : memref<32x128xf32, #tpu.memory_space<vmem>>) target(%dma_start3A_403 : memref<32x128xf32, #tpu.memory_space<hbm>>) target_semaphore(%arg12 : memref<!tpu.dma_semaphore, #tpu.memory_space<semaphore_mem>>)
    }
    %scan3A_260 = arith.constant 100 : i32
    %dma_wait3A_261 = arith.constant 0 : i32
    %dma_wait3A_262 = arith.constant 0 : i32
    %dma_wait3A_263 = arith.constant 0 : i32
    %dma_wait3A_264 = tpu.memref_slice %arg9[%dma_wait3A_261, %dma_wait3A_262, %dma_wait3A_263] : memref<2x32x128xf32, #tpu.memory_space<vmem>> -> memref<1x32x128xf32, #tpu.memory_space<vmem>>
    %dma_wait3A_265 = tpu.memref_squeeze %dma_wait3A_264 : memref<1x32x128xf32, #tpu.memory_space<vmem>> -> memref<32x128xf32, #tpu.memory_space<vmem>>
    %dma_wait3A_266 = arith.constant 0 : i32
    %dma_wait3A_267 = arith.constant 0 : i32
    %dma_wait3A_268 = tpu.memref_slice %arg4[%dma_wait3A_266, %dma_wait3A_267] : memref<204800x128xf32, #tpu.memory_space<hbm>> -> memref<32x128xf32, #tpu.memory_space<hbm>>
    %dma_wait3A_269 = arith.constant 0 : i32
    %dma_wait3A_270 = arith.constant 0 : i32
    %dma_wait3A_271 = tpu.memref_slice %arg4[%dma_wait3A_269, %dma_wait3A_270] : memref<204800x128xf32, #tpu.memory_space<hbm>> -> memref<32x128xf32, #tpu.memory_space<hbm>>
    %dma_wait3A_272 = arith.constant 0 : i32
    %dma_wait3A_273 = arith.constant 0 : i32
    %dma_wait3A_274 = tpu.memref_slice %arg9[%dma_wait3A_261, %dma_wait3A_272, %dma_wait3A_273] : memref<2x32x128xf32, #tpu.memory_space<vmem>> -> memref<1x32x128xf32, #tpu.memory_space<vmem>>
    %dma_wait3A_275 = tpu.memref_squeeze %dma_wait3A_274 : memref<1x32x128xf32, #tpu.memory_space<vmem>> -> memref<32x128xf32, #tpu.memory_space<vmem>>
    tpu.wait_dma2 semaphore(%arg12 : memref<!tpu.dma_semaphore, #tpu.memory_space<semaphore_mem>>) src(%dma_wait3A_275 : memref<32x128xf32, #tpu.memory_space<vmem>>) dst(%dma_wait3A_271 : memref<32x128xf32, #tpu.memory_space<hbm>>)
    %dma_wait3A_276 = arith.constant 1 : i32
    %dma_wait3A_277 = arith.constant 0 : i32
    %dma_wait3A_278 = arith.constant 0 : i32
    %dma_wait3A_279 = tpu.memref_slice %arg9[%dma_wait3A_276, %dma_wait3A_277, %dma_wait3A_278] : memref<2x32x128xf32, #tpu.memory_space<vmem>> -> memref<1x32x128xf32, #tpu.memory_space<vmem>>
    %dma_wait3A_280 = tpu.memref_squeeze %dma_wait3A_279 : memref<1x32x128xf32, #tpu.memory_space<vmem>> -> memref<32x128xf32, #tpu.memory_space<vmem>>
    %dma_wait3A_281 = arith.constant 0 : i32
    %dma_wait3A_282 = arith.constant 0 : i32
    %dma_wait3A_283 = tpu.memref_slice %arg4[%dma_wait3A_281, %dma_wait3A_282] : memref<204800x128xf32, #tpu.memory_space<hbm>> -> memref<32x128xf32, #tpu.memory_space<hbm>>
    %dma_wait3A_284 = arith.constant 0 : i32
    %dma_wait3A_285 = arith.constant 0 : i32
    %dma_wait3A_286 = tpu.memref_slice %arg4[%dma_wait3A_284, %dma_wait3A_285] : memref<204800x128xf32, #tpu.memory_space<hbm>> -> memref<32x128xf32, #tpu.memory_space<hbm>>
    %dma_wait3A_287 = arith.constant 0 : i32
    %dma_wait3A_288 = arith.constant 0 : i32
    %dma_wait3A_289 = tpu.memref_slice %arg9[%dma_wait3A_276, %dma_wait3A_287, %dma_wait3A_288] : memref<2x32x128xf32, #tpu.memory_space<vmem>> -> memref<1x32x128xf32, #tpu.memory_space<vmem>>
    %dma_wait3A_290 = tpu.memref_squeeze %dma_wait3A_289 : memref<1x32x128xf32, #tpu.memory_space<vmem>> -> memref<32x128xf32, #tpu.memory_space<vmem>>
    tpu.wait_dma2 semaphore(%arg12 : memref<!tpu.dma_semaphore, #tpu.memory_space<semaphore_mem>>) src(%dma_wait3A_290 : memref<32x128xf32, #tpu.memory_space<vmem>>) dst(%dma_wait3A_286 : memref<32x128xf32, #tpu.memory_space<hbm>>)
    return
  }
}

</mosaic_0001>

<sc_bundles>
// kernel: kernel.3.cloned.1.call-start
scs
__scs_entry_jumppad:
0x0: {  	(pc) =	sbr.rel $0x88, $3  }
0x1: {  	(tag) =	ssettag $0x0;
	lr =	simm.s32 $0x1  }
0x2: {  	[smem:$0x3F9F] =	sst lr;
	_ =	strace $0xD0000000  }
0x3: {  	_ = 	snop  }
0x4: {  	_ = 	snop  }
0x5: {  	_ = 	snop  }
0x6: {  	_ = 	snop  }
0x7: {  	_ = 	snop  }
__scs_overlays_trampoline_lowered:
0x8: {  	[smem:$0x3FAE] =	sst s0  }
0x9: {  	[smem:$0x3FAF] =	sst s1  }
0xa: {  	[smem:$0x3FB0] =	sst s2  }
0xb: {  	[smem:$0x3FB1] =	sst s3  }
0xc: {  	[smem:$0x3FB2] =	sst s4  }
0xd: {  	[smem:$0x3FB3] =	sst s5  }
0xe: {  	[smem:$0x3FB4] =	sst s6  }
0xf: {  	[smem:$0x3FB5] =	sst s7  }
0x10: {  	[smem:$0x3FB6] =	sst s8  }
0x11: {  	[smem:$0x3FB7] =	sst s9;
	s0 =	simm.s32 @!p0 $0x0  }
0x12: {  	s1 =	sld [smem:$0x3F9D];
	s0 =	simm.s32 @p0 $0x1  }
0x13: {  	[smem:$0x3FB8] =	sst s0;
	s0 =	simm.s32 @!p1 $0x0  }
0x14: {  	s2 =	sld [smem:$0x3F9C];
	s0 =	simm.s32 @p1 $0x1  }
0x15: {  	[smem:$0x3FB9] =	sst s0;
	s0 =	simm.s32 @!p2 $0x0  }
0x16: {  	s3 =	sld [smem:$0x3FDB];
	s0 =	simm.s32 @p2 $0x1  }
0x17: {  	s4 =	simm.s32 $0x1BF5;
	[smem:$0x3FBB] =	sst s0  }
0x18: {  	s0 =	sld [smem:$0x3F9E];
	_ =	swait.ge [sflag:s4], $0x0  }
0x19: {  	s7 =	sld [smem:$0x3F9F]  }
0x1a: {  	s8 =	sadd.s32 $0xFFFFE003, lr  }
0x1b: {  	s9 =	sadd.s32 $0xFFFFFEF7, lr;
	s5 =	simm.s32 $0xFFFFFFFF;
	p2 =	slt.u32 s8, $0xFFFFF086  }
0x1c: {  	p1 =	slt.u32 s9, $0xF7A;
	s5 =	simm.s32 @!p2 $0x0  }
0x1d: {  	s5 =	simm.s32 @p1 $0x1;
	p0 =	seq.s32 s7, s2  }
0x1e: {  	s7 =	smul.u32 @!p0 $0xF7A, s2;
	p2 =	seq.s32 @!p0 s5, $0x0  }
0x1f: {  	s9 =	smul.u32 $0xF7A, s1;
	s8 =	simm.s32 @!p0 $0x1BF5;
	p2 =	por !p2, p0  }
0x20: {  	[sflag:s8] =	ssyncset.s32 @!p0 $0xFFFFF086;
	s6 =	sadd.s32 @!p0 s3, s7;
	s7 =	simm.s32 @!p0 $0x108  }
0x21: {  	s3 =	sadd.s32 s3, s9;
	s6 =	sadd.s32 @!p0 $0x88, s6;
	s7 =	simm.s32 @p2 $0x1082  }
0x22: {  	[simem:s7], [sflag:s8] =	dma.local @!p0 [hbm:s6], $0xF7A  }
0x23: {  	s9 =	sor.u32 $0xD0000000, s2;
	s6 =	simm.s32 $0x108;
	_ =	swait.ge @!p0 [sflag:s8], $0x0  }
0x24: {  	s3 =	sadd.s32 $0x88, s3;
	s6 =	simm.s32 @!p1 $0x1082;
	[sflag:s4] =	ssyncset.s32 $0xFFFFF086  }
0x25: {  	[simem:s6], [sflag:s4] =	dma.local [hbm:s3], $0xF7A  }
0x26: {  	[smem:$0x3F9F] =	sst s1;
	(tag) =	ssettag s2;
	_ =	strace s9  }
0x27: {  	s1 =	sld [smem:$0x3FAF]  }
0x28: {  	s2 =	sld [smem:$0x3FB0]  }
0x29: {  	s4 =	sld [smem:$0x3FB2]  }
0x2a: {  	p0 =	seq.s32 s5, $0x0;
	s5 =	sld [smem:$0x3FB3]  }
0x2b: {  	s6 =	sld [smem:$0x3FB4]  }
0x2c: {  	s7 =	sld [smem:$0x3FB5]  }
0x2d: {  	s3 =	simm.s32 $0x108;
	s8 =	sld [smem:$0x3FB6]  }
0x2e: {  	s3 =	simm.s32 @!p0 $0x1082;
	s9 =	sld [smem:$0x3FB7]  }
0x2f: {  	lr =	sadd.s32 s0, s3;
	s0 =	sld [smem:$0x3FAE]  }
0x30: {  	s3 =	sld [smem:$0x3FB1]  }
0x31: {  	[smem:$0x3FBA] =	sst s10  }
0x32: {  	s10 =	sld [smem:$0x3FB8];
	_ =	sdelay $0x3  }
0x33: {  	p0 =	seq.s32 s10, $0x1;
	s10 =	sld [smem:$0x3FBA];
	_ =	sdelay $0x3  }
0x34: {  	[smem:$0x3FBA] =	sst s10  }
0x35: {  	s10 =	sld [smem:$0x3FB9];
	_ =	sdelay $0x3  }
0x36: {  	p1 =	seq.s32 s10, $0x1;
	s10 =	sld [smem:$0x3FBA];
	_ =	sdelay $0x3  }
0x37: {  	[smem:$0x3FBA] =	sst s10  }
0x38: {  	s10 =	sld [smem:$0x3FBB]  }
0x39: {  	_ = 	snop;
	(pc) =	sbr.ind lr, $3  }
0x3a: {  	_ = 	snop  }
0x3b: {  	_ = 	snop  }
0x3c: {  	p2 =	seq.s32 s10, $0x1;
	s10 =	sld [smem:$0x3FBA]  }
0x3d: {  	_ =	shalt  }
0x3e: {  	_ =	shalt  }
0x3f: {  	_ =	shalt  }
0x40: {  	_ =	shalt  }
0x41: {  	_ =	shalt  }
0x42: {  	_ =	shalt  }
0x43: {  	_ =	shalt  }
0x44: {  	_ =	shalt  }
0x45: {  	_ =	shalt  }
0x46: {  	_ =	shalt  }
0x47: {  	_ =	shalt  }
0x48: {  	_ =	shalt  }
0x49: {  	_ =	shalt  }
0x4a: {  	_ =	shalt  }
0x4b: {  	_ =	shalt  }
0x4c: {  	_ =	shalt  }
0x4d: {  	_ =	shalt  }
0x4e: {  	_ =	shalt  }
0x4f: {  	_ =	shalt  }
0x50: {  	_ =	shalt  }
0x51: {  	_ =	shalt  }
0x52: {  	_ =	shalt  }
0x53: {  	_ =	shalt  }
0x54: {  	_ =	shalt  }
0x55: {  	_ =	shalt  }
0x56: {  	_ =	shalt  }
0x57: {  	_ =	shalt  }
0x58: {  	_ =	shalt  }
0x59: {  	_ =	shalt  }
0x5a: {  	_ =	shalt  }
0x5b: {  	_ =	shalt  }
0x5c: {  	_ =	shalt  }
0x5d: {  	_ =	shalt  }
0x5e: {  	_ =	shalt  }
0x5f: {  	_ =	shalt  }
0x60: {  	_ =	shalt  }
0x61: {  	_ =	shalt  }
0x62: {  	_ =	shalt  }
0x63: {  	_ =	shalt  }
0x64: {  	_ =	shalt  }
0x65: {  	_ =	shalt  }
0x66: {  	_ =	shalt  }
0x67: {  	_ =	shalt  }
0x68: {  	_ =	shalt  }
0x69: {  	_ =	shalt  }
0x6a: {  	_ =	shalt  }
0x6b: {  	_ =	shalt  }
0x6c: {  	_ =	shalt  }
0x6d: {  	_ =	shalt  }
0x6e: {  	_ =	shalt  }
0x6f: {  	_ =	shalt  }
0x70: {  	_ =	shalt  }
0x71: {  	_ =	shalt  }
0x72: {  	_ =	shalt  }
0x73: {  	_ =	shalt  }
0x74: {  	_ =	shalt  }
0x75: {  	_ =	shalt  }
0x76: {  	_ =	shalt  }
0x77: {  	_ =	shalt  }
0x78: {  	_ =	shalt  }
0x79: {  	_ =	shalt  }
0x7a: {  	_ =	shalt  }
0x7b: {  	_ =	shalt  }
0x7c: {  	_ =	shalt  }
0x7d: {  	_ =	shalt  }
0x7e: {  	_ =	shalt  }
0x7f: {  	_ =	shalt  }
0x80: {  	_ =	shalt  }
0x81: {  	_ =	shalt  }
0x82: {  	_ =	shalt  }
0x83: {  	_ =	shalt  }
0x84: {  	_ =	shalt  }
0x85: {  	_ =	shalt  }
0x86: {  	_ =	shalt  }
0x87: {  	_ =	shalt  }
.Lfunc_end0:
.L_simem_size_0:
called_computation.1_lowered:
.L_overlay_start_0:
0x88: {  	s2 =	sld [smem:$0x3FD9]  }
0x89: {  	s3 =	sld [smem:$0x3FFE];
	_ =	sdelay $0x1  }
0x8a: {  	s1 =	srdreg.scid  }
0x8b: {  	s0 =	sand.u32 $0x1, s1  }
0x8c: {  	s17 =	sshll.u32 s0, $0xA;
	s2 =	sadd.s32 s3, s2  }
0x8d: {  	s2 =	sadd.s32 s2, s17  }
0x8e: {  	[smem:$0x3FC6] =	sst s2  }
0x8f: {  	_ = 	snop  }
0x90: {  	s2 =	sld [smem:$0x3FD0];
	(tm) =	ssettm $0x1  }
0x91: {  	s18 =	sld [smem:$0x3FFB];
	_ =	sdelay $0x3  }
0x92: {  	_ =	strace s18  }
0x93: {  	s3 =	sld [smem:$0x3FFC];
	_ =	sdelay $0x3  }
0x94: {  	_ =	strace s3  }
0x95: {  	s3 =	sld [smem:$0x3FFD];
	_ =	sdelay $0x3  }
0x96: {  	_ =	strace s3  }
0x97: {  	_ =	strace $0x8FFFFFFF  }
0x98: {  	s19 =	sld [smem:$0x3FDB];
	_ =	sdelay $0x1  }
0x99: {  	s4 =	simm.s32 $_scs_section_size  }
0x9a: {  	s5 =	simm.s32 $_size__tile_overlayer_lowered;
	s6 =	simm.s32 $_tile_overlayer_lowered  }
0x9b: {  	s22 =	simm.s32 $0x1BFF;
	s21 =	sshll.u32 s6, $0x1;
	s3 =	sadd.s32 s4, s19  }
0x9c: {  	s7 =	simm.s32 $0x0;
	s20 =	sshll.u32 s5, $0x1;
	s5 =	sadd.s32 s21, s3  }
0x9d: {  	[timem:s7], [sflag:s22] =	dma.local [hbm:s5], s20  }
0x9e: {  	_ =	swait.ge [sflag:s22], s20  }
0x9f: {  	s4 =	ssub.s32 $0x0, s20;
	[sflag:s22] =	ssyncset.done $0x0  }
0xa0: {  	[sflag:s22] =	ssyncadd.s32 s4;
	_ =	sdelay $0x1  }
0xa1: {  	s23 =	simm.s32 $0x1B8B  }
0xa2: {  	_ =	swait.ge [sflag:s23], $0x1  }
0xa3: {  	[sflag:s23] =	ssyncset.done $0x0  }
0xa4: {  	s25 =	simm.s32 $0x1B8E;
	s24 =	sld [smem:$0x3FFE];
	[sflag:s23] =	ssyncadd.s32 $0xFFFFFFFF  }
0xa5: {  	s26 =	simm.s32 $execute0_lowered;
	[smem:$0x3FD2] =	sst s25  }
0xa6: {  	s5 =	sshll.u32 s26, $0x1;
	_ =	strace $0x80000046;
	[dreg:$0x1] =	wrdreg $0xFFFFFFFF  }
0xa7: {  	s28 =	simm.s32 $_size_execute0_lowered;
	s3 =	sadd.s32 s3, s5;
	[dreg:$0x0] =	wrdreg $0x0  }
0xa8: {  	s5 =	sshll.u32 s28, $0x1;
	[dreg:$0x2] =	wrdreg s3  }
0xa9: {  	[dreg:$0x3] =	wrdreg s5  }
0xaa: {  	[dreg:$0x4] =	wrdreg $0xC0  }
0xab: {  	_ =	task [dreg:s7], $0x5FFFF  }
0xac: {  	[dreg:$0x1] =	wrdreg $0xFFFFFFFF  }
0xad: {  	[dreg:$0x0] =	wrdreg $0x60  }
0xae: {  	[dreg:$0x2] =	wrdreg s24  }
0xaf: {  	[dreg:$0x3] =	wrdreg s2  }
0xb0: {  	[dreg:$0x4] =	wrdreg $0x9  }
0xb1: {  	_ =	task.clear_ibuf [dreg:s7], $0x5FFFF;
	_ =	strace $0x90000046  }
0xb2: {  	s29 =	simm.s32 $0x9;
	_ =	strace $0x80000048  }
0xb3: {  	_ =	swait.ge [sflag:s29], $0x1  }
0xb4: {  	[sflag:s29] =	ssyncadd.s32 $0xFFFFFFFF  }
0xb5: {  	_ =	strace $0x90000048  }
0xb6: {  	_ =	sfence  }
0xb7: {  	s30 =	sld [smem:$0x0];
	_ =	sdelay $0x2  }
0xb8: {  	s31 =	sshll.u32 s1, $0xD;
	s1 =	sshrl.u32 s1, $0x2  }
0xb9: {  	s3 =	sand.u32 $0x4000, s31;
	s1 =	sadd.s32 s1, s30  }
0xba: {  	s0 =	sor.u32 s3, s0;
	s1 =	sshll.u32 s1, $0x11  }
0xbb: {  	s0 =	sor.u32 s1, s0  }
0xbc: {  	s0 =	sadd.s32 $0x8F2B, s0  }
0xbd: {  	[sflag:s0] =	ssyncadd.remote.s32 $0x1  }
0xbe: {  	_ =	sfence.sel $0xFFFF  }
0xbf: {  	[dreg:$0x0] =	wrdreg $0xFFFFFFFF;
	(pc) =	sbr.abs _section_cstart, $3  }
0xc0: {  	[dreg:$0x1] =	wrdreg $0xFFFFFFFF  }
0xc1: {  	_ =	task.clear_ibuf [dreg:s7], $0x2FFFF;
	_ =	strace $0x9FFFFFFF  }
0xc2: {  	(tm) =	ssettm $0x7FFFFFFF  }
0xc3: {  	_ =	shalt  }
tec
execute0_lowered:
.L_overlay_start_1:
0x0: {  	(tag) =	ssettag $0x1  }
0x1: {  	s0 =	rddreg [dreg:$0x0]  }
0x2: {  	s1 =	srdreg.scid;
	s3 =	stileid.u32  }
0x3: {  	s1 =	sand.u32 $0x1, s1;
	s2 =	sshll.u32 s3, $0x1;
	s4 =	sshrl.u32 s3, $0x2  }
0x4: {  	s3 =	simm.s32 $0x0;
	s7 =	sadd.s32 $0xF42E00, s0;
	s2 =	sor.u32 s1, s2  }
0x5: {  	s4 =	smul.u32 $0x32000, s4;
	[smem:$0x7FF] =	sst s3;
	s1 =	ssub.s32 $0x2, s1  }
0x6: {  	s5 =	sshll.u32 s2, $0x7;
	s8 =	sshrl.u32 s1, $0x1;
	s2 =	smul.u32 $0xC8000, s2  }
0x7: {  	_ =	strace $0x80000047;
	s5 =	sand.u32 $0x380, s5;
	s26 =	ssub.s32 s1, s8  }
0x8: {  	s5 =	sor.u32 s4, s5;
	[dreg:$0x4] =	wrdreg s2;
	s31 =	sor.u32 $0x1000, s2  }
0x9: {  	s4 =	sadd.s32 $0xA00, s0;
	s0 =	smax.u32 s26, $0x1;
	[dreg:$0x8] =	wrdreg s31  }
0xa: {  	s29 =	sor.u32 $0x800, s5;
	[dreg:$0x9] =	wrdreg s0  }
0xb: {  	s6 =	sshrl.u32 s5, $0x3;
	s30 =	sor.u32 $0xC00, s5;
	[dreg:$0x6] =	wrdreg s29  }
0xc: {  	s6 =	sadd.s32 s4, s6;
	[dreg:$0x7] =	wrdreg s30  }
0xd: {  	s14 =	simm.s32 $0x1;
	[dreg:$0x3] =	wrdreg s6;
	s28 =	sadd.s32 $0x80, s6  }
0xe: {  	s19 =	simm.s32 $0x2;
	s2 =	simm.s32 $0x0;
	[dreg:$0x5] =	wrdreg s28  }
.LBB2_1:
0xf: {  	[dreg:$0xa] =	wrdreg s2  }
0x10: {  	s0 =	rddreg [dreg:$0x3]  }
0x11: {  	[tilespmem:s3], [sflag:$0x1] =	stream.linear.gather [hbm4b:s0+s3], $0x80, $0x38;
	[tilespmem:$0xA300] =	vst v63  }
0x12: {  	s29 =	rddreg [dreg:$0x5];
	s1 =	simm.s32 $0x80  }
0x13: {  	[tilespmem:s1], [sflag:$0x1] =	stream.linear.gather [hbm4b:s29+s3], $0x80, $0x38;
	[tilespmem:$0xA300] =	vst v63  }
0x14: {  	_ =	swait.ge [sflag:s14], $0x80  }
0x15: {  	[sflag:s14] =	ssyncset.done $0x0  }
0x16: {  	[sflag:s14] =	ssyncadd.s32 $0xFFFFFF80  }
0x17: {  	v0 =	vld [tilespmem:$0x0]  }
0x18: {  	v1 =	vld [tilespmem:$0x10]  }
0x19: {  	v2 =	vld [tilespmem:$0x20]  }
0x1a: {  	v44 =	vld [tilespmem:$0x30]  }
0x1b: {  	v47 =	vld [tilespmem:$0x40]  }
0x1c: {  	v50 =	vld [tilespmem:$0x50];
	v3 =	vshrl.u32 v0, $0x2  }
0x1d: {  	v53 =	vld [tilespmem:$0x60];
	v45 =	vshrl.u32 v1, $0x2;
	[tilespmem:$0x100] =	vst v3  }
0x1e: {  	v56 =	vld [tilespmem:$0x70];
	v48 =	vshrl.u32 v2, $0x2;
	[tilespmem:$0x110] =	vst v45  }
0x1f: {  	v51 =	vshrl.u32 v44, $0x2;
	[tilespmem:$0x120] =	vst v48  }
0x20: {  	v54 =	vshrl.u32 v47, $0x2;
	[tilespmem:$0x130] =	vst v51  }
0x21: {  	v57 =	vshrl.u32 v50, $0x2;
	[tilespmem:$0x140] =	vst v54  }
0x22: {  	v59 =	vshrl.u32 v53, $0x2;
	[tilespmem:$0x150] =	vst v57  }
0x23: {  	v0 =	vshll.u32 v0, $0x5;
	v62 =	vshrl.u32 v56, $0x2;
	[tilespmem:$0x160] =	vst v59  }
0x24: {  	v1 =	vshll.u32 v1, $0x5;
	v0 =	vand.u32 $0x60, v0;
	[tilespmem:$0x170] =	vst v62  }
0x25: {  	v2 =	vshll.u32 v2, $0x5;
	v46 =	vand.u32 $0x60, v1;
	[tilespmem:$0x200] =	vst v0  }
0x26: {  	v60 =	vshll.u32 v53, $0x5;
	v49 =	vand.u32 $0x60, v2;
	[tilespmem:$0x210] =	vst v46  }
0x27: {  	v3 =	vshll.u32 v44, $0x5;
	v61 =	vand.u32 $0x60, v60;
	[tilespmem:$0x220] =	vst v49  }
0x28: {  	v1 =	vshll.u32 v47, $0x5;
	v52 =	vand.u32 $0x60, v3;
	[tilespmem:$0x260] =	vst v61  }
0x29: {  	v2 =	vshll.u32 v50, $0x5;
	v55 =	vand.u32 $0x60, v1;
	[tilespmem:$0x230] =	vst v52  }
0x2a: {  	v58 =	vand.u32 $0x60, v2;
	v1 =	vshll.u32 v56, $0x5;
	[tilespmem:$0x240] =	vst v55  }
0x2b: {  	s21 =	simm.s32 $0x80;
	[tilespmem:$0x250] =	vst v58;
	v63 =	vand.u32 $0x60, v1  }
0x2c: {  	s30 =	simm.s32 $0x100;
	s31 =	simm.s32 $0x300;
	s24 =	simm.s32 $0x0;
	[tilespmem:$0x270] =	vst v63  }
0x2d: {  	[tilespmem:s31], [sflag:$0x2] =	stream.indirect.gather [hbm4b:s7+s1], $0x80, s30, s1, $0xb8;
	[tilespmem:$0xA300] =	vst v63  }
.LBB2_2:
0x2e: {  	_ =	swait.ge [sflag:s14], $0x80  }
0x2f: {  	[sflag:s14] =	ssyncset.done $0x0  }
0x30: {  	[sflag:s14] =	ssyncadd.s32 $0xFFFFFF80  }
0x31: {  	v0 =	vld [tilespmem:$0x80];
	_ =	sdelay $0x1  }
0x32: {  	v1 =	vld [tilespmem:$0x90];
	_ =	sdelay $0x1  }
0x33: {  	v2 =	vld [tilespmem:$0xA0]  }
0x34: {  	v3 =	vshrl.u32 v0, $0x2;
	v0 =	vshll.u32 v0, $0x5  }
0x35: {  	[tilespmem:$0x180] =	vst v3;
	v0 =	vand.u32 $0x60, v0;
	v3 =	vld [tilespmem:$0xB0]  }
0x36: {  	[tilespmem:$0x280] =	vst v0;
	v0 =	vshrl.u32 v1, $0x2;
	v1 =	vshll.u32 v1, $0x5  }
0x37: {  	[tilespmem:$0x190] =	vst v0;
	v0 =	vand.u32 $0x60, v1;
	v1 =	vld [tilespmem:$0xC0]  }
0x38: {  	[tilespmem:$0x290] =	vst v0;
	v0 =	vshrl.u32 v2, $0x2;
	v2 =	vshll.u32 v2, $0x5  }
0x39: {  	[tilespmem:$0x1A0] =	vst v0;
	v0 =	vand.u32 $0x60, v2;
	v2 =	vld [tilespmem:$0xD0]  }
0x3a: {  	[tilespmem:$0x2A0] =	vst v0;
	v0 =	vshrl.u32 v3, $0x2;
	v3 =	vshll.u32 v3, $0x5  }
0x3b: {  	[tilespmem:$0x1B0] =	vst v0;
	v0 =	vand.u32 $0x60, v3;
	v3 =	vld [tilespmem:$0xE0]  }
0x3c: {  	[tilespmem:$0x2B0] =	vst v0;
	v0 =	vshrl.u32 v1, $0x2;
	v1 =	vshll.u32 v1, $0x5  }
0x3d: {  	[tilespmem:$0x1C0] =	vst v0;
	v0 =	vand.u32 $0x60, v1;
	v1 =	vld [tilespmem:$0xF0]  }
0x3e: {  	[tilespmem:$0x2C0] =	vst v0;
	v0 =	vshrl.u32 v2, $0x2;
	v2 =	vshll.u32 v2, $0x5  }
0x3f: {  	[tilespmem:$0x1D0] =	vst v0;
	v0 =	vand.u32 $0x60, v2  }
0x40: {  	[tilespmem:$0x2D0] =	vst v0;
	v0 =	vshrl.u32 v3, $0x2;
	v2 =	vshll.u32 v3, $0x5  }
0x41: {  	[tilespmem:$0x1E0] =	vst v0;
	v0 =	vand.u32 $0x60, v2  }
0x42: {  	[tilespmem:$0x2E0] =	vst v0;
	v0 =	vshrl.u32 v1, $0x2;
	v1 =	vshll.u32 v1, $0x5  }
0x43: {  	[tilespmem:$0x1F0] =	vst v0;
	v0 =	vand.u32 $0x60, v1  }
0x44: {  	s0 =	simm.s32 $0x180;
	s1 =	simm.s32 $0x4300;
	p0 =	seq.s32 s24, $0x63;
	[tilespmem:$0x2F0] =	vst v0  }
0x45: {  	[tilespmem:s1], [sflag:$0x2] =	stream.indirect.gather [hbm4b:s7+s21], $0x80, s0, s21, $0xb8;
	[tilespmem:$0xA300] =	vst v63  }
0x46: {  	s0 =	sshll.u32 @!p0 s24, $0xB;
	s1 =	rddreg [dreg:$0x6]  }
0x47: {  	s0 =	sadd.s32 @!p0 s0, s1  }
0x48: {  	s0 =	sshrl.u32 @!p0 s0, $0x3  }
0x49: {  	s1 =	simm.s32 @!p0 $0x0;
	s0 =	sadd.s32 @!p0 s4, s0  }
0x4a: {  	[tilespmem:s1], [sflag:$0x1] =	stream.linear.gather @!p0 [hbm4b:s0+s1], $0x80, $0x38;
	[tilespmem:$0xA300] =	vst v63  }
0x4b: {  	_ =	swait.ge [sflag:s19], $0x4000  }
0x4c: {  	p0 =	seq.s32 s24, $0x0;
	[sflag:s19] =	ssyncset.done $0x0  }
0x4d: {  	s0 =	simm.s32 @!p0 $0x3;
	[sflag:s19] =	ssyncadd.s32 $0xFFFFC000  }
0x4e: {  	_ =	swait.ge @!p0 [sflag:s0], $0x1000  }
0x4f: {  	[sflag:s0] =	ssyncset.done @!p0 $0x0  }
0x50: {  	s26 =	simm.s32 $0x200;
	[sflag:s0] =	ssyncadd.s32 @!p0 $0xFFFFF000  }
0x51: {  	v0 =	vld [tilespmem:s26+$0x0];
	_ =	sdelay $0x4  }
0x52: {  	(v2sf) =	vpush v0, $0x0;
	_ =	sdelay $0xb  }
0x53: {  	(v2sf) =	vpush v0, $0x1;
	_ =	sdelay $0x2  }
0x54: {  	s20 =	spop (v2sf)  }
0x55: {  	s22 =	sand.u32 $0x7F, s20;
	s2 =	sshll.u32 s20, $0x2  }
0x56: {  	s2 =	sand.u32 $0xFFFFFE00, s2;
	s1 =	sshll.u32 s22, $0x2  }
0x57: {  	s1 =	sor.u32 s1, s2  }
0x58: {  	s1 =	sshra.s32 s1, $0x2  }
0x59: {  	s1 =	sadd.s32 $0x0, s1  }
0x5a: {  	s0 =	sadd.s32 $0x10, s20;
	v1 =	vld [tilespmem:s1+$0x300]  }
0x5b: {  	s23 =	sand.u32 $0x7F, s0;
	s0 =	sshll.u32 s0, $0x2  }
0x5c: {  	s0 =	sand.u32 $0xFFFFFE00, s0;
	s1 =	sshll.u32 s23, $0x2  }
0x5d: {  	(v2sf) =	vpush v0, $0x2;
	s0 =	sor.u32 s1, s0  }
0x5e: {  	s28 =	simm.s32 $0x8400;
	s0 =	sshra.s32 s0, $0x2  }
0x5f: {  	s0 =	sadd.s32 $0x0, s0;
	[tilespmem:s28+$0xFFFFFF00] =	vst v1  }
0x60: {  	s25 =	spop (v2sf);
	v1 =	vld [tilespmem:s0+$0x300]  }
0x61: {  	s30 =	sand.u32 $0x7F, s25;
	s31 =	sshll.u32 s25, $0x2  }
0x62: {  	s2 =	sand.u32 $0xFFFFFE00, s31;
	s0 =	sshll.u32 s30, $0x2  }
0x63: {  	s0 =	sor.u32 s0, s2  }
0x64: {  	s0 =	sshra.s32 s0, $0x2  }
0x65: {  	s0 =	sadd.s32 $0x0, s0;
	[tilespmem:s28+$0xFFFFFF10] =	vst v1  }
0x66: {  	s1 =	sadd.s32 $0x10, s25;
	v1 =	vld [tilespmem:s0+$0x380]  }
0x67: {  	s3 =	sand.u32 $0x7F, s1;
	s1 =	sshll.u32 s1, $0x2  }
0x68: {  	s1 =	sand.u32 $0xFFFFFE00, s1;
	s0 =	sshll.u32 s3, $0x2  }
0x69: {  	(v2sf) =	vpush v0, $0x3;
	s0 =	sor.u32 s0, s1  }
0x6a: {  	s0 =	sshra.s32 s0, $0x2  }
0x6b: {  	s0 =	sadd.s32 $0x0, s0;
	[tilespmem:s28+$0xFFFFFF20] =	vst v1  }
0x6c: {  	s5 =	spop (v2sf);
	v1 =	vld [tilespmem:s0+$0x380]  }
0x6d: {  	s6 =	sand.u32 $0x7F, s5;
	s8 =	sshll.u32 s5, $0x2  }
0x6e: {  	s2 =	sand.u32 $0xFFFFFE00, s8;
	s0 =	sshll.u32 s6, $0x2  }
0x6f: {  	s0 =	sor.u32 s0, s2  }
0x70: {  	s0 =	sshra.s32 s0, $0x2  }
0x71: {  	s0 =	sadd.s32 $0x0, s0;
	[tilespmem:s28+$0xFFFFFF30] =	vst v1  }
0x72: {  	s1 =	sadd.s32 $0x10, s5;
	v1 =	vld [tilespmem:s0+$0x400]  }
0x73: {  	s9 =	sand.u32 $0x7F, s1;
	s1 =	sshll.u32 s1, $0x2  }
0x74: {  	s1 =	sand.u32 $0xFFFFFE00, s1;
	s0 =	sshll.u32 s9, $0x2  }
0x75: {  	(v2sf) =	vpush v0, $0x4;
	s0 =	sor.u32 s0, s1  }
0x76: {  	s0 =	sshra.s32 s0, $0x2  }
0x77: {  	s0 =	sadd.s32 $0x0, s0;
	[tilespmem:s28+$0xFFFFFF40] =	vst v1  }
0x78: {  	s10 =	spop (v2sf);
	v1 =	vld [tilespmem:s0+$0x400]  }
0x79: {  	s11 =	sand.u32 $0x7F, s10;
	s12 =	sshll.u32 s10, $0x2  }
0x7a: {  	s2 =	sand.u32 $0xFFFFFE00, s12;
	s0 =	sshll.u32 s11, $0x2  }
0x7b: {  	s0 =	sor.u32 s0, s2  }
0x7c: {  	s0 =	sshra.s32 s0, $0x2  }
0x7d: {  	s0 =	sadd.s32 $0x0, s0;
	[tilespmem:s28+$0xFFFFFF50] =	vst v1  }
0x7e: {  	s1 =	sadd.s32 $0x10, s10;
	v1 =	vld [tilespmem:s0+$0x480]  }
0x7f: {  	s13 =	sand.u32 $0x7F, s1;
	s1 =	sshll.u32 s1, $0x2  }
0x80: {  	s1 =	sand.u32 $0xFFFFFE00, s1;
	s0 =	sshll.u32 s13, $0x2  }
0x81: {  	(v2sf) =	vpush v0, $0x5;
	s0 =	sor.u32 s0, s1  }
0x82: {  	s0 =	sshra.s32 s0, $0x2  }
0x83: {  	s0 =	sadd.s32 $0x0, s0;
	[tilespmem:s28+$0xFFFFFF60] =	vst v1  }
0x84: {  	s15 =	spop (v2sf);
	v1 =	vld [tilespmem:s0+$0x480]  }
0x85: {  	s16 =	sand.u32 $0x7F, s15;
	s17 =	sshll.u32 s15, $0x2  }
0x86: {  	s2 =	sand.u32 $0xFFFFFE00, s17;
	s0 =	sshll.u32 s16, $0x2  }
0x87: {  	s0 =	sor.u32 s0, s2  }
0x88: {  	s0 =	sshra.s32 s0, $0x2  }
0x89: {  	s0 =	sadd.s32 $0x0, s0;
	[tilespmem:s28+$0xFFFFFF70] =	vst v1  }
0x8a: {  	s1 =	sadd.s32 $0x10, s15;
	v1 =	vld [tilespmem:s0+$0x500]  }
0x8b: {  	s18 =	sand.u32 $0x7F, s1;
	s1 =	sshll.u32 s1, $0x2  }
0x8c: {  	s1 =	sand.u32 $0xFFFFFE00, s1;
	s0 =	sshll.u32 s18, $0x2  }
0x8d: {  	(v2sf) =	vpush v0, $0x6;
	s0 =	sor.u32 s0, s1  }
0x8e: {  	s0 =	sshra.s32 s0, $0x2  }
0x8f: {  	s0 =	sadd.s32 $0x0, s0;
	[tilespmem:s28+$0xFFFFFF80] =	vst v1  }
0x90: {  	s20 =	spop (v2sf);
	v1 =	vld [tilespmem:s0+$0x500]  }
0x91: {  	s22 =	sand.u32 $0x7F, s20;
	s23 =	sshll.u32 s20, $0x2  }
0x92: {  	s2 =	sand.u32 $0xFFFFFE00, s23;
	s0 =	sshll.u32 s22, $0x2  }
0x93: {  	s0 =	sor.u32 s0, s2  }
0x94: {  	s0 =	sshra.s32 s0, $0x2  }
0x95: {  	s0 =	sadd.s32 $0x0, s0;
	[tilespmem:s28+$0xFFFFFF90] =	vst v1  }
0x96: {  	s1 =	sadd.s32 $0x10, s20;
	v1 =	vld [tilespmem:s0+$0x580]  }
0x97: {  	s25 =	sand.u32 $0x7F, s1;
	s1 =	sshll.u32 s1, $0x2  }
0x98: {  	s1 =	sand.u32 $0xFFFFFE00, s1;
	s0 =	sshll.u32 s25, $0x2  }
0x99: {  	(v2sf) =	vpush v0, $0x7;
	s0 =	sor.u32 s0, s1  }
0x9a: {  	s0 =	sshra.s32 s0, $0x2  }
0x9b: {  	s0 =	sadd.s32 $0x0, s0;
	[tilespmem:s28+$0xFFFFFFA0] =	vst v1  }
0x9c: {  	s30 =	spop (v2sf);
	v1 =	vld [tilespmem:s0+$0x580]  }
0x9d: {  	s31 =	sand.u32 $0x7F, s30;
	s3 =	sshll.u32 s30, $0x2  }
0x9e: {  	s2 =	sand.u32 $0xFFFFFE00, s3;
	s0 =	sshll.u32 s31, $0x2  }
0x9f: {  	s0 =	sor.u32 s0, s2  }
0xa0: {  	s0 =	sshra.s32 s0, $0x2  }
0xa1: {  	s0 =	sadd.s32 $0x0, s0;
	[tilespmem:s28+$0xFFFFFFB0] =	vst v1  }
0xa2: {  	s1 =	sadd.s32 $0x10, s30;
	v1 =	vld [tilespmem:s0+$0x600]  }
0xa3: {  	s5 =	sand.u32 $0x7F, s1;
	s1 =	sshll.u32 s1, $0x2  }
0xa4: {  	s1 =	sand.u32 $0xFFFFFE00, s1;
	s0 =	sshll.u32 s5, $0x2  }
0xa5: {  	(v2sf) =	vpush v0, $0x8;
	s0 =	sor.u32 s0, s1  }
0xa6: {  	s0 =	sshra.s32 s0, $0x2  }
0xa7: {  	s0 =	sadd.s32 $0x0, s0;
	[tilespmem:s28+$0xFFFFFFC0] =	vst v1  }
0xa8: {  	s6 =	spop (v2sf);
	v1 =	vld [tilespmem:s0+$0x600]  }
0xa9: {  	s8 =	sand.u32 $0x7F, s6;
	s9 =	sshll.u32 s6, $0x2  }
0xaa: {  	s2 =	sand.u32 $0xFFFFFE00, s9;
	s0 =	sshll.u32 s8, $0x2  }
0xab: {  	s0 =	sor.u32 s0, s2  }
0xac: {  	s0 =	sshra.s32 s0, $0x2  }
0xad: {  	s0 =	sadd.s32 $0x0, s0;
	[tilespmem:s28+$0xFFFFFFD0] =	vst v1  }
0xae: {  	s1 =	sadd.s32 $0x10, s6;
	v1 =	vld [tilespmem:s0+$0x680]  }
0xaf: {  	s10 =	sand.u32 $0x7F, s1;
	s1 =	sshll.u32 s1, $0x2  }
0xb0: {  	s1 =	sand.u32 $0xFFFFFE00, s1;
	s0 =	sshll.u32 s10, $0x2  }
0xb1: {  	(v2sf) =	vpush v0, $0x9;
	s0 =	sor.u32 s0, s1  }
0xb2: {  	s0 =	sshra.s32 s0, $0x2  }
0xb3: {  	s0 =	sadd.s32 $0x0, s0;
	[tilespmem:s28+$0xFFFFFFE0] =	vst v1  }
0xb4: {  	s11 =	spop (v2sf);
	v1 =	vld [tilespmem:s0+$0x680]  }
0xb5: {  	s12 =	sand.u32 $0x7F, s11;
	s13 =	sshll.u32 s11, $0x2  }
0xb6: {  	s2 =	sand.u32 $0xFFFFFE00, s13;
	s0 =	sshll.u32 s12, $0x2  }
0xb7: {  	s0 =	sor.u32 s0, s2  }
0xb8: {  	s0 =	sshra.s32 s0, $0x2  }
0xb9: {  	s0 =	sadd.s32 $0x0, s0;
	[tilespmem:s28+$0xFFFFFFF0] =	vst v1  }
0xba: {  	s1 =	sadd.s32 $0x10, s11;
	v1 =	vld [tilespmem:s0+$0x700]  }
0xbb: {  	s15 =	sand.u32 $0x7F, s1;
	s1 =	sshll.u32 s1, $0x2  }
0xbc: {  	s1 =	sand.u32 $0xFFFFFE00, s1;
	s0 =	sshll.u32 s15, $0x2  }
0xbd: {  	(v2sf) =	vpush v0, $0xA;
	s0 =	sor.u32 s0, s1  }
0xbe: {  	s0 =	sshra.s32 s0, $0x2  }
0xbf: {  	s0 =	sadd.s32 $0x0, s0;
	[tilespmem:s28+$0x0] =	vst v1  }
0xc0: {  	s16 =	spop (v2sf);
	v1 =	vld [tilespmem:s0+$0x700]  }
0xc1: {  	s17 =	sand.u32 $0x7F, s16;
	s18 =	sshll.u32 s16, $0x2  }
0xc2: {  	s2 =	sand.u32 $0xFFFFFE00, s18;
	s0 =	sshll.u32 s17, $0x2  }
0xc3: {  	s0 =	sor.u32 s0, s2  }
0xc4: {  	s0 =	sshra.s32 s0, $0x2  }
0xc5: {  	s0 =	sadd.s32 $0x0, s0;
	[tilespmem:s28+$0x10] =	vst v1  }
0xc6: {  	s1 =	sadd.s32 $0x10, s16;
	v1 =	vld [tilespmem:s0+$0x780]  }
0xc7: {  	s20 =	sand.u32 $0x7F, s1;
	s1 =	sshll.u32 s1, $0x2  }
0xc8: {  	s1 =	sand.u32 $0xFFFFFE00, s1;
	s0 =	sshll.u32 s20, $0x2  }
0xc9: {  	(v2sf) =	vpush v0, $0xB;
	s0 =	sor.u32 s0, s1  }
0xca: {  	s0 =	sshra.s32 s0, $0x2  }
0xcb: {  	s0 =	sadd.s32 $0x0, s0;
	[tilespmem:s28+$0x20] =	vst v1  }
0xcc: {  	s22 =	spop (v2sf);
	v1 =	vld [tilespmem:s0+$0x780]  }
0xcd: {  	s23 =	sand.u32 $0x7F, s22;
	s25 =	sshll.u32 s22, $0x2  }
0xce: {  	s2 =	sand.u32 $0xFFFFFE00, s25;
	s0 =	sshll.u32 s23, $0x2  }
0xcf: {  	s0 =	sor.u32 s0, s2  }
0xd0: {  	s0 =	sshra.s32 s0, $0x2  }
0xd1: {  	s0 =	sadd.s32 $0x0, s0;
	[tilespmem:s28+$0x30] =	vst v1  }
0xd2: {  	s1 =	sadd.s32 $0x10, s22;
	v1 =	vld [tilespmem:s0+$0x800]  }
0xd3: {  	s30 =	sand.u32 $0x7F, s1;
	s1 =	sshll.u32 s1, $0x2  }
0xd4: {  	s1 =	sand.u32 $0xFFFFFE00, s1;
	s0 =	sshll.u32 s30, $0x2  }
0xd5: {  	(v2sf) =	vpush v0, $0xC;
	s0 =	sor.u32 s0, s1  }
0xd6: {  	s0 =	sshra.s32 s0, $0x2  }
0xd7: {  	s0 =	sadd.s32 $0x0, s0;
	[tilespmem:s28+$0x40] =	vst v1  }
0xd8: {  	s31 =	spop (v2sf);
	v1 =	vld [tilespmem:s0+$0x800]  }
0xd9: {  	s3 =	sand.u32 $0x7F, s31;
	s5 =	sshll.u32 s31, $0x2  }
0xda: {  	s2 =	sand.u32 $0xFFFFFE00, s5;
	s0 =	sshll.u32 s3, $0x2  }
0xdb: {  	s0 =	sor.u32 s0, s2  }
0xdc: {  	s0 =	sshra.s32 s0, $0x2  }
0xdd: {  	s0 =	sadd.s32 $0x0, s0;
	[tilespmem:s28+$0x50] =	vst v1  }
0xde: {  	s1 =	sadd.s32 $0x10, s31;
	v1 =	vld [tilespmem:s0+$0x880]  }
0xdf: {  	s6 =	sand.u32 $0x7F, s1;
	s1 =	sshll.u32 s1, $0x2  }
0xe0: {  	s1 =	sand.u32 $0xFFFFFE00, s1;
	s0 =	sshll.u32 s6, $0x2  }
0xe1: {  	(v2sf) =	vpush v0, $0xD;
	s0 =	sor.u32 s0, s1  }
0xe2: {  	s0 =	sshra.s32 s0, $0x2  }
0xe3: {  	s0 =	sadd.s32 $0x0, s0;
	[tilespmem:s28+$0x60] =	vst v1  }
0xe4: {  	s8 =	spop (v2sf);
	v1 =	vld [tilespmem:s0+$0x880]  }
0xe5: {  	s9 =	sand.u32 $0x7F, s8;
	s10 =	sshll.u32 s8, $0x2  }
0xe6: {  	s2 =	sand.u32 $0xFFFFFE00, s10;
	s0 =	sshll.u32 s9, $0x2  }
0xe7: {  	s0 =	sor.u32 s0, s2  }
0xe8: {  	s0 =	sshra.s32 s0, $0x2  }
0xe9: {  	s0 =	sadd.s32 $0x0, s0;
	[tilespmem:s28+$0x70] =	vst v1  }
0xea: {  	s1 =	sadd.s32 $0x10, s8;
	v1 =	vld [tilespmem:s0+$0x900]  }
0xeb: {  	s11 =	sand.u32 $0x7F, s1;
	s1 =	sshll.u32 s1, $0x2  }
0xec: {  	s1 =	sand.u32 $0xFFFFFE00, s1;
	s0 =	sshll.u32 s11, $0x2  }
0xed: {  	(v2sf) =	vpush v0, $0xE;
	s0 =	sor.u32 s0, s1  }
0xee: {  	s0 =	sshra.s32 s0, $0x2  }
0xef: {  	s0 =	sadd.s32 $0x0, s0;
	[tilespmem:s28+$0x80] =	vst v1  }
0xf0: {  	s12 =	spop (v2sf);
	v1 =	vld [tilespmem:s0+$0x900]  }
0xf1: {  	s13 =	sand.u32 $0x7F, s12;
	s15 =	sshll.u32 s12, $0x2  }
0xf2: {  	s2 =	sand.u32 $0xFFFFFE00, s15;
	s0 =	sshll.u32 s13, $0x2  }
0xf3: {  	s0 =	sor.u32 s0, s2  }
0xf4: {  	s0 =	sshra.s32 s0, $0x2  }
0xf5: {  	s0 =	sadd.s32 $0x0, s0;
	[tilespmem:s28+$0x90] =	vst v1  }
0xf6: {  	s1 =	sadd.s32 $0x10, s12;
	v1 =	vld [tilespmem:s0+$0x980]  }
0xf7: {  	s16 =	sand.u32 $0x7F, s1;
	s1 =	sshll.u32 s1, $0x2  }
0xf8: {  	s1 =	sand.u32 $0xFFFFFE00, s1;
	s0 =	sshll.u32 s16, $0x2  }
0xf9: {  	(v2sf) =	vpush v0, $0xF;
	s0 =	sor.u32 s0, s1  }
0xfa: {  	s0 =	sshra.s32 s0, $0x2  }
0xfb: {  	s0 =	sadd.s32 $0x0, s0;
	[tilespmem:s28+$0xA0] =	vst v1  }
0xfc: {  	s17 =	spop (v2sf);
	v0 =	vld [tilespmem:s0+$0x980]  }
0xfd: {  	s18 =	sand.u32 $0x7F, s17;
	s20 =	sshll.u32 s17, $0x2  }
0xfe: {  	s2 =	sand.u32 $0xFFFFFE00, s20;
	s0 =	sshll.u32 s18, $0x2  }
0xff: {  	s0 =	sor.u32 s0, s2  }
0x100: {  	s0 =	sshra.s32 s0, $0x2  }
0x101: {  	s0 =	sadd.s32 $0x0, s0;
	[tilespmem:s28+$0xB0] =	vst v0  }
0x102: {  	s1 =	sadd.s32 $0x10, s17;
	v0 =	vld [tilespmem:s0+$0xA00]  }
0x103: {  	s22 =	sand.u32 $0x7F, s1;
	s1 =	sshll.u32 s1, $0x2  }
0x104: {  	s1 =	sand.u32 $0xFFFFFE00, s1;
	s0 =	sshll.u32 s22, $0x2  }
0x105: {  	s0 =	sor.u32 s0, s1  }
0x106: {  	s0 =	sshra.s32 s0, $0x2  }
0x107: {  	s0 =	sadd.s32 $0x0, s0;
	[tilespmem:s28+$0xC0] =	vst v0  }
0x108: {  	s23 =	spop (v2sf);
	v0 =	vld [tilespmem:s0+$0xA00]  }
0x109: {  	s25 =	sand.u32 $0x7F, s23;
	s30 =	sshll.u32 s23, $0x2  }
0x10a: {  	s2 =	sand.u32 $0xFFFFFE00, s30;
	s0 =	sshll.u32 s25, $0x2  }
0x10b: {  	s0 =	sor.u32 s0, s2  }
0x10c: {  	s0 =	sshra.s32 s0, $0x2  }
0x10d: {  	s0 =	sadd.s32 $0x0, s0;
	[tilespmem:s28+$0xD0] =	vst v0  }
0x10e: {  	s1 =	sadd.s32 $0x10, s23;
	v0 =	vld [tilespmem:s0+$0xA80]  }
0x10f: {  	s31 =	sand.u32 $0x7F, s1;
	s1 =	sshll.u32 s1, $0x2  }
0x110: {  	s1 =	sand.u32 $0xFFFFFE00, s1;
	s0 =	sshll.u32 s31, $0x2  }
0x111: {  	s0 =	sor.u32 s0, s1  }
0x112: {  	s0 =	sshra.s32 s0, $0x2  }
0x113: {  	s0 =	sadd.s32 $0x0, s0;
	[tilespmem:s28+$0xE0] =	vst v0  }
0x114: {  	s29 =	simm.s32 $0x2000;
	s25 =	sshll.u32 s24, $0xD;
	v0 =	vld [tilespmem:s0+$0xA80]  }
.LBB2_3:
0x115: {  	_ =	sdelay $0x3  }
0x116: {  	p1 =	sne.s32 s29, $0xE000;
	s26 =	sadd.s32 $0x10, s26;
	[tilespmem:s28+$0xF0] =	vst v0;
	s28 =	sadd.s32 $0x200, s28  }
0x117: {  	s0 =	smov.u32 s29;
	s29 =	sadd.s32 $0x2000, s29;
	v0 =	vld [tilespmem:s26+$0x0];
	_ =	sdelay $0x4  }
0x118: {  	(v2sf) =	vpush v0, $0x0;
	_ =	sdelay $0x3  }
0x119: {  	(v2sf) =	vpush v0, $0x1;
	_ =	sdelay $0x1  }
0x11a: {  	(v2sf) =	vpush v0, $0x2;
	_ =	sdelay $0x7  }
0x11b: {  	(v2sf) =	vpush v0, $0x3  }
0x11c: {  	s30 =	sshra.s32 s0, $0x2;
	s0 =	spop (v2sf)  }
0x11d: {  	s1 =	sand.u32 $0x7F, s0;
	s2 =	sshll.u32 s0, $0x2;
	s0 =	sadd.s32 $0x10, s0  }
0x11e: {  	s2 =	sand.u32 $0xFFFFFE00, s2;
	s1 =	sshll.u32 s1, $0x2;
	s5 =	sand.u32 $0x7F, s0  }
0x11f: {  	s0 =	sshll.u32 s0, $0x2;
	s1 =	sor.u32 s1, s2;
	s2 =	sshll.u32 s5, $0x2  }
0x120: {  	s0 =	sand.u32 $0xFFFFFE00, s0;
	s1 =	sshra.s32 s1, $0x2;
	s5 =	spop (v2sf)  }
0x121: {  	s0 =	sor.u32 s2, s0;
	s1 =	sadd.s32 s30, s1;
	s2 =	sand.u32 $0x7F, s5;
	(v2sf) =	vpush v0, $0x4  }
0x122: {  	v1 =	vld [tilespmem:s1+$0x300];
	s1 =	sshll.u32 s5, $0x2;
	s5 =	sadd.s32 $0x10, s5;
	s6 =	spop (v2sf)  }
0x123: {  	s2 =	sshll.u32 s2, $0x2;
	s1 =	sand.u32 $0xFFFFFE00, s1;
	s8 =	sand.u32 $0x7F, s6  }
0x124: {  	s1 =	sor.u32 s2, s1;
	s2 =	sand.u32 $0x7F, s5;
	s5 =	sshll.u32 s5, $0x2  }
0x125: {  	s9 =	sshll.u32 s6, $0x2;
	s1 =	sshra.s32 s1, $0x2;
	s5 =	sand.u32 $0xFFFFFE00, s5  }
0x126: {  	s0 =	sshra.s32 s0, $0x2;
	s9 =	sand.u32 $0xFFFFFE00, s9;
	s8 =	sshll.u32 s8, $0x2  }
0x127: {  	s0 =	sadd.s32 s30, s0;
	s2 =	sshll.u32 s2, $0x2;
	s8 =	sor.u32 s8, s9;
	[tilespmem:s28+$0xFFFFFF00] =	vst v1;
	(v2sf) =	vpush v0, $0x5  }
0x128: {  	s8 =	sshra.s32 s8, $0x2;
	v1 =	vld [tilespmem:s0+$0x300];
	s0 =	sor.u32 s2, s5;
	s2 =	sadd.s32 $0x10, s6  }
0x129: {  	s5 =	sshra.s32 s0, $0x2;
	s0 =	sand.u32 $0x7F, s2;
	s2 =	sshll.u32 s2, $0x2  }
0x12a: {  	s2 =	sand.u32 $0xFFFFFE00, s2;
	s0 =	sshll.u32 s0, $0x2;
	s9 =	spop (v2sf)  }
0x12b: {  	s0 =	sor.u32 s0, s2;
	s2 =	sand.u32 $0x7F, s9;
	s10 =	sshll.u32 s9, $0x2  }
0x12c: {  	s6 =	sshra.s32 s0, $0x2;
	s0 =	sand.u32 $0xFFFFFE00, s10;
	s2 =	sshll.u32 s2, $0x2  }
0x12d: {  	s1 =	sadd.s32 s30, s1;
	[tilespmem:s28+$0xFFFFFF10] =	vst v1;
	s0 =	sor.u32 s2, s0;
	s2 =	sadd.s32 $0x10, s9;
	(v2sf) =	vpush v0, $0x6  }
0x12e: {  	v1 =	vld [tilespmem:s1+$0x380];
	s0 =	sshra.s32 s0, $0x2;
	s9 =	sand.u32 $0x7F, s2;
	s2 =	sshll.u32 s2, $0x2  }
0x12f: {  	s1 =	sadd.s32 s30, s0;
	s0 =	sand.u32 $0xFFFFFE00, s2;
	s2 =	sshll.u32 s9, $0x2  }
0x130: {  	s0 =	sor.u32 s2, s0;
	s2 =	spop (v2sf)  }
0x131: {  	s0 =	sshra.s32 s0, $0x2;
	s9 =	sand.u32 $0x7F, s2;
	s10 =	sshll.u32 s2, $0x2  }
0x132: {  	s0 =	sadd.s32 s30, s0;
	s10 =	sand.u32 $0xFFFFFE00, s10;
	s9 =	sshll.u32 s9, $0x2  }
0x133: {  	s5 =	sadd.s32 s30, s5;
	s2 =	sadd.s32 $0x10, s2;
	[tilespmem:s28+$0xFFFFFF20] =	vst v1;
	s9 =	sor.u32 s9, s10;
	(v2sf) =	vpush v0, $0x7  }
0x134: {  	v1 =	vld [tilespmem:s5+$0x380];
	s5 =	sshra.s32 s9, $0x2;
	s9 =	sand.u32 $0x7F, s2;
	s2 =	sshll.u32 s2, $0x2  }
0x135: {  	s5 =	sadd.s32 s30, s5;
	s2 =	sand.u32 $0xFFFFFE00, s2;
	s9 =	sshll.u32 s9, $0x2  }
0x136: {  	s2 =	sor.u32 s9, s2;
	s9 =	spop (v2sf);
	(v2sf) =	vpush v0, $0x8  }
0x137: {  	s2 =	sshra.s32 s2, $0x2;
	s10 =	sand.u32 $0x7F, s9;
	s12 =	sshll.u32 s9, $0x2  }
0x138: {  	s2 =	sadd.s32 s30, s2;
	s12 =	sand.u32 $0xFFFFFE00, s12;
	s10 =	sshll.u32 s10, $0x2  }
0x139: {  	s8 =	sadd.s32 s30, s8;
	s9 =	sadd.s32 $0x10, s9;
	[tilespmem:s28+$0xFFFFFF30] =	vst v1;
	s10 =	sor.u32 s10, s12  }
0x13a: {  	v1 =	vld [tilespmem:s8+$0x400];
	s8 =	sshra.s32 s10, $0x2;
	s10 =	sand.u32 $0x7F, s9;
	s9 =	sshll.u32 s9, $0x2  }
0x13b: {  	s20 =	sadd.s32 s30, s8;
	s8 =	sand.u32 $0xFFFFFE00, s9;
	s9 =	sshll.u32 s10, $0x2  }
0x13c: {  	s8 =	sor.u32 s9, s8;
	s9 =	spop (v2sf)  }
0x13d: {  	s8 =	sshra.s32 s8, $0x2;
	s10 =	sand.u32 $0x7F, s9;
	s12 =	sshll.u32 s9, $0x2  }
0x13e: {  	s17 =	sadd.s32 s30, s8;
	s8 =	sand.u32 $0xFFFFFE00, s12;
	s10 =	sshll.u32 s10, $0x2;
	(v2sf) =	vpush v0, $0x9  }
0x13f: {  	s6 =	sadd.s32 s30, s6;
	s9 =	sadd.s32 $0x10, s9;
	[tilespmem:s28+$0xFFFFFF40] =	vst v1;
	s8 =	sor.u32 s10, s8  }
0x140: {  	v1 =	vld [tilespmem:s6+$0x400];
	s6 =	sshra.s32 s8, $0x2;
	s8 =	sand.u32 $0x7F, s9;
	s9 =	sshll.u32 s9, $0x2  }
0x141: {  	s23 =	sadd.s32 s30, s6;
	s6 =	sand.u32 $0xFFFFFE00, s9;
	s8 =	sshll.u32 s8, $0x2;
	(v2sf) =	vpush v0, $0xA  }
0x142: {  	s6 =	sor.u32 s8, s6;
	s9 =	spop (v2sf)  }
0x143: {  	s6 =	sshra.s32 s6, $0x2;
	s10 =	sand.u32 $0x7F, s9;
	s12 =	sshll.u32 s9, $0x2  }
0x144: {  	s8 =	sadd.s32 s30, s6;
	s6 =	sand.u32 $0xFFFFFE00, s12;
	s10 =	sshll.u32 s10, $0x2  }
0x145: {  	s9 =	sadd.s32 $0x10, s9;
	[tilespmem:s28+$0xFFFFFF50] =	vst v1;
	s6 =	sor.u32 s10, s6;
	s10 =	spop (v2sf)  }
0x146: {  	v1 =	vld [tilespmem:s1+$0x480];
	s1 =	sshra.s32 s6, $0x2;
	s6 =	sand.u32 $0x7F, s9;
	s9 =	sshll.u32 s9, $0x2  }
0x147: {  	s31 =	sadd.s32 s30, s1;
	s1 =	sand.u32 $0xFFFFFE00, s9;
	s6 =	sshll.u32 s6, $0x2  }
0x148: {  	s9 =	sshll.u32 s10, $0x2;
	s1 =	sor.u32 s6, s1;
	s6 =	sand.u32 $0x7F, s10  }
0x149: {  	s9 =	sand.u32 $0xFFFFFE00, s9;
	s1 =	sshra.s32 s1, $0x2;
	s6 =	sshll.u32 s6, $0x2;
	(v2sf) =	vpush v0, $0xB  }
0x14a: {  	s1 =	sadd.s32 s30, s1;
	s6 =	sor.u32 s6, s9;
	s9 =	sadd.s32 $0x10, s10  }
0x14b: {  	[tilespmem:s28+$0xFFFFFF60] =	vst v1;
	s6 =	sshra.s32 s6, $0x2;
	s10 =	sand.u32 $0x7F, s9;
	s9 =	sshll.u32 s9, $0x2  }
0x14c: {  	v1 =	vld [tilespmem:s0+$0x480];
	s0 =	sadd.s32 s30, s6;
	s6 =	sand.u32 $0xFFFFFE00, s9;
	s9 =	sshll.u32 s10, $0x2;
	(v2sf) =	vpush v0, $0xC  }
0x14d: {  	s6 =	sor.u32 s9, s6;
	s9 =	spop (v2sf)  }
0x14e: {  	s6 =	sshra.s32 s6, $0x2;
	s10 =	sand.u32 $0x7F, s9;
	s15 =	sshll.u32 s9, $0x2  }
0x14f: {  	s12 =	sadd.s32 s30, s6;
	s6 =	sand.u32 $0xFFFFFE00, s15;
	s10 =	sshll.u32 s10, $0x2  }
0x150: {  	s9 =	sadd.s32 $0x10, s9;
	s6 =	sor.u32 s10, s6;
	s10 =	spop (v2sf)  }
0x151: {  	s15 =	sand.u32 $0x7F, s9;
	s9 =	sshll.u32 s9, $0x2;
	[tilespmem:s28+$0xFFFFFF70] =	vst v1;
	s6 =	sshra.s32 s6, $0x2  }
0x152: {  	v1 =	vld [tilespmem:s5+$0x500];
	s5 =	sadd.s32 s30, s6;
	s6 =	sand.u32 $0xFFFFFE00, s9;
	s9 =	sshll.u32 s15, $0x2  }
0x153: {  	s15 =	sshll.u32 s10, $0x2;
	s6 =	sor.u32 s9, s6;
	s9 =	sand.u32 $0x7F, s10  }
0x154: {  	s16 =	sand.u32 $0xFFFFFE00, s15;
	s6 =	sshra.s32 s6, $0x2;
	s9 =	sshll.u32 s9, $0x2;
	(v2sf) =	vpush v0, $0xD  }
0x155: {  	s15 =	sadd.s32 s30, s6;
	s6 =	sor.u32 s9, s16;
	s9 =	sadd.s32 $0x10, s10  }
0x156: {  	s6 =	sshra.s32 s6, $0x2;
	s10 =	sand.u32 $0x7F, s9;
	s9 =	sshll.u32 s9, $0x2  }
0x157: {  	[tilespmem:s28+$0xFFFFFF80] =	vst v1;
	s16 =	sadd.s32 s30, s6;
	s6 =	sand.u32 $0xFFFFFE00, s9;
	s9 =	sshll.u32 s10, $0x2;
	(v2sf) =	vpush v0, $0xE  }
0x158: {  	v1 =	vld [tilespmem:s2+$0x500];
	s2 =	sor.u32 s9, s6;
	s6 =	spop (v2sf)  }
0x159: {  	s2 =	sshra.s32 s2, $0x2;
	s9 =	sand.u32 $0x7F, s6;
	s18 =	sshll.u32 s6, $0x2  }
0x15a: {  	s10 =	sadd.s32 s30, s2;
	s2 =	sand.u32 $0xFFFFFE00, s18;
	s9 =	sshll.u32 s9, $0x2  }
0x15b: {  	s6 =	sadd.s32 $0x10, s6;
	s2 =	sor.u32 s9, s2;
	s9 =	spop (v2sf)  }
0x15c: {  	s22 =	sand.u32 $0x7F, s6;
	s6 =	sshll.u32 s6, $0x2;
	s2 =	sshra.s32 s2, $0x2  }
0x15d: {  	[tilespmem:s28+$0xFFFFFF90] =	vst v1;
	s18 =	sadd.s32 s30, s2;
	s2 =	sand.u32 $0xFFFFFE00, s6;
	s6 =	sshll.u32 s22, $0x2  }
0x15e: {  	v1 =	vld [tilespmem:s20+$0x580];
	s2 =	sor.u32 s6, s2;
	s6 =	sand.u32 $0x7F, s9;
	s20 =	sshll.u32 s9, $0x2  }
0x15f: {  	s2 =	sshra.s32 s2, $0x2;
	s22 =	sand.u32 $0xFFFFFE00, s20;
	s6 =	sshll.u32 s6, $0x2;
	(v2sf) =	vpush v0, $0xF  }
0x160: {  	s20 =	sadd.s32 s30, s2;
	s2 =	sor.u32 s6, s22;
	s6 =	sadd.s32 $0x10, s9  }
0x161: {  	s2 =	sshra.s32 s2, $0x2;
	s9 =	sand.u32 $0x7F, s6;
	s6 =	sshll.u32 s6, $0x2  }
0x162: {  	s22 =	sadd.s32 s30, s2;
	s2 =	sand.u32 $0xFFFFFE00, s6;
	s6 =	sshll.u32 s9, $0x2  }
0x163: {  	[tilespmem:s28+$0xFFFFFFA0] =	vst v1;
	s2 =	sor.u32 s6, s2;
	s6 =	spop (v2sf)  }
0x164: {  	v0 =	vld [tilespmem:s17+$0x580];
	s2 =	sshra.s32 s2, $0x2;
	s9 =	sand.u32 $0x7F, s6;
	s11 =	sshll.u32 s6, $0x2  }
0x165: {  	s17 =	sadd.s32 s30, s2;
	s2 =	sand.u32 $0xFFFFFE00, s11;
	s9 =	sshll.u32 s9, $0x2  }
0x166: {  	s6 =	sadd.s32 $0x10, s6;
	s2 =	sor.u32 s9, s2;
	s9 =	spop (v2sf)  }
0x167: {  	s11 =	sand.u32 $0x7F, s6;
	s6 =	sshll.u32 s6, $0x2;
	s2 =	sshra.s32 s2, $0x2  }
0x168: {  	s6 =	sand.u32 $0xFFFFFE00, s6;
	s11 =	sshll.u32 s11, $0x2;
	s2 =	sadd.s32 s30, s2  }
0x169: {  	s6 =	sor.u32 s11, s6;
	s11 =	sand.u32 $0x7F, s9;
	s13 =	sshll.u32 s9, $0x2;
	[tilespmem:s28+$0xFFFFFFB0] =	vst v0  }
0x16a: {  	s6 =	sshra.s32 s6, $0x2;
	s13 =	sand.u32 $0xFFFFFE00, s13;
	s11 =	sshll.u32 s11, $0x2;
	v0 =	vld [tilespmem:s23+$0x600]  }
0x16b: {  	s9 =	sadd.s32 $0x10, s9;
	s23 =	sadd.s32 s30, s6;
	s6 =	sor.u32 s11, s13  }
0x16c: {  	s11 =	sand.u32 $0x7F, s9;
	s9 =	sshll.u32 s9, $0x2;
	s6 =	sshra.s32 s6, $0x2  }
0x16d: {  	s9 =	sand.u32 $0xFFFFFE00, s9;
	s11 =	sshll.u32 s11, $0x2;
	s6 =	sadd.s32 s30, s6  }
0x16e: {  	s9 =	sor.u32 s11, s9;
	s11 =	spop (v2sf)  }
0x16f: {  	s9 =	sshra.s32 s9, $0x2;
	[tilespmem:s28+$0xFFFFFFC0] =	vst v0;
	s13 =	sand.u32 $0x7F, s11;
	s3 =	sshll.u32 s11, $0x2  }
0x170: {  	v0 =	vld [tilespmem:s8+$0x600];
	s8 =	sadd.s32 s30, s9;
	s3 =	sand.u32 $0xFFFFFE00, s3;
	s9 =	sshll.u32 s13, $0x2  }
0x171: {  	s3 =	sor.u32 s9, s3;
	s9 =	sadd.s32 $0x10, s11  }
0x172: {  	s3 =	sshra.s32 s3, $0x2;
	s11 =	sand.u32 $0x7F, s9;
	s13 =	sshll.u32 s9, $0x2  }
0x173: {  	s9 =	sadd.s32 s30, s3;
	s3 =	sand.u32 $0xFFFFFE00, s13;
	s11 =	sshll.u32 s11, $0x2  }
0x174: {  	s3 =	sor.u32 s11, s3  }
0x175: {  	[tilespmem:s28+$0xFFFFFFD0] =	vst v0;
	s3 =	sshra.s32 s3, $0x2  }
0x176: {  	v0 =	vld [tilespmem:s31+$0x680];
	s30 =	sadd.s32 s30, s3;
	_ =	sdelay $0x4  }
0x177: {  	[tilespmem:s28+$0xFFFFFFE0] =	vst v0  }
0x178: {  	v0 =	vld [tilespmem:s1+$0x680];
	_ =	sdelay $0x4  }
0x179: {  	[tilespmem:s28+$0xFFFFFFF0] =	vst v0  }
0x17a: {  	v0 =	vld [tilespmem:s0+$0x700];
	_ =	sdelay $0x4  }
0x17b: {  	[tilespmem:s28+$0x0] =	vst v0  }
0x17c: {  	v0 =	vld [tilespmem:s12+$0x700];
	_ =	sdelay $0x4  }
0x17d: {  	[tilespmem:s28+$0x10] =	vst v0  }
0x17e: {  	v0 =	vld [tilespmem:s5+$0x780];
	_ =	sdelay $0x4  }
0x17f: {  	[tilespmem:s28+$0x20] =	vst v0  }
0x180: {  	v0 =	vld [tilespmem:s15+$0x780];
	_ =	sdelay $0x4  }
0x181: {  	[tilespmem:s28+$0x30] =	vst v0  }
0x182: {  	v0 =	vld [tilespmem:s16+$0x800];
	_ =	sdelay $0x4  }
0x183: {  	[tilespmem:s28+$0x40] =	vst v0  }
0x184: {  	v0 =	vld [tilespmem:s10+$0x800];
	_ =	sdelay $0x4  }
0x185: {  	[tilespmem:s28+$0x50] =	vst v0  }
0x186: {  	v0 =	vld [tilespmem:s18+$0x880];
	_ =	sdelay $0x4  }
0x187: {  	[tilespmem:s28+$0x60] =	vst v0  }
0x188: {  	v0 =	vld [tilespmem:s20+$0x880];
	_ =	sdelay $0x4  }
0x189: {  	[tilespmem:s28+$0x70] =	vst v0  }
0x18a: {  	v0 =	vld [tilespmem:s22+$0x900];
	_ =	sdelay $0x4  }
0x18b: {  	[tilespmem:s28+$0x80] =	vst v0  }
0x18c: {  	v0 =	vld [tilespmem:s17+$0x900];
	_ =	sdelay $0x4  }
0x18d: {  	[tilespmem:s28+$0x90] =	vst v0  }
0x18e: {  	v0 =	vld [tilespmem:s2+$0x980];
	_ =	sdelay $0x4  }
0x18f: {  	[tilespmem:s28+$0xA0] =	vst v0  }
0x190: {  	v0 =	vld [tilespmem:s23+$0x980];
	_ =	sdelay $0x4  }
0x191: {  	[tilespmem:s28+$0xB0] =	vst v0  }
0x192: {  	v0 =	vld [tilespmem:s6+$0xA00];
	_ =	sdelay $0x4  }
0x193: {  	[tilespmem:s28+$0xC0] =	vst v0  }
0x194: {  	v0 =	vld [tilespmem:s8+$0xA00];
	_ =	sdelay $0x4  }
0x195: {  	[tilespmem:s28+$0xD0] =	vst v0  }
0x196: {  	v0 =	vld [tilespmem:s9+$0xA80];
	_ =	sdelay $0x1  }
.Ltmp0:
0x197: {  	(pc) =	sbr.rel @p1 .LBB2_3-.Ltmp0, $3  }
0x198: {  	_ =	sdelay $0x1  }
0x199: {  	[tilespmem:s28+$0xE0] =	vst v0  }
0x19a: {  	v0 =	vld [tilespmem:s30+$0xA80]  }
0x19b: {  	p1 =	sne.s32 s24, $0x63  }
.Ltmp1:
0x19c: {  	s0 =	rddreg [dreg:$0x4];
	(pc) =	sbr.rel @p1 .LBB2_6-.Ltmp1, $4  }
0x19d: {  	s0 =	sadd.s32 s0, s25  }
0x19e: {  	s1 =	rddreg [dreg:$0x1];
	s0 =	sshrl.u32 s0, $0x3  }
0x19f: {  	s2 =	simm.s32 $0x8300;
	s0 =	sadd.s32 s1, s0;
	s1 =	simm.s32 $0x0;
	[tilespmem:s28+$0xF0] =	vst v0  }
0x1a0: {  	[hbm4b:s0+s1] =	stream.linear.scatter [tilespmem:s2], [sflag:$0x3], $0x1000, $0x38;
	[tilespmem:$0xA300] =	vst v63  }
.Ltmp2:
0x1a1: {  	(pc) =	sbr.rel .LBB2_7-.Ltmp2, $4  }
0x1a2: {  	_ = 	snop  }
0x1a3: {  	_ =	swait.ge [sflag:s19], $0x4000  }
0x1a4: {  	[sflag:s19] =	ssyncset.done $0x0  }
0x1a5: {  	[sflag:s19] =	ssyncadd.s32 $0xFFFFC000  }
.LBB2_6:
0x1a6: {  	_ =	swait.ge [sflag:s14], $0x80  }
0x1a7: {  	[sflag:s14] =	ssyncset.done $0x0  }
0x1a8: {  	[sflag:s14] =	ssyncadd.s32 $0xFFFFFF80  }
0x1a9: {  	v0 =	vld [tilespmem:$0x0]  }
0x1aa: {  	v1 =	vld [tilespmem:$0x10]  }
0x1ab: {  	v2 =	vld [tilespmem:$0x20]  }
0x1ac: {  	v44 =	vld [tilespmem:$0x30]  }
0x1ad: {  	v47 =	vld [tilespmem:$0x40]  }
0x1ae: {  	v50 =	vld [tilespmem:$0x50];
	v3 =	vshrl.u32 v0, $0x2  }
0x1af: {  	v53 =	vld [tilespmem:$0x60];
	v45 =	vshrl.u32 v1, $0x2;
	[tilespmem:$0x100] =	vst v3  }
0x1b0: {  	v56 =	vld [tilespmem:$0x70];
	v48 =	vshrl.u32 v2, $0x2;
	[tilespmem:$0x110] =	vst v45  }
0x1b1: {  	v51 =	vshrl.u32 v44, $0x2;
	[tilespmem:$0x120] =	vst v48  }
0x1b2: {  	v54 =	vshrl.u32 v47, $0x2;
	[tilespmem:$0x130] =	vst v51  }
0x1b3: {  	v57 =	vshrl.u32 v50, $0x2;
	[tilespmem:$0x140] =	vst v54  }
0x1b4: {  	v59 =	vshrl.u32 v53, $0x2;
	[tilespmem:$0x150] =	vst v57  }
0x1b5: {  	v0 =	vshll.u32 v0, $0x5;
	v62 =	vshrl.u32 v56, $0x2;
	[tilespmem:$0x160] =	vst v59  }
0x1b6: {  	v1 =	vshll.u32 v1, $0x5;
	v0 =	vand.u32 $0x60, v0;
	[tilespmem:$0x170] =	vst v62  }
0x1b7: {  	v2 =	vshll.u32 v2, $0x5;
	v46 =	vand.u32 $0x60, v1;
	[tilespmem:$0x200] =	vst v0  }
0x1b8: {  	v60 =	vshll.u32 v53, $0x5;
	v49 =	vand.u32 $0x60, v2;
	[tilespmem:$0x210] =	vst v46  }
0x1b9: {  	v3 =	vshll.u32 v44, $0x5;
	v61 =	vand.u32 $0x60, v60;
	[tilespmem:$0x220] =	vst v49  }
0x1ba: {  	v1 =	vshll.u32 v47, $0x5;
	v52 =	vand.u32 $0x60, v3;
	[tilespmem:$0x260] =	vst v61  }
0x1bb: {  	v2 =	vshll.u32 v50, $0x5;
	v55 =	vand.u32 $0x60, v1;
	[tilespmem:$0x230] =	vst v52  }
0x1bc: {  	v58 =	vand.u32 $0x60, v2;
	v1 =	vshll.u32 v56, $0x5;
	[tilespmem:$0x240] =	vst v55  }
0x1bd: {  	s3 =	simm.s32 $0x80;
	s0 =	simm.s32 $0x100;
	[tilespmem:$0x250] =	vst v58;
	v63 =	vand.u32 $0x60, v1  }
0x1be: {  	s2 =	simm.s32 $0x300;
	s30 =	sshll.u32 s24, $0xB;
	s31 =	rddreg [dreg:$0x7];
	[tilespmem:$0x270] =	vst v63  }
0x1bf: {  	[tilespmem:s2], [sflag:$0x2] =	stream.indirect.gather [hbm4b:s7+s3], $0x80, s0, s3, $0xb8;
	[tilespmem:$0xA300] =	vst v63  }
0x1c0: {  	s0 =	sadd.s32 s30, s31  }
0x1c1: {  	s0 =	sshrl.u32 s0, $0x3  }
.Ltmp3:
0x1c2: {  	s0 =	sadd.s32 s4, s0;
	(pc) =	sbr.rel @p0 .LBB2_8-.Ltmp3, $4  }
0x1c3: {  	[tilespmem:s3], [sflag:$0x1] =	stream.linear.gather [hbm4b:s0+s1], $0x80, $0x38;
	[tilespmem:$0xA300] =	vst v63  }
0x1c4: {  	_ =	swait.ge [sflag:s19], $0x4000  }
0x1c5: {  	[sflag:s19] =	ssyncset.done $0x0  }
0x1c6: {  	s21 =	simm.s32 $0x80;
	[sflag:s19] =	ssyncadd.s32 $0xFFFFC000  }
.LBB2_7:
0x1c7: {  	s0 =	simm.s32 $0x3  }
0x1c8: {  	_ =	swait.ge [sflag:s0], $0x1000  }
0x1c9: {  	[sflag:s0] =	ssyncset.done $0x0  }
0x1ca: {  	[sflag:s0] =	ssyncadd.s32 $0xFFFFF000  }
.LBB2_8:
0x1cb: {  	s26 =	simm.s32 $0x280  }
0x1cc: {  	v0 =	vld [tilespmem:s26+$0x0];
	_ =	sdelay $0x4  }
0x1cd: {  	(v2sf) =	vpush v0, $0x0;
	_ =	sdelay $0xb  }
0x1ce: {  	(v2sf) =	vpush v0, $0x1;
	_ =	sdelay $0x2  }
0x1cf: {  	s0 =	spop (v2sf)  }
0x1d0: {  	s1 =	sand.u32 $0x7F, s0;
	s2 =	sshll.u32 s0, $0x2  }
0x1d1: {  	s2 =	sand.u32 $0xFFFFFE00, s2;
	s1 =	sshll.u32 s1, $0x2  }
0x1d2: {  	s1 =	sor.u32 s1, s2  }
0x1d3: {  	s1 =	sshra.s32 s1, $0x2  }
0x1d4: {  	s1 =	sadd.s32 $0x0, s1  }
0x1d5: {  	s0 =	sadd.s32 $0x10, s0;
	v1 =	vld [tilespmem:s1+$0x4300]  }
0x1d6: {  	s18 =	sand.u32 $0x7F, s0;
	s0 =	sshll.u32 s0, $0x2  }
0x1d7: {  	s0 =	sand.u32 $0xFFFFFE00, s0;
	s1 =	sshll.u32 s18, $0x2  }
0x1d8: {  	(v2sf) =	vpush v0, $0x2;
	s0 =	sor.u32 s1, s0  }
0x1d9: {  	s28 =	simm.s32 $0x94F0;
	s0 =	sshra.s32 s0, $0x2  }
0x1da: {  	s0 =	sadd.s32 $0x0, s0;
	[tilespmem:s28+$0xFFFFFE10] =	vst v1  }
0x1db: {  	s20 =	spop (v2sf);
	v1 =	vld [tilespmem:s0+$0x4300]  }
0x1dc: {  	s22 =	sand.u32 $0x7F, s20;
	s23 =	sshll.u32 s20, $0x2  }
0x1dd: {  	s2 =	sand.u32 $0xFFFFFE00, s23;
	s0 =	sshll.u32 s22, $0x2  }
0x1de: {  	s0 =	sor.u32 s0, s2  }
0x1df: {  	s0 =	sshra.s32 s0, $0x2  }
0x1e0: {  	s0 =	sadd.s32 $0x0, s0;
	[tilespmem:s28+$0xFFFFFE20] =	vst v1  }
0x1e1: {  	s1 =	sadd.s32 $0x10, s20;
	v1 =	vld [tilespmem:s0+$0x4380]  }
0x1e2: {  	s30 =	sand.u32 $0x7F, s1;
	s1 =	sshll.u32 s1, $0x2  }
0x1e3: {  	s1 =	sand.u32 $0xFFFFFE00, s1;
	s0 =	sshll.u32 s30, $0x2  }
0x1e4: {  	(v2sf) =	vpush v0, $0x3;
	s0 =	sor.u32 s0, s1  }
0x1e5: {  	s0 =	sshra.s32 s0, $0x2  }
0x1e6: {  	s0 =	sadd.s32 $0x0, s0;
	[tilespmem:s28+$0xFFFFFE30] =	vst v1  }
0x1e7: {  	s31 =	spop (v2sf);
	v1 =	vld [tilespmem:s0+$0x4380]  }
0x1e8: {  	s3 =	sand.u32 $0x7F, s31;
	s5 =	sshll.u32 s31, $0x2  }
0x1e9: {  	s2 =	sand.u32 $0xFFFFFE00, s5;
	s0 =	sshll.u32 s3, $0x2  }
0x1ea: {  	s0 =	sor.u32 s0, s2  }
0x1eb: {  	s0 =	sshra.s32 s0, $0x2  }
0x1ec: {  	s0 =	sadd.s32 $0x0, s0;
	[tilespmem:s28+$0xFFFFFE40] =	vst v1  }
0x1ed: {  	s1 =	sadd.s32 $0x10, s31;
	v1 =	vld [tilespmem:s0+$0x4400]  }
0x1ee: {  	s6 =	sand.u32 $0x7F, s1;
	s1 =	sshll.u32 s1, $0x2  }
0x1ef: {  	s1 =	sand.u32 $0xFFFFFE00, s1;
	s0 =	sshll.u32 s6, $0x2  }
0x1f0: {  	(v2sf) =	vpush v0, $0x4;
	s0 =	sor.u32 s0, s1  }
0x1f1: {  	s0 =	sshra.s32 s0, $0x2  }
0x1f2: {  	s0 =	sadd.s32 $0x0, s0;
	[tilespmem:s28+$0xFFFFFE50] =	vst v1  }
0x1f3: {  	s8 =	spop (v2sf);
	v1 =	vld [tilespmem:s0+$0x4400]  }
0x1f4: {  	s9 =	sand.u32 $0x7F, s8;
	s10 =	sshll.u32 s8, $0x2  }
0x1f5: {  	s2 =	sand.u32 $0xFFFFFE00, s10;
	s0 =	sshll.u32 s9, $0x2  }
0x1f6: {  	s0 =	sor.u32 s0, s2  }
0x1f7: {  	s0 =	sshra.s32 s0, $0x2  }
0x1f8: {  	s0 =	sadd.s32 $0x0, s0;
	[tilespmem:s28+$0xFFFFFE60] =	vst v1  }
0x1f9: {  	s1 =	sadd.s32 $0x10, s8;
	v1 =	vld [tilespmem:s0+$0x4480]  }
0x1fa: {  	s11 =	sand.u32 $0x7F, s1;
	s1 =	sshll.u32 s1, $0x2  }
0x1fb: {  	s1 =	sand.u32 $0xFFFFFE00, s1;
	s0 =	sshll.u32 s11, $0x2  }
0x1fc: {  	(v2sf) =	vpush v0, $0x5;
	s0 =	sor.u32 s0, s1  }
0x1fd: {  	s0 =	sshra.s32 s0, $0x2  }
0x1fe: {  	s0 =	sadd.s32 $0x0, s0;
	[tilespmem:s28+$0xFFFFFE70] =	vst v1  }
0x1ff: {  	s12 =	spop (v2sf);
	v1 =	vld [tilespmem:s0+$0x4480]  }
0x200: {  	s13 =	sand.u32 $0x7F, s12;
	s15 =	sshll.u32 s12, $0x2  }
0x201: {  	s2 =	sand.u32 $0xFFFFFE00, s15;
	s0 =	sshll.u32 s13, $0x2  }
0x202: {  	s0 =	sor.u32 s0, s2  }
0x203: {  	s0 =	sshra.s32 s0, $0x2  }
0x204: {  	s0 =	sadd.s32 $0x0, s0;
	[tilespmem:s28+$0xFFFFFE80] =	vst v1  }
0x205: {  	s1 =	sadd.s32 $0x10, s12;
	v1 =	vld [tilespmem:s0+$0x4500]  }
0x206: {  	s16 =	sand.u32 $0x7F, s1;
	s1 =	sshll.u32 s1, $0x2  }
0x207: {  	s1 =	sand.u32 $0xFFFFFE00, s1;
	s0 =	sshll.u32 s16, $0x2  }
0x208: {  	(v2sf) =	vpush v0, $0x6;
	s0 =	sor.u32 s0, s1  }
0x209: {  	s0 =	sshra.s32 s0, $0x2  }
0x20a: {  	s0 =	sadd.s32 $0x0, s0;
	[tilespmem:s28+$0xFFFFFE90] =	vst v1  }
0x20b: {  	s17 =	spop (v2sf);
	v1 =	vld [tilespmem:s0+$0x4500]  }
0x20c: {  	s18 =	sand.u32 $0x7F, s17;
	s20 =	sshll.u32 s17, $0x2  }
0x20d: {  	s2 =	sand.u32 $0xFFFFFE00, s20;
	s0 =	sshll.u32 s18, $0x2  }
0x20e: {  	s0 =	sor.u32 s0, s2  }
0x20f: {  	s0 =	sshra.s32 s0, $0x2  }
0x210: {  	s0 =	sadd.s32 $0x0, s0;
	[tilespmem:s28+$0xFFFFFEA0] =	vst v1  }
0x211: {  	s1 =	sadd.s32 $0x10, s17;
	v1 =	vld [tilespmem:s0+$0x4580]  }
0x212: {  	s22 =	sand.u32 $0x7F, s1;
	s1 =	sshll.u32 s1, $0x2  }
0x213: {  	s1 =	sand.u32 $0xFFFFFE00, s1;
	s0 =	sshll.u32 s22, $0x2  }
0x214: {  	(v2sf) =	vpush v0, $0x7;
	s0 =	sor.u32 s0, s1  }
0x215: {  	s0 =	sshra.s32 s0, $0x2  }
0x216: {  	s0 =	sadd.s32 $0x0, s0;
	[tilespmem:s28+$0xFFFFFEB0] =	vst v1  }
0x217: {  	s23 =	spop (v2sf);
	v1 =	vld [tilespmem:s0+$0x4580]  }
0x218: {  	s30 =	sand.u32 $0x7F, s23;
	s31 =	sshll.u32 s23, $0x2  }
0x219: {  	s2 =	sand.u32 $0xFFFFFE00, s31;
	s0 =	sshll.u32 s30, $0x2  }
0x21a: {  	s0 =	sor.u32 s0, s2  }
0x21b: {  	s0 =	sshra.s32 s0, $0x2  }
0x21c: {  	s0 =	sadd.s32 $0x0, s0;
	[tilespmem:s28+$0xFFFFFEC0] =	vst v1  }
0x21d: {  	s1 =	sadd.s32 $0x10, s23;
	v1 =	vld [tilespmem:s0+$0x4600]  }
0x21e: {  	s2 =	sand.u32 $0x7F, s1;
	s1 =	sshll.u32 s1, $0x2  }
0x21f: {  	s1 =	sand.u32 $0xFFFFFE00, s1;
	s0 =	sshll.u32 s2, $0x2  }
0x220: {  	(v2sf) =	vpush v0, $0x8;
	s0 =	sor.u32 s0, s1  }
0x221: {  	s0 =	sshra.s32 s0, $0x2  }
0x222: {  	s0 =	sadd.s32 $0x0, s0;
	[tilespmem:s28+$0xFFFFFED0] =	vst v1  }
0x223: {  	s3 =	spop (v2sf);
	v1 =	vld [tilespmem:s0+$0x4600]  }
0x224: {  	s5 =	sand.u32 $0x7F, s3;
	s6 =	sshll.u32 s3, $0x2  }
0x225: {  	s2 =	sand.u32 $0xFFFFFE00, s6;
	s0 =	sshll.u32 s5, $0x2  }
0x226: {  	s0 =	sor.u32 s0, s2  }
0x227: {  	s0 =	sshra.s32 s0, $0x2  }
0x228: {  	s0 =	sadd.s32 $0x0, s0;
	[tilespmem:s28+$0xFFFFFEE0] =	vst v1  }
0x229: {  	s1 =	sadd.s32 $0x10, s3;
	v1 =	vld [tilespmem:s0+$0x4680]  }
0x22a: {  	s8 =	sand.u32 $0x7F, s1;
	s1 =	sshll.u32 s1, $0x2  }
0x22b: {  	s1 =	sand.u32 $0xFFFFFE00, s1;
	s0 =	sshll.u32 s8, $0x2  }
0x22c: {  	(v2sf) =	vpush v0, $0x9;
	s0 =	sor.u32 s0, s1  }
0x22d: {  	s0 =	sshra.s32 s0, $0x2  }
0x22e: {  	s0 =	sadd.s32 $0x0, s0;
	[tilespmem:s28+$0xFFFFFEF0] =	vst v1  }
0x22f: {  	s9 =	spop (v2sf);
	v1 =	vld [tilespmem:s0+$0x4680]  }
0x230: {  	s10 =	sand.u32 $0x7F, s9;
	s11 =	sshll.u32 s9, $0x2  }
0x231: {  	s2 =	sand.u32 $0xFFFFFE00, s11;
	s0 =	sshll.u32 s10, $0x2  }
0x232: {  	s0 =	sor.u32 s0, s2  }
0x233: {  	s0 =	sshra.s32 s0, $0x2  }
0x234: {  	s0 =	sadd.s32 $0x0, s0;
	[tilespmem:s28+$0xFFFFFF00] =	vst v1  }
0x235: {  	s1 =	sadd.s32 $0x10, s9;
	v1 =	vld [tilespmem:s0+$0x4700]  }
0x236: {  	s12 =	sand.u32 $0x7F, s1;
	s1 =	sshll.u32 s1, $0x2  }
0x237: {  	s1 =	sand.u32 $0xFFFFFE00, s1;
	s0 =	sshll.u32 s12, $0x2  }
0x238: {  	(v2sf) =	vpush v0, $0xA;
	s0 =	sor.u32 s0, s1  }
0x239: {  	s0 =	sshra.s32 s0, $0x2  }
0x23a: {  	s0 =	sadd.s32 $0x0, s0;
	[tilespmem:s28+$0xFFFFFF10] =	vst v1  }
0x23b: {  	s13 =	spop (v2sf);
	v1 =	vld [tilespmem:s0+$0x4700]  }
0x23c: {  	s15 =	sand.u32 $0x7F, s13;
	s16 =	sshll.u32 s13, $0x2  }
0x23d: {  	s2 =	sand.u32 $0xFFFFFE00, s16;
	s0 =	sshll.u32 s15, $0x2  }
0x23e: {  	s0 =	sor.u32 s0, s2  }
0x23f: {  	s0 =	sshra.s32 s0, $0x2  }
0x240: {  	s0 =	sadd.s32 $0x0, s0;
	[tilespmem:s28+$0xFFFFFF20] =	vst v1  }
0x241: {  	s1 =	sadd.s32 $0x10, s13;
	v1 =	vld [tilespmem:s0+$0x4780]  }
0x242: {  	s17 =	sand.u32 $0x7F, s1;
	s1 =	sshll.u32 s1, $0x2  }
0x243: {  	s1 =	sand.u32 $0xFFFFFE00, s1;
	s0 =	sshll.u32 s17, $0x2  }
0x244: {  	(v2sf) =	vpush v0, $0xB;
	s0 =	sor.u32 s0, s1  }
0x245: {  	s0 =	sshra.s32 s0, $0x2  }
0x246: {  	s0 =	sadd.s32 $0x0, s0;
	[tilespmem:s28+$0xFFFFFF30] =	vst v1  }
0x247: {  	s18 =	spop (v2sf);
	v1 =	vld [tilespmem:s0+$0x4780]  }
0x248: {  	s20 =	sand.u32 $0x7F, s18;
	s22 =	sshll.u32 s18, $0x2  }
0x249: {  	s2 =	sand.u32 $0xFFFFFE00, s22;
	s0 =	sshll.u32 s20, $0x2  }
0x24a: {  	s0 =	sor.u32 s0, s2  }
0x24b: {  	s0 =	sshra.s32 s0, $0x2  }
0x24c: {  	s0 =	sadd.s32 $0x0, s0;
	[tilespmem:s28+$0xFFFFFF40] =	vst v1  }
0x24d: {  	s1 =	sadd.s32 $0x10, s18;
	v1 =	vld [tilespmem:s0+$0x4800]  }
0x24e: {  	s23 =	sand.u32 $0x7F, s1;
	s1 =	sshll.u32 s1, $0x2  }
0x24f: {  	s1 =	sand.u32 $0xFFFFFE00, s1;
	s0 =	sshll.u32 s23, $0x2  }
0x250: {  	(v2sf) =	vpush v0, $0xC;
	s0 =	sor.u32 s0, s1  }
0x251: {  	s0 =	sshra.s32 s0, $0x2  }
0x252: {  	s0 =	sadd.s32 $0x0, s0;
	[tilespmem:s28+$0xFFFFFF50] =	vst v1  }
0x253: {  	s30 =	spop (v2sf);
	v1 =	vld [tilespmem:s0+$0x4800]  }
0x254: {  	s31 =	sand.u32 $0x7F, s30;
	s3 =	sshll.u32 s30, $0x2  }
0x255: {  	s2 =	sand.u32 $0xFFFFFE00, s3;
	s0 =	sshll.u32 s31, $0x2  }
0x256: {  	s0 =	sor.u32 s0, s2  }
0x257: {  	s0 =	sshra.s32 s0, $0x2  }
0x258: {  	s0 =	sadd.s32 $0x0, s0;
	[tilespmem:s28+$0xFFFFFF60] =	vst v1  }
0x259: {  	s1 =	sadd.s32 $0x10, s30;
	v1 =	vld [tilespmem:s0+$0x4880]  }
0x25a: {  	s5 =	sand.u32 $0x7F, s1;
	s1 =	sshll.u32 s1, $0x2  }
0x25b: {  	s1 =	sand.u32 $0xFFFFFE00, s1;
	s0 =	sshll.u32 s5, $0x2  }
0x25c: {  	(v2sf) =	vpush v0, $0xD;
	s0 =	sor.u32 s0, s1  }
0x25d: {  	s0 =	sshra.s32 s0, $0x2  }
0x25e: {  	s0 =	sadd.s32 $0x0, s0;
	[tilespmem:s28+$0xFFFFFF70] =	vst v1  }
0x25f: {  	s6 =	spop (v2sf);
	v1 =	vld [tilespmem:s0+$0x4880]  }
0x260: {  	s8 =	sand.u32 $0x7F, s6;
	s9 =	sshll.u32 s6, $0x2  }
0x261: {  	s2 =	sand.u32 $0xFFFFFE00, s9;
	s0 =	sshll.u32 s8, $0x2  }
0x262: {  	s0 =	sor.u32 s0, s2  }
0x263: {  	s0 =	sshra.s32 s0, $0x2  }
0x264: {  	s0 =	sadd.s32 $0x0, s0;
	[tilespmem:s28+$0xFFFFFF80] =	vst v1  }
0x265: {  	s1 =	sadd.s32 $0x10, s6;
	v1 =	vld [tilespmem:s0+$0x4900]  }
0x266: {  	s10 =	sand.u32 $0x7F, s1;
	s1 =	sshll.u32 s1, $0x2  }
0x267: {  	s1 =	sand.u32 $0xFFFFFE00, s1;
	s0 =	sshll.u32 s10, $0x2  }
0x268: {  	(v2sf) =	vpush v0, $0xE;
	s0 =	sor.u32 s0, s1  }
0x269: {  	s0 =	sshra.s32 s0, $0x2  }
0x26a: {  	s0 =	sadd.s32 $0x0, s0;
	[tilespmem:s28+$0xFFFFFF90] =	vst v1  }
0x26b: {  	s11 =	spop (v2sf);
	v1 =	vld [tilespmem:s0+$0x4900]  }
0x26c: {  	s12 =	sand.u32 $0x7F, s11;
	s13 =	sshll.u32 s11, $0x2  }
0x26d: {  	s2 =	sand.u32 $0xFFFFFE00, s13;
	s0 =	sshll.u32 s12, $0x2  }
0x26e: {  	s0 =	sor.u32 s0, s2  }
0x26f: {  	s0 =	sshra.s32 s0, $0x2  }
0x270: {  	s0 =	sadd.s32 $0x0, s0;
	[tilespmem:s28+$0xFFFFFFA0] =	vst v1  }
0x271: {  	s1 =	sadd.s32 $0x10, s11;
	v1 =	vld [tilespmem:s0+$0x4980]  }
0x272: {  	s15 =	sand.u32 $0x7F, s1;
	s1 =	sshll.u32 s1, $0x2  }
0x273: {  	s1 =	sand.u32 $0xFFFFFE00, s1;
	s0 =	sshll.u32 s15, $0x2  }
0x274: {  	(v2sf) =	vpush v0, $0xF;
	s0 =	sor.u32 s0, s1  }
0x275: {  	s0 =	sshra.s32 s0, $0x2  }
0x276: {  	s0 =	sadd.s32 $0x0, s0;
	[tilespmem:s28+$0xFFFFFFB0] =	vst v1  }
0x277: {  	s16 =	spop (v2sf);
	v0 =	vld [tilespmem:s0+$0x4980]  }
0x278: {  	s17 =	sand.u32 $0x7F, s16;
	s18 =	sshll.u32 s16, $0x2  }
0x279: {  	s2 =	sand.u32 $0xFFFFFE00, s18;
	s0 =	sshll.u32 s17, $0x2  }
0x27a: {  	s0 =	sor.u32 s0, s2  }
0x27b: {  	s0 =	sshra.s32 s0, $0x2  }
0x27c: {  	s0 =	sadd.s32 $0x0, s0;
	[tilespmem:s28+$0xFFFFFFC0] =	vst v0  }
0x27d: {  	s1 =	sadd.s32 $0x10, s16;
	v0 =	vld [tilespmem:s0+$0x4A00]  }
0x27e: {  	s20 =	sand.u32 $0x7F, s1;
	s1 =	sshll.u32 s1, $0x2  }
0x27f: {  	s1 =	sand.u32 $0xFFFFFE00, s1;
	s0 =	sshll.u32 s20, $0x2  }
0x280: {  	s0 =	sor.u32 s0, s1  }
0x281: {  	s0 =	sshra.s32 s0, $0x2  }
0x282: {  	s0 =	sadd.s32 $0x0, s0;
	[tilespmem:s28+$0xFFFFFFD0] =	vst v0  }
0x283: {  	s22 =	spop (v2sf);
	v0 =	vld [tilespmem:s0+$0x4A00]  }
0x284: {  	s23 =	sand.u32 $0x7F, s22;
	s30 =	sshll.u32 s22, $0x2  }
0x285: {  	s2 =	sand.u32 $0xFFFFFE00, s30;
	s0 =	sshll.u32 s23, $0x2  }
0x286: {  	s0 =	sor.u32 s0, s2  }
0x287: {  	s0 =	sshra.s32 s0, $0x2  }
0x288: {  	s0 =	sadd.s32 $0x0, s0;
	[tilespmem:s28+$0xFFFFFFE0] =	vst v0  }
0x289: {  	s1 =	sadd.s32 $0x10, s22;
	v0 =	vld [tilespmem:s0+$0x4A80]  }
0x28a: {  	s31 =	sand.u32 $0x7F, s1;
	s1 =	sshll.u32 s1, $0x2  }
0x28b: {  	s1 =	sand.u32 $0xFFFFFE00, s1;
	s0 =	sshll.u32 s31, $0x2  }
0x28c: {  	s0 =	sor.u32 s0, s1  }
0x28d: {  	s0 =	sshra.s32 s0, $0x2  }
0x28e: {  	s0 =	sadd.s32 $0x0, s0;
	[tilespmem:s28+$0xFFFFFFF0] =	vst v0  }
0x28f: {  	s29 =	simm.s32 $0x2000;
	v0 =	vld [tilespmem:s0+$0x4A80]  }
.LBB2_9:
0x290: {  	_ =	sdelay $0x3  }
0x291: {  	p0 =	sne.s32 s29, $0xE000;
	s26 =	sadd.s32 $0x10, s26;
	[tilespmem:s28+$0x0] =	vst v0;
	s28 =	sadd.s32 $0x200, s28  }
0x292: {  	s0 =	smov.u32 s29;
	s29 =	sadd.s32 $0x2000, s29;
	v0 =	vld [tilespmem:s26+$0x0];
	_ =	sdelay $0x4  }
0x293: {  	(v2sf) =	vpush v0, $0x0;
	_ =	sdelay $0x3  }
0x294: {  	(v2sf) =	vpush v0, $0x1;
	_ =	sdelay $0x1  }
0x295: {  	(v2sf) =	vpush v0, $0x2;
	_ =	sdelay $0x7  }
0x296: {  	(v2sf) =	vpush v0, $0x3  }
0x297: {  	s30 =	sshra.s32 s0, $0x2;
	s0 =	spop (v2sf)  }
0x298: {  	s1 =	sand.u32 $0x7F, s0;
	s2 =	sshll.u32 s0, $0x2;
	s0 =	sadd.s32 $0x10, s0  }
0x299: {  	s2 =	sand.u32 $0xFFFFFE00, s2;
	s1 =	sshll.u32 s1, $0x2;
	s3 =	sand.u32 $0x7F, s0  }
0x29a: {  	s0 =	sshll.u32 s0, $0x2;
	s1 =	sor.u32 s1, s2;
	s2 =	sshll.u32 s3, $0x2  }
0x29b: {  	s0 =	sand.u32 $0xFFFFFE00, s0;
	s1 =	sshra.s32 s1, $0x2;
	s3 =	spop (v2sf)  }
0x29c: {  	s0 =	sor.u32 s2, s0;
	s1 =	sadd.s32 s30, s1;
	s2 =	sand.u32 $0x7F, s3;
	(v2sf) =	vpush v0, $0x4  }
0x29d: {  	v1 =	vld [tilespmem:s1+$0x4300];
	s1 =	sshll.u32 s3, $0x2;
	s3 =	sadd.s32 $0x10, s3;
	s5 =	spop (v2sf)  }
0x29e: {  	s2 =	sshll.u32 s2, $0x2;
	s1 =	sand.u32 $0xFFFFFE00, s1;
	s6 =	sand.u32 $0x7F, s5  }
0x29f: {  	s1 =	sor.u32 s2, s1;
	s2 =	sand.u32 $0x7F, s3;
	s3 =	sshll.u32 s3, $0x2  }
0x2a0: {  	s8 =	sshll.u32 s5, $0x2;
	s1 =	sshra.s32 s1, $0x2;
	s3 =	sand.u32 $0xFFFFFE00, s3  }
0x2a1: {  	s0 =	sshra.s32 s0, $0x2;
	s8 =	sand.u32 $0xFFFFFE00, s8;
	s6 =	sshll.u32 s6, $0x2  }
0x2a2: {  	s0 =	sadd.s32 s30, s0;
	s2 =	sshll.u32 s2, $0x2;
	s6 =	sor.u32 s6, s8;
	[tilespmem:s28+$0xFFFFFE10] =	vst v1;
	(v2sf) =	vpush v0, $0x5  }
0x2a3: {  	s8 =	sshra.s32 s6, $0x2;
	v1 =	vld [tilespmem:s0+$0x4300];
	s0 =	sor.u32 s2, s3;
	s2 =	sadd.s32 $0x10, s5  }
0x2a4: {  	s3 =	sshra.s32 s0, $0x2;
	s0 =	sand.u32 $0x7F, s2;
	s2 =	sshll.u32 s2, $0x2  }
0x2a5: {  	s2 =	sand.u32 $0xFFFFFE00, s2;
	s0 =	sshll.u32 s0, $0x2;
	s5 =	spop (v2sf)  }
0x2a6: {  	s0 =	sor.u32 s0, s2;
	s2 =	sand.u32 $0x7F, s5;
	s9 =	sshll.u32 s5, $0x2  }
0x2a7: {  	s6 =	sshra.s32 s0, $0x2;
	s0 =	sand.u32 $0xFFFFFE00, s9;
	s2 =	sshll.u32 s2, $0x2  }
0x2a8: {  	s1 =	sadd.s32 s30, s1;
	[tilespmem:s28+$0xFFFFFE20] =	vst v1;
	s0 =	sor.u32 s2, s0;
	s2 =	sadd.s32 $0x10, s5;
	(v2sf) =	vpush v0, $0x6  }
0x2a9: {  	v1 =	vld [tilespmem:s1+$0x4380];
	s0 =	sshra.s32 s0, $0x2;
	s5 =	sand.u32 $0x7F, s2;
	s2 =	sshll.u32 s2, $0x2  }
0x2aa: {  	s1 =	sadd.s32 s30, s0;
	s0 =	sand.u32 $0xFFFFFE00, s2;
	s2 =	sshll.u32 s5, $0x2  }
0x2ab: {  	s0 =	sor.u32 s2, s0;
	s2 =	spop (v2sf)  }
0x2ac: {  	s0 =	sshra.s32 s0, $0x2;
	s5 =	sand.u32 $0x7F, s2;
	s9 =	sshll.u32 s2, $0x2  }
0x2ad: {  	s0 =	sadd.s32 s30, s0;
	s9 =	sand.u32 $0xFFFFFE00, s9;
	s5 =	sshll.u32 s5, $0x2  }
0x2ae: {  	s3 =	sadd.s32 s30, s3;
	s2 =	sadd.s32 $0x10, s2;
	[tilespmem:s28+$0xFFFFFE30] =	vst v1;
	s5 =	sor.u32 s5, s9;
	(v2sf) =	vpush v0, $0x7  }
0x2af: {  	s9 =	sand.u32 $0x7F, s2;
	s2 =	sshll.u32 s2, $0x2;
	v1 =	vld [tilespmem:s3+$0x4380];
	s3 =	sshra.s32 s5, $0x2  }
0x2b0: {  	s2 =	sand.u32 $0xFFFFFE00, s2;
	s5 =	sadd.s32 s30, s3;
	s3 =	sshll.u32 s9, $0x2  }
0x2b1: {  	s2 =	sor.u32 s3, s2;
	s3 =	spop (v2sf);
	(v2sf) =	vpush v0, $0x8  }
0x2b2: {  	s2 =	sshra.s32 s2, $0x2;
	s9 =	sand.u32 $0x7F, s3;
	s10 =	sshll.u32 s3, $0x2  }
0x2b3: {  	s2 =	sadd.s32 s30, s2;
	s10 =	sand.u32 $0xFFFFFE00, s10;
	s9 =	sshll.u32 s9, $0x2  }
0x2b4: {  	s8 =	sadd.s32 s30, s8;
	s3 =	sadd.s32 $0x10, s3;
	[tilespmem:s28+$0xFFFFFE40] =	vst v1;
	s9 =	sor.u32 s9, s10  }
0x2b5: {  	v1 =	vld [tilespmem:s8+$0x4400];
	s8 =	sshra.s32 s9, $0x2;
	s9 =	sand.u32 $0x7F, s3;
	s3 =	sshll.u32 s3, $0x2  }
0x2b6: {  	s20 =	sadd.s32 s30, s8;
	s3 =	sand.u32 $0xFFFFFE00, s3;
	s8 =	sshll.u32 s9, $0x2  }
0x2b7: {  	s3 =	sor.u32 s8, s3;
	s8 =	spop (v2sf)  }
0x2b8: {  	s3 =	sshra.s32 s3, $0x2;
	s9 =	sand.u32 $0x7F, s8;
	s10 =	sshll.u32 s8, $0x2  }
0x2b9: {  	s17 =	sadd.s32 s30, s3;
	s3 =	sand.u32 $0xFFFFFE00, s10;
	s9 =	sshll.u32 s9, $0x2;
	(v2sf) =	vpush v0, $0x9  }
0x2ba: {  	s6 =	sadd.s32 s30, s6;
	s8 =	sadd.s32 $0x10, s8;
	[tilespmem:s28+$0xFFFFFE50] =	vst v1;
	s3 =	sor.u32 s9, s3  }
0x2bb: {  	v1 =	vld [tilespmem:s6+$0x4400];
	s3 =	sshra.s32 s3, $0x2;
	s6 =	sand.u32 $0x7F, s8;
	s8 =	sshll.u32 s8, $0x2  }
0x2bc: {  	s23 =	sadd.s32 s30, s3;
	s3 =	sand.u32 $0xFFFFFE00, s8;
	s6 =	sshll.u32 s6, $0x2;
	(v2sf) =	vpush v0, $0xA  }
0x2bd: {  	s3 =	sor.u32 s6, s3;
	s6 =	spop (v2sf)  }
0x2be: {  	s3 =	sshra.s32 s3, $0x2;
	s9 =	sand.u32 $0x7F, s6;
	s10 =	sshll.u32 s6, $0x2  }
0x2bf: {  	s8 =	sadd.s32 s30, s3;
	s3 =	sand.u32 $0xFFFFFE00, s10;
	s9 =	sshll.u32 s9, $0x2  }
0x2c0: {  	s6 =	sadd.s32 $0x10, s6;
	[tilespmem:s28+$0xFFFFFE60] =	vst v1;
	s3 =	sor.u32 s9, s3;
	s9 =	spop (v2sf)  }
0x2c1: {  	v1 =	vld [tilespmem:s1+$0x4480];
	s1 =	sshra.s32 s3, $0x2;
	s3 =	sand.u32 $0x7F, s6;
	s6 =	sshll.u32 s6, $0x2  }
0x2c2: {  	s31 =	sadd.s32 s30, s1;
	s1 =	sand.u32 $0xFFFFFE00, s6;
	s3 =	sshll.u32 s3, $0x2  }
0x2c3: {  	s6 =	sshll.u32 s9, $0x2;
	s1 =	sor.u32 s3, s1;
	s3 =	sand.u32 $0x7F, s9  }
0x2c4: {  	s6 =	sand.u32 $0xFFFFFE00, s6;
	s1 =	sshra.s32 s1, $0x2;
	s3 =	sshll.u32 s3, $0x2;
	(v2sf) =	vpush v0, $0xB  }
0x2c5: {  	s1 =	sadd.s32 s30, s1;
	s3 =	sor.u32 s3, s6;
	s6 =	sadd.s32 $0x10, s9  }
0x2c6: {  	[tilespmem:s28+$0xFFFFFE70] =	vst v1;
	s3 =	sshra.s32 s3, $0x2;
	s9 =	sand.u32 $0x7F, s6;
	s6 =	sshll.u32 s6, $0x2  }
0x2c7: {  	v1 =	vld [tilespmem:s0+$0x4480];
	s0 =	sadd.s32 s30, s3;
	s3 =	sand.u32 $0xFFFFFE00, s6;
	s6 =	sshll.u32 s9, $0x2;
	(v2sf) =	vpush v0, $0xC  }
0x2c8: {  	s3 =	sor.u32 s6, s3;
	s6 =	spop (v2sf)  }
0x2c9: {  	s3 =	sshra.s32 s3, $0x2;
	s9 =	sand.u32 $0x7F, s6;
	s10 =	sshll.u32 s6, $0x2  }
0x2ca: {  	s12 =	sadd.s32 s30, s3;
	s3 =	sand.u32 $0xFFFFFE00, s10;
	s9 =	sshll.u32 s9, $0x2  }
0x2cb: {  	s6 =	sadd.s32 $0x10, s6;
	s3 =	sor.u32 s9, s3;
	s9 =	spop (v2sf)  }
0x2cc: {  	s10 =	sand.u32 $0x7F, s6;
	s6 =	sshll.u32 s6, $0x2;
	[tilespmem:s28+$0xFFFFFE80] =	vst v1;
	s3 =	sshra.s32 s3, $0x2  }
0x2cd: {  	v1 =	vld [tilespmem:s5+$0x4500];
	s5 =	sadd.s32 s30, s3;
	s3 =	sand.u32 $0xFFFFFE00, s6;
	s6 =	sshll.u32 s10, $0x2  }
0x2ce: {  	s10 =	sshll.u32 s9, $0x2;
	s3 =	sor.u32 s6, s3;
	s6 =	sand.u32 $0x7F, s9  }
0x2cf: {  	s10 =	sand.u32 $0xFFFFFE00, s10;
	s3 =	sshra.s32 s3, $0x2;
	s6 =	sshll.u32 s6, $0x2;
	(v2sf) =	vpush v0, $0xD  }
0x2d0: {  	s15 =	sadd.s32 s30, s3;
	s3 =	sor.u32 s6, s10;
	s6 =	sadd.s32 $0x10, s9  }
0x2d1: {  	s3 =	sshra.s32 s3, $0x2;
	s9 =	sand.u32 $0x7F, s6;
	s6 =	sshll.u32 s6, $0x2  }
0x2d2: {  	[tilespmem:s28+$0xFFFFFE90] =	vst v1;
	s16 =	sadd.s32 s30, s3;
	s3 =	sand.u32 $0xFFFFFE00, s6;
	s6 =	sshll.u32 s9, $0x2;
	(v2sf) =	vpush v0, $0xE  }
0x2d3: {  	v1 =	vld [tilespmem:s2+$0x4500];
	s2 =	sor.u32 s6, s3;
	s3 =	spop (v2sf)  }
0x2d4: {  	s2 =	sshra.s32 s2, $0x2;
	s6 =	sand.u32 $0x7F, s3;
	s9 =	sshll.u32 s3, $0x2  }
0x2d5: {  	s10 =	sadd.s32 s30, s2;
	s2 =	sand.u32 $0xFFFFFE00, s9;
	s6 =	sshll.u32 s6, $0x2  }
0x2d6: {  	s3 =	sadd.s32 $0x10, s3;
	s2 =	sor.u32 s6, s2;
	s6 =	spop (v2sf)  }
0x2d7: {  	s9 =	sand.u32 $0x7F, s3;
	s3 =	sshll.u32 s3, $0x2;
	s2 =	sshra.s32 s2, $0x2  }
0x2d8: {  	[tilespmem:s28+$0xFFFFFEA0] =	vst v1;
	s18 =	sadd.s32 s30, s2;
	s2 =	sand.u32 $0xFFFFFE00, s3;
	s3 =	sshll.u32 s9, $0x2  }
0x2d9: {  	s9 =	sshll.u32 s6, $0x2;
	v1 =	vld [tilespmem:s20+$0x4580];
	s2 =	sor.u32 s3, s2;
	s3 =	sand.u32 $0x7F, s6  }
0x2da: {  	s9 =	sand.u32 $0xFFFFFE00, s9;
	s2 =	sshra.s32 s2, $0x2;
	s3 =	sshll.u32 s3, $0x2;
	(v2sf) =	vpush v0, $0xF  }
0x2db: {  	s20 =	sadd.s32 s30, s2;
	s2 =	sor.u32 s3, s9;
	s3 =	sadd.s32 $0x10, s6  }
0x2dc: {  	s2 =	sshra.s32 s2, $0x2;
	s6 =	sand.u32 $0x7F, s3;
	s3 =	sshll.u32 s3, $0x2  }
0x2dd: {  	s22 =	sadd.s32 s30, s2;
	s2 =	sand.u32 $0xFFFFFE00, s3;
	s3 =	sshll.u32 s6, $0x2  }
0x2de: {  	[tilespmem:s28+$0xFFFFFEB0] =	vst v1;
	s2 =	sor.u32 s3, s2;
	s3 =	spop (v2sf)  }
0x2df: {  	v0 =	vld [tilespmem:s17+$0x4580];
	s2 =	sshra.s32 s2, $0x2;
	s6 =	sand.u32 $0x7F, s3;
	s9 =	sshll.u32 s3, $0x2  }
0x2e0: {  	s17 =	sadd.s32 s30, s2;
	s2 =	sand.u32 $0xFFFFFE00, s9;
	s6 =	sshll.u32 s6, $0x2  }
0x2e1: {  	s3 =	sadd.s32 $0x10, s3;
	s2 =	sor.u32 s6, s2;
	s9 =	spop (v2sf)  }
0x2e2: {  	s6 =	sand.u32 $0x7F, s3;
	s3 =	sshll.u32 s3, $0x2;
	s2 =	sshra.s32 s2, $0x2  }
0x2e3: {  	s3 =	sand.u32 $0xFFFFFE00, s3;
	s6 =	sshll.u32 s6, $0x2;
	s2 =	sadd.s32 s30, s2  }
0x2e4: {  	s11 =	sshll.u32 s9, $0x2;
	s3 =	sor.u32 s6, s3;
	s6 =	sand.u32 $0x7F, s9;
	[tilespmem:s28+$0xFFFFFEC0] =	vst v0  }
0x2e5: {  	s11 =	sand.u32 $0xFFFFFE00, s11;
	s3 =	sshra.s32 s3, $0x2;
	s13 =	sshll.u32 s6, $0x2;
	v0 =	vld [tilespmem:s23+$0x4600]  }
0x2e6: {  	s9 =	sadd.s32 $0x10, s9;
	s6 =	sadd.s32 s30, s3;
	s3 =	sor.u32 s13, s11  }
0x2e7: {  	s11 =	sand.u32 $0x7F, s9;
	s9 =	sshll.u32 s9, $0x2;
	s3 =	sshra.s32 s3, $0x2  }
0x2e8: {  	s23 =	sadd.s32 s30, s3;
	s3 =	sand.u32 $0xFFFFFE00, s9;
	s9 =	sshll.u32 s11, $0x2  }
0x2e9: {  	s3 =	sor.u32 s9, s3;
	s9 =	spop (v2sf)  }
0x2ea: {  	s3 =	sshra.s32 s3, $0x2;
	[tilespmem:s28+$0xFFFFFED0] =	vst v0;
	s11 =	sand.u32 $0x7F, s9;
	s13 =	sshll.u32 s9, $0x2  }
0x2eb: {  	v0 =	vld [tilespmem:s8+$0x4600];
	s8 =	sadd.s32 s30, s3;
	s3 =	sand.u32 $0xFFFFFE00, s13;
	s11 =	sshll.u32 s11, $0x2  }
0x2ec: {  	s9 =	sadd.s32 $0x10, s9;
	s3 =	sor.u32 s11, s3  }
0x2ed: {  	s13 =	sshll.u32 s9, $0x2;
	s11 =	sand.u32 $0x7F, s9;
	s3 =	sshra.s32 s3, $0x2  }
0x2ee: {  	s11 =	sshll.u32 s11, $0x2;
	s9 =	sadd.s32 s30, s3;
	s3 =	sand.u32 $0xFFFFFE00, s13  }
0x2ef: {  	s3 =	sor.u32 s11, s3  }
0x2f0: {  	[tilespmem:s28+$0xFFFFFEE0] =	vst v0;
	s3 =	sshra.s32 s3, $0x2  }
0x2f1: {  	v0 =	vld [tilespmem:s31+$0x4680];
	s30 =	sadd.s32 s30, s3;
	_ =	sdelay $0x4  }
0x2f2: {  	[tilespmem:s28+$0xFFFFFEF0] =	vst v0  }
0x2f3: {  	v0 =	vld [tilespmem:s1+$0x4680];
	_ =	sdelay $0x4  }
0x2f4: {  	[tilespmem:s28+$0xFFFFFF00] =	vst v0  }
0x2f5: {  	v0 =	vld [tilespmem:s0+$0x4700];
	_ =	sdelay $0x4  }
0x2f6: {  	[tilespmem:s28+$0xFFFFFF10] =	vst v0  }
0x2f7: {  	v0 =	vld [tilespmem:s12+$0x4700];
	_ =	sdelay $0x4  }
0x2f8: {  	[tilespmem:s28+$0xFFFFFF20] =	vst v0  }
0x2f9: {  	v0 =	vld [tilespmem:s5+$0x4780];
	_ =	sdelay $0x4  }
0x2fa: {  	[tilespmem:s28+$0xFFFFFF30] =	vst v0  }
0x2fb: {  	v0 =	vld [tilespmem:s15+$0x4780];
	_ =	sdelay $0x4  }
0x2fc: {  	[tilespmem:s28+$0xFFFFFF40] =	vst v0  }
0x2fd: {  	v0 =	vld [tilespmem:s16+$0x4800];
	_ =	sdelay $0x4  }
0x2fe: {  	[tilespmem:s28+$0xFFFFFF50] =	vst v0  }
0x2ff: {  	v0 =	vld [tilespmem:s10+$0x4800];
	_ =	sdelay $0x4  }
0x300: {  	[tilespmem:s28+$0xFFFFFF60] =	vst v0  }
0x301: {  	v0 =	vld [tilespmem:s18+$0x4880];
	_ =	sdelay $0x4  }
0x302: {  	[tilespmem:s28+$0xFFFFFF70] =	vst v0  }
0x303: {  	v0 =	vld [tilespmem:s20+$0x4880];
	_ =	sdelay $0x4  }
0x304: {  	[tilespmem:s28+$0xFFFFFF80] =	vst v0  }
0x305: {  	v0 =	vld [tilespmem:s22+$0x4900];
	_ =	sdelay $0x4  }
0x306: {  	[tilespmem:s28+$0xFFFFFF90] =	vst v0  }
0x307: {  	v0 =	vld [tilespmem:s17+$0x4900];
	_ =	sdelay $0x4  }
0x308: {  	[tilespmem:s28+$0xFFFFFFA0] =	vst v0  }
0x309: {  	v0 =	vld [tilespmem:s2+$0x4980];
	_ =	sdelay $0x4  }
0x30a: {  	[tilespmem:s28+$0xFFFFFFB0] =	vst v0  }
0x30b: {  	v0 =	vld [tilespmem:s6+$0x4980];
	_ =	sdelay $0x4  }
0x30c: {  	[tilespmem:s28+$0xFFFFFFC0] =	vst v0  }
0x30d: {  	v0 =	vld [tilespmem:s23+$0x4A00];
	_ =	sdelay $0x4  }
0x30e: {  	[tilespmem:s28+$0xFFFFFFD0] =	vst v0  }
0x30f: {  	v0 =	vld [tilespmem:s8+$0x4A00];
	_ =	sdelay $0x4  }
0x310: {  	[tilespmem:s28+$0xFFFFFFE0] =	vst v0  }
0x311: {  	v0 =	vld [tilespmem:s9+$0x4A80];
	_ =	sdelay $0x1  }
.Ltmp4:
0x312: {  	(pc) =	sbr.rel @p0 .LBB2_9-.Ltmp4, $3  }
0x313: {  	_ =	sdelay $0x1  }
0x314: {  	[tilespmem:s28+$0xFFFFFFF0] =	vst v0  }
0x315: {  	v0 =	vld [tilespmem:s30+$0x4A80]  }
0x316: {  	s24 =	sadd.s32 $0x1, s24  }
0x317: {  	p0 =	sne.s32 s24, $0x64  }
.Ltmp5:
0x318: {  	s0 =	rddreg [dreg:$0x8];
	(pc) =	sbr.rel @p0 .LBB2_2-.Ltmp5, $4  }
0x319: {  	s0 =	sadd.s32 s25, s0  }
0x31a: {  	s1 =	rddreg [dreg:$0x1];
	s0 =	sshrl.u32 s0, $0x3  }
0x31b: {  	s3 =	simm.s32 $0x0;
	s31 =	simm.s32 $0x9300;
	s0 =	sadd.s32 s1, s0;
	[tilespmem:s28+$0x0] =	vst v0  }
0x31c: {  	[hbm4b:s0+s3] =	stream.linear.scatter [tilespmem:s31], [sflag:$0x3], $0x1000, $0x38;
	[tilespmem:$0xA300] =	vst v63  }
0x31d: {  	s1 =	simm.s32 $0x3  }
0x31e: {  	_ =	swait.ge [sflag:s1], $0x1000  }
0x31f: {  	[sflag:s1] =	ssyncset.done $0x0  }
0x320: {  	[sflag:s1] =	ssyncadd.s32 $0xFFFFF000  }
0x321: {  	_ =	swait.ge [sflag:s1], $0x1000  }
0x322: {  	s2 =	rddreg [dreg:$0xa]  }
0x323: {  	s0 =	rddreg [dreg:$0x9];
	s2 =	sadd.s32 $0x1, s2  }
0x324: {  	p0 =	sne.s32 s2, s0  }
.Ltmp6:
0x325: {  	_ = 	snop;
	(pc) =	sbr.rel @p0 .LBB2_1-.Ltmp6, $3  }
0x326: {  	_ =	sdelay $0x1  }
0x327: {  	[sflag:s1] =	ssyncset.done $0x0  }
0x328: {  	[sflag:s1] =	ssyncadd.s32 $0xFFFFF000  }
0x329: {  	_ =	sfence.sel $0x180000  }
0x32a: {  	[bflag:$0x0] =	sbarrier.arrive $0xFFFF  }
0x32b: {  	_ =	strace $0x90000047  }
0x32c: {  	s0 =	stileid.u32;
	[bflag:$0x2] =	sbarrier.arrive $0xFFFF  }
0x32d: {  	p0 =	sne.s32 s0, $0x0;
	s0 =	rddreg [dreg:$0x2]  }
0x32e: {  	s0 =	sadd.s32 @!p0 $0x100000, s0  }
0x32f: {  	[sflag:s0] =	ssyncadd.tile.s32 @!p0 $0x1;
	_ =	shalt  }
.Lfunc_end2:
_tile_overlayer_lowered:
.L_overlay_start_2:
0x330: {  	(tag) =	ssettag $0x2  }
0x331: {  	s0 =	rddreg [dreg:$0x0];
	s2 =	stileid.u32  }
0x332: {  	s1 =	rddreg [dreg:$0x1];
	p0 =	sne.s32 s2, $0x0  }
0x333: {  	s3 =	rddreg [dreg:$0x2];
	[bflag:$0x3] =	sbarrier.arrive $0xFFFF;
	s2 =	simm.s32 @!p0 $0x1C04  }
0x334: {  	[timem:s3], [sflag:s2] =	dma.local @!p0 [hbm:s0], s1  }
0x335: {  	s0 =	simm.s32 @!p0 $0x4  }
0x336: {  	_ =	swait.ge @!p0 [sflag:s0], s1  }
0x337: {  	s1 =	ssub.s32 @!p0 $0x0, s1;
	[sflag:s0] =	ssyncset.done @!p0 $0x0  }
0x338: {  	[sflag:s0] =	ssyncadd.s32 @!p0 s1  }
0x339: {  	[bflag:$0x3] =	sbarrier.arrive $0xFFFF  }
0x33a: {  	_ =	shalt  }

// kernel: sparse-core-data-format-call.cloned.1.call-start
scs
called_computation_lowered:
.L_overlay_start_0:
0x0: {  	s2 =	sld [smem:$0x3FD9]  }
0x1: {  	s3 =	sld [smem:$0x3FFE];
	_ =	sdelay $0x1  }
0x2: {  	s1 =	srdreg.scid  }
0x3: {  	s0 =	sand.u32 $0x1, s1  }
0x4: {  	s18 =	sshll.u32 s0, $0xA;
	s2 =	sadd.s32 s3, s2  }
0x5: {  	s2 =	sadd.s32 s2, s18  }
0x6: {  	[smem:$0x3FC6] =	sst s2  }
0x7: {  	_ = 	snop  }
0x8: {  	s2 =	sld [smem:$0x3FD0];
	(tm) =	ssettm $0x1  }
0x9: {  	s19 =	sld [smem:$0x3FFB];
	_ =	sdelay $0x3  }
0xa: {  	_ =	strace s19  }
0xb: {  	s3 =	sld [smem:$0x3FFC];
	_ =	sdelay $0x3  }
0xc: {  	_ =	strace s3  }
0xd: {  	s3 =	sld [smem:$0x3FFD];
	_ =	sdelay $0x3  }
0xe: {  	_ =	strace s3  }
0xf: {  	_ =	strace $0x8FFFFFFF  }
0x10: {  	s20 =	sld [smem:$0x3FDB];
	_ =	sdelay $0x1  }
0x11: {  	s4 =	simm.s32 $_scs_section_size  }
0x12: {  	s5 =	simm.s32 $_size__tile_overlayer_lowered;
	s6 =	simm.s32 $_tile_overlayer_lowered  }
0x13: {  	s23 =	simm.s32 $0x1BFF;
	s22 =	sshll.u32 s6, $0x1;
	s3 =	sadd.s32 s4, s20  }
0x14: {  	s7 =	simm.s32 $0x0;
	s21 =	sshll.u32 s5, $0x1;
	s5 =	sadd.s32 s22, s3  }
0x15: {  	[timem:s7], [sflag:s23] =	dma.local [hbm:s5], s21  }
0x16: {  	_ =	swait.ge [sflag:s23], s21  }
0x17: {  	s4 =	ssub.s32 $0x0, s21;
	[sflag:s23] =	ssyncset.done $0x0  }
0x18: {  	[sflag:s23] =	ssyncadd.s32 s4;
	_ =	sdelay $0x1  }
0x19: {  	s24 =	simm.s32 $0x1B8B  }
0x1a: {  	_ =	swait.ge [sflag:s24], $0x1  }
0x1b: {  	[sflag:s24] =	ssyncset.done $0x0  }
0x1c: {  	s26 =	simm.s32 $0x1B8E;
	s25 =	sld [smem:$0x3FFE];
	[sflag:s24] =	ssyncadd.s32 $0xFFFFFFFF  }
0x1d: {  	s27 =	simm.s32 $execute0_lowered;
	[smem:$0x3FD2] =	sst s26  }
0x1e: {  	s5 =	sshll.u32 s27, $0x1;
	_ =	strace $0x80000049;
	[dreg:$0x1] =	wrdreg $0xFFFFFFFF  }
0x1f: {  	s28 =	simm.s32 $_size_execute0_lowered;
	s3 =	sadd.s32 s3, s5;
	[dreg:$0x0] =	wrdreg $0x0  }
0x20: {  	s5 =	sshll.u32 s28, $0x1;
	[dreg:$0x2] =	wrdreg s3  }
0x21: {  	[dreg:$0x3] =	wrdreg s5  }
0x22: {  	[dreg:$0x4] =	wrdreg $0xC0  }
0x23: {  	_ =	task [dreg:s7], $0x5FFFF  }
0x24: {  	[dreg:$0x1] =	wrdreg $0xFFFFFFFF  }
0x25: {  	[dreg:$0x0] =	wrdreg $0x60  }
0x26: {  	[dreg:$0x2] =	wrdreg s25  }
0x27: {  	[dreg:$0x3] =	wrdreg s2  }
0x28: {  	[dreg:$0x4] =	wrdreg $0x9  }
0x29: {  	_ =	task.clear_ibuf [dreg:s7], $0x5FFFF;
	_ =	strace $0x90000049  }
0x2a: {  	s29 =	simm.s32 $0x9;
	_ =	strace $0x8000004B  }
0x2b: {  	_ =	swait.ge [sflag:s29], $0x1  }
0x2c: {  	[sflag:s29] =	ssyncadd.s32 $0xFFFFFFFF  }
0x2d: {  	_ =	strace $0x9000004B  }
0x2e: {  	_ =	sfence  }
0x2f: {  	s30 =	sld [smem:$0x0];
	_ =	sdelay $0x2  }
0x30: {  	s31 =	sshll.u32 s1, $0xD;
	s1 =	sshrl.u32 s1, $0x2  }
0x31: {  	s3 =	sand.u32 $0x4000, s31;
	s1 =	sadd.s32 s1, s30  }
0x32: {  	s0 =	sor.u32 s3, s0;
	s1 =	sshll.u32 s1, $0x11  }
0x33: {  	s0 =	sor.u32 s1, s0  }
0x34: {  	s0 =	sadd.s32 $0x8F2B, s0  }
0x35: {  	[sflag:s0] =	ssyncadd.remote.s32 $0x1  }
0x36: {  	_ =	sfence.sel $0xFFFF  }
0x37: {  	[dreg:$0x0] =	wrdreg $0xFFFFFFFF;
	(pc) =	sbr.abs _section_cstart, $3  }
0x38: {  	[dreg:$0x1] =	wrdreg $0xFFFFFFFF  }
0x39: {  	_ =	task.clear_ibuf [dreg:s7], $0x2FFFF;
	_ =	strace $0x9FFFFFFF  }
0x3a: {  	(tm) =	ssettm $0x7FFFFFFF  }
0x3b: {  	_ =	shalt  }
tec
execute0_lowered:
.L_overlay_start_1:
0x0: {  	(tag) =	ssettag $0x1  }
0x1: {  	s0 =	srdreg.scid  }
0x2: {  	s1 =	sshll.u32 s0, $0x4  }
0x3: {  	s0 =	stileid.u32;
	s1 =	sand.u32 $0x10, s1  }
0x4: {  	s1 =	sor.u32 s0, s1  }
0x5: {  	s6 =	rddreg [dreg:$0x0];
	s4 =	simm.s32 $0x1;
	s2 =	sshll.u32 s1, $0x7  }
0x6: {  	s7 =	simm.s32 $0x2;
	s12 =	simm.s32 $0x0;
	s1 =	ssub.s32 $0x4000, s2  }
0x7: {  	s8 =	simm.s32 $0x20000;
	s13 =	simm.s32 $0x0;
	s3 =	sand.u32 $0xF80, s1  }
0x8: {  	s9 =	simm.s32 $0x0;
	s5 =	sshrl.u32 s1, $0xC;
	p0 =	sne.s32 s3, $0x0  }
.Ltmp0:
0x9: {  	s1 =	rddreg [dreg:$0x2];
	s4 =	simm.s32 @!p0 $0x0;
	(pc) =	sbr.rel .LBB1_1-.Ltmp0, $4  }
0xa: {  	s11 =	simm.s32 $0x0;
	s3 =	rddreg [dreg:$0x1];
	s5 =	sadd.s32 s4, s5  }
0xb: {  	_ =	strace $0x8000004A;
	s4 =	simm.s32 $0x1;
	s5 =	smul.u32 $0x32, s5  }
0xc: {  	s6 =	sadd.s32 $0xA00, s6;
	s10 =	smov.u32 s2;
	[sflag:s4] =	ssyncpa.u1 $0x0  }
0xd: {  	p0 =	por $0x0, $0x0;
	[sflag:s7] =	ssyncpa.u1 $0x0;
	s7 =	sor.u32 $0x1, s5  }
.LBB1_4:
0xe: {  	s16 =	sshll.u32 s13, $0x3;
	s17 =	sand.u32 $0x78, s13  }
0xf: {  	s30 =	sand.u32 $0xF800, s13;
	s12 =	sshll.u32 s12, $0x10;
	s16 =	sand.u32 $0x3C00, s16  }
0x10: {  	s31 =	sand.u32 $0x7, s13;
	s16 =	sor.u32 s17, s16;
	s17 =	sadd.s32 s3, s30  }
0x11: {  	s13 =	sshll.u32 s31, $0x12;
	s16 =	sshrl.u32 s16, $0x3;
	s12 =	sadd.s32 s12, s17  }
0x12: {  	[tilespmem:s15+$0x0 ss:$0x81] =	vst.msk $0xffff, v0;
	s13 =	sor.u32 $0x400, s13;
	s12 =	sadd.s32 s16, s12  }
0x13: {  	[hbm4b:s12+s13] =	stream.strided.scatter [tilespmem:s14], [sflag:$0x2], $0x1000, s8, s13, $0x20;
	[tilespmem:$0x4040] =	vst v63  }
.LBB1_5:
0x14: {  	s14 =	sadd.s32 $0x1, s9  }
0x15: {  	s12 =	sadd.s32 $0x1000, s10;
	s16 =	smov.u32 s10;
	p2 =	sgt.s32 s14, $0x31  }
0x16: {  	s16 =	smov.u32 @p2 s12  }
0x17: {  	s14 =	simm.s32 @p2 $0x0;
	p2 =	sgt.s32 s16, $0x3FFF  }
0x18: {  	s16 =	smov.u32 @p2 s2;
	p2 =	sne.s32 s11, s7  }
.Ltmp1:
0x19: {  	p1 =	slt.u32 s11, $0x2;
	(pc) =	sbr.rel @!p2 .LBB1_6-.Ltmp1, $4  }
0x1a: {  	s15 =	simm.s32 @!p1 $0x2  }
0x1b: {  	s13 =	smov.u32 s10;
	p0 =	por !p0, !p0;
	_ =	swait.ge @!p1 [sflag:s15], $0x1000  }
0x1c: {  	s12 =	smov.u32 s9;
	[sflag:s15] =	ssyncset.done @!p1 $0x0;
	s9 =	smov.u32 s14  }
0x1d: {  	s11 =	sadd.s32 $0x1, s11;
	[sflag:s15] =	ssyncadd.s32 @!p1 $0xFFFFF000;
	s10 =	smov.u32 s16  }
.LBB1_1:
0x1e: {  	p1 =	sge.u32 s11, s5  }
0x1f: {  	s14 =	sand.u32 @!p1 $0x1FFFFFF, s9  }
0x20: {  	s15 =	smulhi.u32 @!p1 $0x4924925, s14;
	_ =	sdelay $0x1  }
0x21: {  	s15 =	smul.u32 @!p1 $0x38, s15  }
0x22: {  	s16 =	sxor.u32 @!p1 $0xFFFFFFFF, s11;
	s17 =	smul.u32 @!p1 $0x380, s10  }
0x23: {  	s31 =	sadd.s32 $0xFFFFFFFF, s11;
	s16 =	sshll.u32 @!p1 s16, $0xC;
	s14 =	ssub.s32 @!p1 s14, s15  }
0x24: {  	s15 =	sand.u32 @!p1 $0x1000, s16;
	s16 =	sadd.s32 @!p1 s6, s17;
	s14 =	sshll.u32 @!p1 s14, $0x4  }
0x25: {  	s17 =	simm.s32 @!p1 $0x1C00;
	s14 =	sadd.s32 @!p1 s14, s16;
	s16 =	simm.s32 @!p1 $0x20  }
0x26: {  	[tilespmem:s15], [sflag:$0x1] =	stream.strided.gather @!p1 [hbm4b:s14+s16], $0x1000, s17, s16, $0x38;
	[tilespmem:$0x4040] =	vst v63  }
0x27: {  	p1 =	sge.u32 s31, s5  }
.Ltmp2:
0x28: {  	_ = 	snop;
	(pc) =	sbr.rel @p1 .LBB1_5-.Ltmp2, $1  }
0x29: {  	_ =	sdelay $0x3  }
0x2a: {  	s14 =	simm.s32 $0x1  }
0x2b: {  	_ =	swait.ge [sflag:s4], $0x1000;
	s14 =	simm.s32 @!p0 $0x0  }
0x2c: {  	[sflag:s4] =	ssyncset.done $0x0;
	s15 =	sshll.u32 s14, $0xC  }
0x2d: {  	[sflag:s4] =	ssyncadd.s32 $0xFFFFF000;
	s18 =	sor.u32 $0x10, s15  }
0x2e: {  	s14 =	smul.u32 $0x4080, s14;
	v1 =	vld [tilespmem:s18+$0x0]  }
0x2f: {  	s30 =	sand.u32 $0x1, s11;
	v0 =	vld [tilespmem:s18+$0xFFFFFFF0]  }
0x30: {  	s15 =	smul.u32 $0x4080, s30;
	s14 =	sshrl.u32 s14, $0x2  }
0x31: {  	s16 =	sor.u32 $0x2000, s14  }
0x32: {  	s31 =	sshrl.u32 s15, $0x2;
	s15 =	sadd.s32 $0x0, s16  }
0x33: {  	s17 =	simm.s32 $0x4;
	s18 =	sadd.s32 $0x20, s18;
	s14 =	sor.u32 $0x2000, s31;
	[tilespmem:s15+$0x810 ss:$0x81] =	vst.msk $0xffff, v1  }
.LBB1_3:
0x34: {  	v1 =	vld [tilespmem:s18+$0x0];
	p1 =	sne.s32 s17, $0x1FC;
	[tilespmem:s15+$0x0 ss:$0x81] =	vst.msk $0xffff, v0;
	s15 =	smov.u32 s17;
	s17 =	sadd.s32 $0x4, s17  }
.Ltmp3:
0x35: {  	v0 =	vld [tilespmem:s18+$0xFFFFFFF0];
	(pc) =	sbr.rel @p1 .LBB1_3-.Ltmp3, $4  }
0x36: {  	_ = 	snop  }
0x37: {  	s15 =	sshra.s32 s15, $0x2  }
0x38: {  	s15 =	sadd.s32 s15, s16  }
0x39: {  	s18 =	sadd.s32 $0x20, s18;
	[tilespmem:s15+$0x810 ss:$0x81] =	vst.msk $0xffff, v1  }
.Ltmp4:
0x3a: {  	_ = 	snop;
	(pc) =	sbr.rel .LBB1_4-.Ltmp4, $1  }
0x3b: {  	_ =	sdelay $0x3  }
.LBB1_6:
0x3c: {  	_ =	sfence.sel $0x180000  }
0x3d: {  	s2 =	simm.s32 $0x1;
	[bflag:$0x0] =	sbarrier.arrive $0xFFFF  }
0x3e: {  	s31 =	simm.s32 $0x2;
	[sflag:s2] =	ssyncpa.u1 $0x1  }
0x3f: {  	[sflag:s31] =	ssyncpa.u1 $0x1  }
0x40: {  	p0 =	sne.s32 s0, $0x0;
	_ =	strace $0x9000004A  }
0x41: {  	s0 =	sadd.s32 @!p0 $0x100000, s1;
	[bflag:$0x2] =	sbarrier.arrive $0xFFFF  }
0x42: {  	[sflag:s0] =	ssyncadd.tile.s32 @!p0 $0x1;
	_ =	shalt  }
.Lfunc_end1:
_tile_overlayer_lowered:
.L_overlay_start_2:
0x43: {  	(tag) =	ssettag $0x2  }
0x44: {  	s0 =	rddreg [dreg:$0x0];
	s2 =	stileid.u32  }
0x45: {  	s1 =	rddreg [dreg:$0x1];
	p0 =	sne.s32 s2, $0x0  }
0x46: {  	s3 =	rddreg [dreg:$0x2];
	[bflag:$0x3] =	sbarrier.arrive $0xFFFF;
	s2 =	simm.s32 @!p0 $0x1C01  }
0x47: {  	[timem:s3], [sflag:s2] =	dma.local @!p0 [hbm:s0], s1  }
0x48: {  	s0 =	simm.s32 @!p0 $0x1  }
0x49: {  	_ =	swait.ge @!p0 [sflag:s0], s1  }
0x4a: {  	s1 =	ssub.s32 @!p0 $0x0, s1;
	[sflag:s0] =	ssyncset.done @!p0 $0x0  }
0x4b: {  	[sflag:s0] =	ssyncadd.s32 @!p0 s1  }
0x4c: {  	[bflag:$0x3] =	sbarrier.arrive $0xFFFF  }
0x4d: {  	_ =	shalt  }

</sc_bundles>
